<compile_context>
chip_gen: v7x
topology: tpu7x:2x2x1
jax: 0.10.2.dev20260603
libtpu: 0.0.44.dev20260713+nightly
codegen_flags: <defaults>
</compile_context>

<pallas_src>
import jax
import jax.numpy as jnp
from jax import lax
from jax.experimental import pallas as pl
from jax.experimental.pallas import tpu as pltpu
from jax.experimental.pallas import tpu_sc as plsc

_N = 10000
_E = 320000
_NC = 2
_NS = 16
_NW = _NC * _NS
_CH = 128
_NCHUNK = 80
_EPW = _CH * _NCHUNK
_EPAD = _NW * _EPW
_NPAD = _N + 16
_RPT = 624
_REM = _N - _NS * _RPT


def _make_sc_agg(d, gather):
  mesh = plsc.VectorSubcoreMesh(core_axis_name="c", subcore_axis_name="s")
  out_type = [jax.ShapeDtypeStruct((_NC, _N, d), jnp.float32)]
  scratch = [
      pltpu.VMEM_SHARED((_NPAD, d), jnp.float32),
      pltpu.VMEM((_CH, d), jnp.float32),
  ]
  if gather:
    scratch += [
        pltpu.VMEM((_CH, d), jnp.float32),
        pltpu.VMEM((_CH,), jnp.int32),
        pltpu.VMEM((_CH,), jnp.int32),
        pltpu.VMEM((_CH,), jnp.int32),
        pltpu.VMEM((_CH,), jnp.int32),
        pltpu.SemaphoreType.DMA,
        pltpu.SemaphoreType.DMA,
    ]
  else:
    scratch.append(pltpu.VMEM((_CH,), jnp.int32))

  def body(*refs):
    if gather:
      (h, srcp, dstp, zrows, out_acc,
       acc_sh, bufA, bufB, isA, idA, isB, idB, semA, semB) = refs
    else:
      (ones_hbm, dstp, zrows, out_acc, acc_sh, bufA, idA) = refs

    c = lax.axis_index("c")
    s = lax.axis_index("s")
    wid = s * _NC + c
    row0 = s * _RPT

    pltpu.sync_copy(zrows, acc_sh.at[pl.ds(row0, _RPT)])

    @pl.when(s == _NS - 1)
    def _():
      pltpu.sync_copy(zrows.at[pl.ds(0, _NPAD - _NS * _RPT)],
                      acc_sh.at[pl.ds(_NS * _RPT, _NPAD - _NS * _RPT)])

    if gather:
      pltpu.sync_copy(srcp.at[wid], isA)
      pltpu.sync_copy(dstp.at[wid], idA)
    else:
      pltpu.sync_copy(ones_hbm, bufA)
    plsc.subcore_barrier()

    if gather:
      pltpu.async_copy(h.at[isA], bufA, semA)

      def step(g2, carry):
        rb = (2 * g2 + 1) * _NW + wid
        pltpu.sync_copy(srcp.at[rb], isB)
        pltpu.sync_copy(dstp.at[rb], idB)
        pltpu.async_copy(h.at[isB], bufB, semB)
        pltpu.make_async_copy(h.at[isA], bufA, semA).wait()
        pltpu.sync_copy(bufA, acc_sh.at[idA], add=True)

        @pl.when(g2 < _NCHUNK // 2 - 1)
        def _():
          ra = (2 * g2 + 2) * _NW + wid
          pltpu.sync_copy(srcp.at[ra], isA)
          pltpu.sync_copy(dstp.at[ra], idA)
          pltpu.async_copy(h.at[isA], bufA, semA)

        pltpu.make_async_copy(h.at[isB], bufB, semB).wait()
        pltpu.sync_copy(bufB, acc_sh.at[idB], add=True)
        return carry

      lax.fori_loop(0, _NCHUNK // 2, step, 0)
    else:
      def step(g, carry):
        pltpu.sync_copy(dstp.at[g * _NW + wid], idA)
        pltpu.sync_copy(bufA, acc_sh.at[idA], add=True)
        return carry

      lax.fori_loop(0, _NCHUNK, step, 0)
    plsc.subcore_barrier()

    pltpu.sync_copy(acc_sh.at[pl.ds(row0, _RPT)],
                    out_acc.at[c].at[pl.ds(row0, _RPT)])

    @pl.when(s == _NS - 1)
    def _():
      pltpu.sync_copy(acc_sh.at[pl.ds(_NS * _RPT, _REM)],
                      out_acc.at[c].at[pl.ds(_NS * _RPT, _REM)])

  k = pl.kernel(body, out_type=out_type, mesh=mesh, scratch_types=scratch,
                compiler_params=pltpu.CompilerParams(needs_layout_passes=False))
  return lambda *a: k(*a)[0]


_sc_agg128 = _make_sc_agg(128, True)
_sc_deg128 = _make_sc_agg(128, False)

_BN = 1024


def _mean(acc_ref, deg_ref):
  acc = acc_ref[0] + acc_ref[1]
  d = deg_ref[0] + deg_ref[1]
  deg = d[:, 0]
  inv = 1.0 / jnp.maximum(deg, 1.0)
  return acc * inv[:, None]


def _tc1_body(x_ref, acc_ref, deg_ref, ws_ref, wn_ref, b_ref, o_ref):
  agg = _mean(acc_ref, deg_ref)
  h = (jnp.dot(x_ref[...], ws_ref[...], preferred_element_type=jnp.float32)
       + jnp.dot(agg, wn_ref[...], preferred_element_type=jnp.float32)
       + b_ref[...])
  o_ref[...] = jnp.maximum(h, 0.0)


def _tc3_body(x_ref, acc_ref, deg_ref, ws_ref, wn_ref, b_ref, o_ref):
  agg = _mean(acc_ref, deg_ref)
  z = (jnp.dot(x_ref[...], ws_ref[...], preferred_element_type=jnp.float32)
       + jnp.dot(agg, wn_ref[...], preferred_element_type=jnp.float32)
       + b_ref[...])
  col = lax.broadcasted_iota(jnp.int32, z.shape, 1)
  valid = col < 47
  zm = jnp.where(valid, z, -1e30)
  m = jnp.max(zm, axis=1, keepdims=True)
  e = jnp.where(valid, jnp.exp(zm - m), 0.0)
  lse = jnp.log(jnp.sum(e, axis=1, keepdims=True)) + m
  o_ref[...] = z - lse


def _row_spec(d):
  return pl.BlockSpec((_BN, d), lambda i: (i, 0))


def _full_spec(r, c):
  return pl.BlockSpec((r, c), lambda i: (0, 0))


def _acc_spec(d):
  return pl.BlockSpec((_NC, _BN, d), lambda i: (0, i, 0))


_GRID = (pl.cdiv(_N, _BN),)

_tc1 = pl.pallas_call(
    _tc1_body,
    grid=_GRID,
    in_specs=[_row_spec(128), _acc_spec(128), _acc_spec(128),
              _full_spec(128, 128), _full_spec(128, 128), _full_spec(1, 128)],
    out_specs=_row_spec(128),
    out_shape=jax.ShapeDtypeStruct((_N, 128), jnp.float32),
)

_tc3 = pl.pallas_call(
    _tc3_body,
    grid=_GRID,
    in_specs=[_row_spec(128), _acc_spec(128), _acc_spec(128),
              _full_spec(128, 128), _full_spec(128, 128), _full_spec(1, 128)],
    out_specs=_row_spec(128),
    out_shape=jax.ShapeDtypeStruct((_N, 128), jnp.float32),
)


def kernel(x, edge_index, Ws1, Wn1, b1, Ws2, Wn2, b2, Ws3, Wn3, b3):
  src = edge_index[0].astype(jnp.int32)
  dst = edge_index[1].astype(jnp.int32)
  pad = _EPAD - _E
  ar = jnp.arange(pad, dtype=jnp.int32)
  pad_src = (ar * 97) % _N
  pad_dst = _N + (ar // _CH) % 16
  srcp = jnp.concatenate([src, pad_src]).reshape(_NW * _NCHUNK, _CH)
  dstp = jnp.concatenate([dst, pad_dst]).reshape(_NW * _NCHUNK, _CH)
  z128 = jnp.zeros((_RPT, 128), jnp.float32)
  ones_blk = jnp.ones((_CH, 128), jnp.float32)

  degacc = _sc_deg128(ones_blk, dstp, z128)
  accx = _sc_agg128(x, srcp, dstp, z128)
  h1 = _tc1(x, accx, degacc, Ws1, Wn1, b1.reshape(1, -1))

  acch = _sc_agg128(h1, srcp, dstp, z128)
  h2 = _tc1(h1, acch, degacc, Ws2, Wn2, b2.reshape(1, -1))

  acc2 = _sc_agg128(h2, srcp, dstp, z128)
  ws3p = jnp.zeros((128, 128), jnp.float32).at[:, :47].set(Ws3)
  wn3p = jnp.zeros((128, 128), jnp.float32).at[:, :47].set(Wn3)
  b3p = jnp.zeros((1, 128), jnp.float32).at[0, :47].set(b3)
  z = _tc3(h2, acc2, degacc, ws3p, wn3p, b3p)
  return z[:, :47]

# --- scband reference (transcript-rebuilt; emitter-appended) ---
"""Pipeline reference for scband-graph-sage-16501264351517 (READ-ONLY COPY).

The authoritative reference and input builder live on the scoring server;
editing this copy changes nothing except your own understanding.
"""

import jax, jax.numpy as jnp
import numpy as np

N = 10000
E = 320000
D_IN = 128
D_H = 128
N_CLS = 47


def setup_inputs(seed: int = 0) -> dict:
    key = jax.random.key(seed)
    ks = jax.random.split(key, 12)
    x = jax.random.normal(ks[0], (N, D_IN), dtype=jnp.float32)
    edge_index = jax.random.randint(ks[1], (2, E), 0, N, dtype=jnp.int64)
    s1 = 1.0 / np.sqrt(D_IN)
    s2 = 1.0 / np.sqrt(D_H)
    Ws1 = jax.random.uniform(ks[2], (D_IN, D_H), jnp.float32, -s1, s1)
    Wn1 = jax.random.uniform(ks[3], (D_IN, D_H), jnp.float32, -s1, s1)
    b1 = jnp.zeros((D_H,), jnp.float32)
    Ws2 = jax.random.uniform(ks[4], (D_H, D_H), jnp.float32, -s2, s2)
    Wn2 = jax.random.uniform(ks[5], (D_H, D_H), jnp.float32, -s2, s2)
    b2 = jnp.zeros((D_H,), jnp.float32)
    Ws3 = jax.random.uniform(ks[6], (D_H, N_CLS), jnp.float32, -s2, s2)
    Wn3 = jax.random.uniform(ks[7], (D_H, N_CLS), jnp.float32, -s2, s2)
    b3 = jnp.zeros((N_CLS,), jnp.float32)
    return {"x": x, "edge_index": edge_index, "Ws1": Ws1, "Wn1": Wn1, "b1": b1,
            "Ws2": Ws2, "Wn2": Wn2, "b2": b2, "Ws3": Ws3, "Wn3": Wn3, "b3": b3}


def _sage_mean_layer(h, src, dst, Ws, Wn, b):
    # SAGEConv with mean aggregator: fc_self(h) + fc_neigh(mean over in-neighbors)
    msgs = h[src]  # gather, [E, d]
    agg_sum = jax.ops.segment_sum(msgs, dst, num_segments=N)
    deg = jax.ops.segment_sum(jnp.ones((src.shape[0],), jnp.float32), dst, num_segments=N)
    agg = agg_sum / jnp.clip(deg, 1.0)[:, None]
    return h @ Ws + agg @ Wn + b


def reference(x, edge_index, Ws1, Wn1, b1, Ws2, Wn2, b2, Ws3, Wn3, b3):
    src = edge_index[0]
    dst = edge_index[1]
    h = _sage_mean_layer(x, src, dst, Ws1, Wn1, b1)
    h = jax.nn.relu(h)
    h = _sage_mean_layer(h, src, dst, Ws2, Wn2, b2)
    h = jax.nn.relu(h)
    h = _sage_mean_layer(h, src, dst, Ws3, Wn3, b3)
    return jax.nn.log_softmax(h, axis=-1)

if __name__ == "__main__":
    import jax
    _d = setup_inputs()
    print(jax.jit(kernel)(*tuple(_d.values())))

</pallas_src>

<mosaic_0001>
#map = affine_map<(d0, d1) -> (0, 0)>
#map1 = affine_map<(d0, d1) -> (0, 0, 0)>
module attributes {stable_mosaic.version = 14 : i64} {
  func.func @body(%arg0: i32, %arg1: i32, %arg2: memref<10000x128xf32, #tpu.memory_space<hbm>>, %arg3: memref<2560x128xi32, #tpu.memory_space<hbm>>, %arg4: memref<2560x128xi32, #tpu.memory_space<hbm>>, %arg5: memref<624x128xf32, #tpu.memory_space<hbm>>, %arg6: memref<2x10000x128xf32, #tpu.memory_space<hbm>>, %arg7: memref<10016x128xf32, #tpu.memory_space<vmem_shared>>, %arg8: memref<128x128xf32, #tpu.memory_space<vmem>>, %arg9: memref<128x128xf32, #tpu.memory_space<vmem>>, %arg10: memref<128xi32, #tpu.memory_space<vmem>>, %arg11: memref<128xi32, #tpu.memory_space<vmem>>, %arg12: memref<128xi32, #tpu.memory_space<vmem>>, %arg13: memref<128xi32, #tpu.memory_space<vmem>>, %arg14: memref<!tpu.dma_semaphore, #tpu.memory_space<semaphore_mem>>, %arg15: memref<!tpu.dma_semaphore, #tpu.memory_space<semaphore_mem>>) attributes {dimension_semantics = [#tpu.dimension_semantics<core_parallel>, #tpu.dimension_semantics<subcore_parallel>], iteration_bounds = array<i64: 2, 16>, scalar_prefetch = 0 : i64, scratch_operands = 9 : i64, tpu.core_type = #tpu.core_type<sc_vector_subcore>, window_params = [{transform_indices = #map}, {transform_indices = #map}, {transform_indices = #map}, {transform_indices = #map}, {transform_indices = #map1}]} {
    %mul3A = arith.constant 2 : i32
    %mul3A_0 = arith.muli %arg1, %mul3A : i32
    %add3A = arith.addi %mul3A_0, %arg0 : i32
    %mul3A_1 = arith.constant 624 : i32
    %mul3A_2 = arith.muli %arg1, %mul3A_1 : i32
    "tpu.region"() ({
      %run_scoped3A = tpu.sem_alloc : memref<!tpu.dma_semaphore, #tpu.memory_space<semaphore_mem>>
      %dma_start3A_18 = arith.constant 0 : i32
      %dma_start3A_19 = tpu.memref_slice %arg7[%mul3A_2, %dma_start3A_18] : memref<10016x128xf32, #tpu.memory_space<vmem_shared>> -> memref<624x128xf32, #tpu.memory_space<vmem_shared>>
      tpu.enqueue_dma source(%arg5 : memref<624x128xf32, #tpu.memory_space<hbm>>) target(%dma_start3A_19 : memref<624x128xf32, #tpu.memory_space<vmem_shared>>) target_semaphore(%run_scoped3A : memref<!tpu.dma_semaphore, #tpu.memory_space<semaphore_mem>>)
      %dma_wait3A = arith.constant 0 : i32
      %dma_wait3A_20 = tpu.memref_slice %arg7[%mul3A_2, %dma_wait3A] : memref<10016x128xf32, #tpu.memory_space<vmem_shared>> -> memref<624x128xf32, #tpu.memory_space<vmem_shared>>
      tpu.wait_dma2 semaphore(%run_scoped3A : memref<!tpu.dma_semaphore, #tpu.memory_space<semaphore_mem>>) src(%arg5 : memref<624x128xf32, #tpu.memory_space<hbm>>) dst(%dma_wait3A_20 : memref<624x128xf32, #tpu.memory_space<vmem_shared>>)
      tpu.yield
    }) : () -> ()
    %eq3A = arith.constant 15 : i32
    %eq3A_3 = arith.cmpi eq, %arg1, %eq3A : i32
    %convert_element_type3A = arith.extui %eq3A_3 : i1 to i32
    %cond3A = arith.constant 0 : i32
    %cond3A_4 = arith.cmpi ne, %convert_element_type3A, %cond3A : i32
    scf.if %cond3A_4 {
      "tpu.region"() ({
        %run_scoped3A = tpu.sem_alloc : memref<!tpu.dma_semaphore, #tpu.memory_space<semaphore_mem>>
        %dma_start3A_18 = arith.constant 9984 : i32
        %dma_start3A_19 = arith.constant 0 : i32
        %dma_start3A_20 = tpu.memref_slice %arg7[%dma_start3A_18, %dma_start3A_19] : memref<10016x128xf32, #tpu.memory_space<vmem_shared>> -> memref<32x128xf32, #tpu.memory_space<vmem_shared>>
        %dma_start3A_21 = arith.constant 0 : i32
        %dma_start3A_22 = arith.constant 0 : i32
        %dma_start3A_23 = tpu.memref_slice %arg5[%dma_start3A_21, %dma_start3A_22] : memref<624x128xf32, #tpu.memory_space<hbm>> -> memref<32x128xf32, #tpu.memory_space<hbm>>
        tpu.enqueue_dma source(%dma_start3A_23 : memref<32x128xf32, #tpu.memory_space<hbm>>) target(%dma_start3A_20 : memref<32x128xf32, #tpu.memory_space<vmem_shared>>) target_semaphore(%run_scoped3A : memref<!tpu.dma_semaphore, #tpu.memory_space<semaphore_mem>>)
        %dma_wait3A = arith.constant 9984 : i32
        %dma_wait3A_24 = arith.constant 0 : i32
        %dma_wait3A_25 = tpu.memref_slice %arg7[%dma_wait3A, %dma_wait3A_24] : memref<10016x128xf32, #tpu.memory_space<vmem_shared>> -> memref<32x128xf32, #tpu.memory_space<vmem_shared>>
        %dma_wait3A_26 = arith.constant 0 : i32
        %dma_wait3A_27 = arith.constant 0 : i32
        %dma_wait3A_28 = tpu.memref_slice %arg5[%dma_wait3A_26, %dma_wait3A_27] : memref<624x128xf32, #tpu.memory_space<hbm>> -> memref<32x128xf32, #tpu.memory_space<hbm>>
        tpu.wait_dma2 semaphore(%run_scoped3A : memref<!tpu.dma_semaphore, #tpu.memory_space<semaphore_mem>>) src(%dma_wait3A_28 : memref<32x128xf32, #tpu.memory_space<hbm>>) dst(%dma_wait3A_25 : memref<32x128xf32, #tpu.memory_space<vmem_shared>>)
        tpu.yield
      }) : () -> ()
    } else {
    }
    "tpu.region"() ({
      %run_scoped3A = tpu.sem_alloc : memref<!tpu.dma_semaphore, #tpu.memory_space<semaphore_mem>>
      %dma_start3A_18 = arith.constant 0 : i32
      %dma_start3A_19 = tpu.memref_slice %arg3[%add3A, %dma_start3A_18] : memref<2560x128xi32, #tpu.memory_space<hbm>> -> memref<1x128xi32, #tpu.memory_space<hbm>>
      %dma_start3A_20 = tpu.memref_squeeze %dma_start3A_19 : memref<1x128xi32, #tpu.memory_space<hbm>> -> memref<128xi32, #tpu.memory_space<hbm>>
      %dma_start3A_21 = arith.constant 0 : i32
      %dma_start3A_22 = tpu.memref_slice %arg3[%add3A, %dma_start3A_21] : memref<2560x128xi32, #tpu.memory_space<hbm>> -> memref<1x128xi32, #tpu.memory_space<hbm>>
      %dma_start3A_23 = tpu.memref_squeeze %dma_start3A_22 : memref<1x128xi32, #tpu.memory_space<hbm>> -> memref<128xi32, #tpu.memory_space<hbm>>
      tpu.enqueue_dma source(%dma_start3A_23 : memref<128xi32, #tpu.memory_space<hbm>>) target(%arg10 : memref<128xi32, #tpu.memory_space<vmem>>) target_semaphore(%run_scoped3A : memref<!tpu.dma_semaphore, #tpu.memory_space<semaphore_mem>>)
      %dma_wait3A = arith.constant 0 : i32
      %dma_wait3A_24 = tpu.memref_slice %arg3[%add3A, %dma_wait3A] : memref<2560x128xi32, #tpu.memory_space<hbm>> -> memref<1x128xi32, #tpu.memory_space<hbm>>
      %dma_wait3A_25 = tpu.memref_squeeze %dma_wait3A_24 : memref<1x128xi32, #tpu.memory_space<hbm>> -> memref<128xi32, #tpu.memory_space<hbm>>
      %dma_wait3A_26 = arith.constant 0 : i32
      %dma_wait3A_27 = tpu.memref_slice %arg3[%add3A, %dma_wait3A_26] : memref<2560x128xi32, #tpu.memory_space<hbm>> -> memref<1x128xi32, #tpu.memory_space<hbm>>
      %dma_wait3A_28 = tpu.memref_squeeze %dma_wait3A_27 : memref<1x128xi32, #tpu.memory_space<hbm>> -> memref<128xi32, #tpu.memory_space<hbm>>
      tpu.wait_dma2 semaphore(%run_scoped3A : memref<!tpu.dma_semaphore, #tpu.memory_space<semaphore_mem>>) src(%dma_wait3A_28 : memref<128xi32, #tpu.memory_space<hbm>>) dst(%arg10 : memref<128xi32, #tpu.memory_space<vmem>>)
      tpu.yield
    }) : () -> ()
    "tpu.region"() ({
      %run_scoped3A = tpu.sem_alloc : memref<!tpu.dma_semaphore, #tpu.memory_space<semaphore_mem>>
      %dma_start3A_18 = arith.constant 0 : i32
      %dma_start3A_19 = tpu.memref_slice %arg4[%add3A, %dma_start3A_18] : memref<2560x128xi32, #tpu.memory_space<hbm>> -> memref<1x128xi32, #tpu.memory_space<hbm>>
      %dma_start3A_20 = tpu.memref_squeeze %dma_start3A_19 : memref<1x128xi32, #tpu.memory_space<hbm>> -> memref<128xi32, #tpu.memory_space<hbm>>
      %dma_start3A_21 = arith.constant 0 : i32
      %dma_start3A_22 = tpu.memref_slice %arg4[%add3A, %dma_start3A_21] : memref<2560x128xi32, #tpu.memory_space<hbm>> -> memref<1x128xi32, #tpu.memory_space<hbm>>
      %dma_start3A_23 = tpu.memref_squeeze %dma_start3A_22 : memref<1x128xi32, #tpu.memory_space<hbm>> -> memref<128xi32, #tpu.memory_space<hbm>>
      tpu.enqueue_dma source(%dma_start3A_23 : memref<128xi32, #tpu.memory_space<hbm>>) target(%arg11 : memref<128xi32, #tpu.memory_space<vmem>>) target_semaphore(%run_scoped3A : memref<!tpu.dma_semaphore, #tpu.memory_space<semaphore_mem>>)
      %dma_wait3A = arith.constant 0 : i32
      %dma_wait3A_24 = tpu.memref_slice %arg4[%add3A, %dma_wait3A] : memref<2560x128xi32, #tpu.memory_space<hbm>> -> memref<1x128xi32, #tpu.memory_space<hbm>>
      %dma_wait3A_25 = tpu.memref_squeeze %dma_wait3A_24 : memref<1x128xi32, #tpu.memory_space<hbm>> -> memref<128xi32, #tpu.memory_space<hbm>>
      %dma_wait3A_26 = arith.constant 0 : i32
      %dma_wait3A_27 = tpu.memref_slice %arg4[%add3A, %dma_wait3A_26] : memref<2560x128xi32, #tpu.memory_space<hbm>> -> memref<1x128xi32, #tpu.memory_space<hbm>>
      %dma_wait3A_28 = tpu.memref_squeeze %dma_wait3A_27 : memref<1x128xi32, #tpu.memory_space<hbm>> -> memref<128xi32, #tpu.memory_space<hbm>>
      tpu.wait_dma2 semaphore(%run_scoped3A : memref<!tpu.dma_semaphore, #tpu.memory_space<semaphore_mem>>) src(%dma_wait3A_28 : memref<128xi32, #tpu.memory_space<hbm>>) dst(%arg11 : memref<128xi32, #tpu.memory_space<vmem>>)
      tpu.yield
    }) : () -> ()
    %barrier3A = arith.constant 0 : index
    tpu.barrier barrier_id(%barrier3A)
    %dma_start3A = arith.constant 0 : i32
    %dma_start3A_5 = arith.constant 0 : i32
    %dma_start3A_6 = tpu.memref_slice %arg2[%dma_start3A, %dma_start3A_5] : memref<10000x128xf32, #tpu.memory_space<hbm>> -> memref<10000x128xf32, #tpu.memory_space<hbm>>
    tpu.enqueue_indirect_dma source(%dma_start3A_6 : memref<10000x128xf32, #tpu.memory_space<hbm>>) target(%arg8 : memref<128x128xf32, #tpu.memory_space<vmem>>) offsets(%arg10 : memref<128xi32, #tpu.memory_space<vmem>>) semaphore(%arg14 : memref<!tpu.dma_semaphore, #tpu.memory_space<semaphore_mem>>)
    %scan3A = arith.constant 0 : i32
    %scan3A_7 = arith.constant 0 : i32
    %scan3A_8 = arith.constant 40 : i32
    %scan3A_9 = arith.addi %scan3A_7, %scan3A_8 : i32
    %scan3A_10 = arith.constant 1 : i32
    scf.for %scan3A_18 = %scan3A_7 to %scan3A_9 step %scan3A_10  : i32 {
      %mul3A_19 = arith.constant 2 : i32
      %mul3A_20 = arith.muli %mul3A_19, %scan3A_18 : i32
      %add3A_21 = arith.constant 1 : i32
      %add3A_22 = arith.addi %mul3A_20, %add3A_21 : i32
      %mul3A_23 = arith.constant 32 : i32
      %mul3A_24 = arith.muli %add3A_22, %mul3A_23 : i32
      %add3A_25 = arith.addi %mul3A_24, %add3A : i32
      "tpu.region"() ({
        %run_scoped3A = tpu.sem_alloc : memref<!tpu.dma_semaphore, #tpu.memory_space<semaphore_mem>>
        %dma_start3A_38 = arith.constant 0 : i32
        %dma_start3A_39 = tpu.memref_slice %arg3[%add3A_25, %dma_start3A_38] : memref<2560x128xi32, #tpu.memory_space<hbm>> -> memref<1x128xi32, #tpu.memory_space<hbm>>
        %dma_start3A_40 = tpu.memref_squeeze %dma_start3A_39 : memref<1x128xi32, #tpu.memory_space<hbm>> -> memref<128xi32, #tpu.memory_space<hbm>>
        %dma_start3A_41 = arith.constant 0 : i32
        %dma_start3A_42 = tpu.memref_slice %arg3[%add3A_25, %dma_start3A_41] : memref<2560x128xi32, #tpu.memory_space<hbm>> -> memref<1x128xi32, #tpu.memory_space<hbm>>
        %dma_start3A_43 = tpu.memref_squeeze %dma_start3A_42 : memref<1x128xi32, #tpu.memory_space<hbm>> -> memref<128xi32, #tpu.memory_space<hbm>>
        tpu.enqueue_dma source(%dma_start3A_43 : memref<128xi32, #tpu.memory_space<hbm>>) target(%arg12 : memref<128xi32, #tpu.memory_space<vmem>>) target_semaphore(%run_scoped3A : memref<!tpu.dma_semaphore, #tpu.memory_space<semaphore_mem>>)
        %dma_wait3A_44 = arith.constant 0 : i32
        %dma_wait3A_45 = tpu.memref_slice %arg3[%add3A_25, %dma_wait3A_44] : memref<2560x128xi32, #tpu.memory_space<hbm>> -> memref<1x128xi32, #tpu.memory_space<hbm>>
        %dma_wait3A_46 = tpu.memref_squeeze %dma_wait3A_45 : memref<1x128xi32, #tpu.memory_space<hbm>> -> memref<128xi32, #tpu.memory_space<hbm>>
        %dma_wait3A_47 = arith.constant 0 : i32
        %dma_wait3A_48 = tpu.memref_slice %arg3[%add3A_25, %dma_wait3A_47] : memref<2560x128xi32, #tpu.memory_space<hbm>> -> memref<1x128xi32, #tpu.memory_space<hbm>>
        %dma_wait3A_49 = tpu.memref_squeeze %dma_wait3A_48 : memref<1x128xi32, #tpu.memory_space<hbm>> -> memref<128xi32, #tpu.memory_space<hbm>>
        tpu.wait_dma2 semaphore(%run_scoped3A : memref<!tpu.dma_semaphore, #tpu.memory_space<semaphore_mem>>) src(%dma_wait3A_49 : memref<128xi32, #tpu.memory_space<hbm>>) dst(%arg12 : memref<128xi32, #tpu.memory_space<vmem>>)
        tpu.yield
      }) : () -> ()
      "tpu.region"() ({
        %run_scoped3A = tpu.sem_alloc : memref<!tpu.dma_semaphore, #tpu.memory_space<semaphore_mem>>
        %dma_start3A_38 = arith.constant 0 : i32
        %dma_start3A_39 = tpu.memref_slice %arg4[%add3A_25, %dma_start3A_38] : memref<2560x128xi32, #tpu.memory_space<hbm>> -> memref<1x128xi32, #tpu.memory_space<hbm>>
        %dma_start3A_40 = tpu.memref_squeeze %dma_start3A_39 : memref<1x128xi32, #tpu.memory_space<hbm>> -> memref<128xi32, #tpu.memory_space<hbm>>
        %dma_start3A_41 = arith.constant 0 : i32
        %dma_start3A_42 = tpu.memref_slice %arg4[%add3A_25, %dma_start3A_41] : memref<2560x128xi32, #tpu.memory_space<hbm>> -> memref<1x128xi32, #tpu.memory_space<hbm>>
        %dma_start3A_43 = tpu.memref_squeeze %dma_start3A_42 : memref<1x128xi32, #tpu.memory_space<hbm>> -> memref<128xi32, #tpu.memory_space<hbm>>
        tpu.enqueue_dma source(%dma_start3A_43 : memref<128xi32, #tpu.memory_space<hbm>>) target(%arg13 : memref<128xi32, #tpu.memory_space<vmem>>) target_semaphore(%run_scoped3A : memref<!tpu.dma_semaphore, #tpu.memory_space<semaphore_mem>>)
        %dma_wait3A_44 = arith.constant 0 : i32
        %dma_wait3A_45 = tpu.memref_slice %arg4[%add3A_25, %dma_wait3A_44] : memref<2560x128xi32, #tpu.memory_space<hbm>> -> memref<1x128xi32, #tpu.memory_space<hbm>>
        %dma_wait3A_46 = tpu.memref_squeeze %dma_wait3A_45 : memref<1x128xi32, #tpu.memory_space<hbm>> -> memref<128xi32, #tpu.memory_space<hbm>>
        %dma_wait3A_47 = arith.constant 0 : i32
        %dma_wait3A_48 = tpu.memref_slice %arg4[%add3A_25, %dma_wait3A_47] : memref<2560x128xi32, #tpu.memory_space<hbm>> -> memref<1x128xi32, #tpu.memory_space<hbm>>
        %dma_wait3A_49 = tpu.memref_squeeze %dma_wait3A_48 : memref<1x128xi32, #tpu.memory_space<hbm>> -> memref<128xi32, #tpu.memory_space<hbm>>
        tpu.wait_dma2 semaphore(%run_scoped3A : memref<!tpu.dma_semaphore, #tpu.memory_space<semaphore_mem>>) src(%dma_wait3A_49 : memref<128xi32, #tpu.memory_space<hbm>>) dst(%arg13 : memref<128xi32, #tpu.memory_space<vmem>>)
        tpu.yield
      }) : () -> ()
      %dma_start3A_26 = arith.constant 0 : i32
      %dma_start3A_27 = arith.constant 0 : i32
      %dma_start3A_28 = tpu.memref_slice %arg2[%dma_start3A_26, %dma_start3A_27] : memref<10000x128xf32, #tpu.memory_space<hbm>> -> memref<10000x128xf32, #tpu.memory_space<hbm>>
      tpu.enqueue_indirect_dma source(%dma_start3A_28 : memref<10000x128xf32, #tpu.memory_space<hbm>>) target(%arg9 : memref<128x128xf32, #tpu.memory_space<vmem>>) offsets(%arg12 : memref<128xi32, #tpu.memory_space<vmem>>) semaphore(%arg15 : memref<!tpu.dma_semaphore, #tpu.memory_space<semaphore_mem>>)
      %dma_wait3A = arith.constant 0 : i32
      %dma_wait3A_29 = arith.constant 0 : i32
      %dma_wait3A_30 = tpu.memref_slice %arg2[%dma_wait3A, %dma_wait3A_29] : memref<10000x128xf32, #tpu.memory_space<hbm>> -> memref<10000x128xf32, #tpu.memory_space<hbm>>
      tpu.wait_indirect_dma semaphore(%arg14 : memref<!tpu.dma_semaphore, #tpu.memory_space<semaphore_mem>>) src(%dma_wait3A_30 : memref<10000x128xf32, #tpu.memory_space<hbm>>) dst(%arg8 : memref<128x128xf32, #tpu.memory_space<vmem>>)
      "tpu.region"() ({
        %run_scoped3A = tpu.sem_alloc : memref<!tpu.dma_semaphore, #tpu.memory_space<semaphore_mem>>
        %dma_start3A_38 = arith.constant 0 : i32
        %dma_start3A_39 = arith.constant 0 : i32
        %dma_start3A_40 = tpu.memref_slice %arg7[%dma_start3A_38, %dma_start3A_39] : memref<10016x128xf32, #tpu.memory_space<vmem_shared>> -> memref<10016x128xf32, #tpu.memory_space<vmem_shared>>
        tpu.enqueue_indirect_dma source(%arg8 : memref<128x128xf32, #tpu.memory_space<vmem>>) target(%dma_start3A_40 : memref<10016x128xf32, #tpu.memory_space<vmem_shared>>) offsets(%arg11 : memref<128xi32, #tpu.memory_space<vmem>>) semaphore(%run_scoped3A : memref<!tpu.dma_semaphore, #tpu.memory_space<semaphore_mem>>) {add = true}
        %dma_wait3A_41 = arith.constant 0 : i32
        %dma_wait3A_42 = arith.constant 0 : i32
        %dma_wait3A_43 = tpu.memref_slice %arg7[%dma_wait3A_41, %dma_wait3A_42] : memref<10016x128xf32, #tpu.memory_space<vmem_shared>> -> memref<10016x128xf32, #tpu.memory_space<vmem_shared>>
        tpu.wait_indirect_dma semaphore(%run_scoped3A : memref<!tpu.dma_semaphore, #tpu.memory_space<semaphore_mem>>) src(%arg8 : memref<128x128xf32, #tpu.memory_space<vmem>>) dst(%dma_wait3A_43 : memref<10016x128xf32, #tpu.memory_space<vmem_shared>>)
        tpu.yield
      }) : () -> ()
      %lt3A = arith.constant 39 : i32
      %lt3A_31 = arith.cmpi slt, %scan3A_18, %lt3A : i32
      %convert_element_type3A_32 = arith.extui %lt3A_31 : i1 to i32
      %cond3A_33 = arith.constant 0 : i32
      %cond3A_34 = arith.cmpi ne, %convert_element_type3A_32, %cond3A_33 : i32
      scf.if %cond3A_34 {
        %mul3A_38 = arith.constant 2 : i32
        %mul3A_39 = arith.muli %mul3A_38, %scan3A_18 : i32
        %add3A_40 = arith.constant 2 : i32
        %add3A_41 = arith.addi %mul3A_39, %add3A_40 : i32
        %mul3A_42 = arith.constant 32 : i32
        %mul3A_43 = arith.muli %add3A_41, %mul3A_42 : i32
        %add3A_44 = arith.addi %mul3A_43, %add3A : i32
        "tpu.region"() ({
          %run_scoped3A = tpu.sem_alloc : memref<!tpu.dma_semaphore, #tpu.memory_space<semaphore_mem>>
          %dma_start3A_48 = arith.constant 0 : i32
          %dma_start3A_49 = tpu.memref_slice %arg3[%add3A_44, %dma_start3A_48] : memref<2560x128xi32, #tpu.memory_space<hbm>> -> memref<1x128xi32, #tpu.memory_space<hbm>>
          %dma_start3A_50 = tpu.memref_squeeze %dma_start3A_49 : memref<1x128xi32, #tpu.memory_space<hbm>> -> memref<128xi32, #tpu.memory_space<hbm>>
          %dma_start3A_51 = arith.constant 0 : i32
          %dma_start3A_52 = tpu.memref_slice %arg3[%add3A_44, %dma_start3A_51] : memref<2560x128xi32, #tpu.memory_space<hbm>> -> memref<1x128xi32, #tpu.memory_space<hbm>>
          %dma_start3A_53 = tpu.memref_squeeze %dma_start3A_52 : memref<1x128xi32, #tpu.memory_space<hbm>> -> memref<128xi32, #tpu.memory_space<hbm>>
          tpu.enqueue_dma source(%dma_start3A_53 : memref<128xi32, #tpu.memory_space<hbm>>) target(%arg10 : memref<128xi32, #tpu.memory_space<vmem>>) target_semaphore(%run_scoped3A : memref<!tpu.dma_semaphore, #tpu.memory_space<semaphore_mem>>)
          %dma_wait3A_54 = arith.constant 0 : i32
          %dma_wait3A_55 = tpu.memref_slice %arg3[%add3A_44, %dma_wait3A_54] : memref<2560x128xi32, #tpu.memory_space<hbm>> -> memref<1x128xi32, #tpu.memory_space<hbm>>
          %dma_wait3A_56 = tpu.memref_squeeze %dma_wait3A_55 : memref<1x128xi32, #tpu.memory_space<hbm>> -> memref<128xi32, #tpu.memory_space<hbm>>
          %dma_wait3A_57 = arith.constant 0 : i32
          %dma_wait3A_58 = tpu.memref_slice %arg3[%add3A_44, %dma_wait3A_57] : memref<2560x128xi32, #tpu.memory_space<hbm>> -> memref<1x128xi32, #tpu.memory_space<hbm>>
          %dma_wait3A_59 = tpu.memref_squeeze %dma_wait3A_58 : memref<1x128xi32, #tpu.memory_space<hbm>> -> memref<128xi32, #tpu.memory_space<hbm>>
          tpu.wait_dma2 semaphore(%run_scoped3A : memref<!tpu.dma_semaphore, #tpu.memory_space<semaphore_mem>>) src(%dma_wait3A_59 : memref<128xi32, #tpu.memory_space<hbm>>) dst(%arg10 : memref<128xi32, #tpu.memory_space<vmem>>)
          tpu.yield
        }) : () -> ()
        "tpu.region"() ({
          %run_scoped3A = tpu.sem_alloc : memref<!tpu.dma_semaphore, #tpu.memory_space<semaphore_mem>>
          %dma_start3A_48 = arith.constant 0 : i32
          %dma_start3A_49 = tpu.memref_slice %arg4[%add3A_44, %dma_start3A_48] : memref<2560x128xi32, #tpu.memory_space<hbm>> -> memref<1x128xi32, #tpu.memory_space<hbm>>
          %dma_start3A_50 = tpu.memref_squeeze %dma_start3A_49 : memref<1x128xi32, #tpu.memory_space<hbm>> -> memref<128xi32, #tpu.memory_space<hbm>>
          %dma_start3A_51 = arith.constant 0 : i32
          %dma_start3A_52 = tpu.memref_slice %arg4[%add3A_44, %dma_start3A_51] : memref<2560x128xi32, #tpu.memory_space<hbm>> -> memref<1x128xi32, #tpu.memory_space<hbm>>
          %dma_start3A_53 = tpu.memref_squeeze %dma_start3A_52 : memref<1x128xi32, #tpu.memory_space<hbm>> -> memref<128xi32, #tpu.memory_space<hbm>>
          tpu.enqueue_dma source(%dma_start3A_53 : memref<128xi32, #tpu.memory_space<hbm>>) target(%arg11 : memref<128xi32, #tpu.memory_space<vmem>>) target_semaphore(%run_scoped3A : memref<!tpu.dma_semaphore, #tpu.memory_space<semaphore_mem>>)
          %dma_wait3A_54 = arith.constant 0 : i32
          %dma_wait3A_55 = tpu.memref_slice %arg4[%add3A_44, %dma_wait3A_54] : memref<2560x128xi32, #tpu.memory_space<hbm>> -> memref<1x128xi32, #tpu.memory_space<hbm>>
          %dma_wait3A_56 = tpu.memref_squeeze %dma_wait3A_55 : memref<1x128xi32, #tpu.memory_space<hbm>> -> memref<128xi32, #tpu.memory_space<hbm>>
          %dma_wait3A_57 = arith.constant 0 : i32
          %dma_wait3A_58 = tpu.memref_slice %arg4[%add3A_44, %dma_wait3A_57] : memref<2560x128xi32, #tpu.memory_space<hbm>> -> memref<1x128xi32, #tpu.memory_space<hbm>>
          %dma_wait3A_59 = tpu.memref_squeeze %dma_wait3A_58 : memref<1x128xi32, #tpu.memory_space<hbm>> -> memref<128xi32, #tpu.memory_space<hbm>>
          tpu.wait_dma2 semaphore(%run_scoped3A : memref<!tpu.dma_semaphore, #tpu.memory_space<semaphore_mem>>) src(%dma_wait3A_59 : memref<128xi32, #tpu.memory_space<hbm>>) dst(%arg11 : memref<128xi32, #tpu.memory_space<vmem>>)
          tpu.yield
        }) : () -> ()
        %dma_start3A_45 = arith.constant 0 : i32
        %dma_start3A_46 = arith.constant 0 : i32
        %dma_start3A_47 = tpu.memref_slice %arg2[%dma_start3A_45, %dma_start3A_46] : memref<10000x128xf32, #tpu.memory_space<hbm>> -> memref<10000x128xf32, #tpu.memory_space<hbm>>
        tpu.enqueue_indirect_dma source(%dma_start3A_47 : memref<10000x128xf32, #tpu.memory_space<hbm>>) target(%arg8 : memref<128x128xf32, #tpu.memory_space<vmem>>) offsets(%arg10 : memref<128xi32, #tpu.memory_space<vmem>>) semaphore(%arg14 : memref<!tpu.dma_semaphore, #tpu.memory_space<semaphore_mem>>)
      } else {
      }
      %dma_wait3A_35 = arith.constant 0 : i32
      %dma_wait3A_36 = arith.constant 0 : i32
      %dma_wait3A_37 = tpu.memref_slice %arg2[%dma_wait3A_35, %dma_wait3A_36] : memref<10000x128xf32, #tpu.memory_space<hbm>> -> memref<10000x128xf32, #tpu.memory_space<hbm>>
      tpu.wait_indirect_dma semaphore(%arg15 : memref<!tpu.dma_semaphore, #tpu.memory_space<semaphore_mem>>) src(%dma_wait3A_37 : memref<10000x128xf32, #tpu.memory_space<hbm>>) dst(%arg9 : memref<128x128xf32, #tpu.memory_space<vmem>>)
      "tpu.region"() ({
        %run_scoped3A = tpu.sem_alloc : memref<!tpu.dma_semaphore, #tpu.memory_space<semaphore_mem>>
        %dma_start3A_38 = arith.constant 0 : i32
        %dma_start3A_39 = arith.constant 0 : i32
        %dma_start3A_40 = tpu.memref_slice %arg7[%dma_start3A_38, %dma_start3A_39] : memref<10016x128xf32, #tpu.memory_space<vmem_shared>> -> memref<10016x128xf32, #tpu.memory_space<vmem_shared>>
        tpu.enqueue_indirect_dma source(%arg9 : memref<128x128xf32, #tpu.memory_space<vmem>>) target(%dma_start3A_40 : memref<10016x128xf32, #tpu.memory_space<vmem_shared>>) offsets(%arg13 : memref<128xi32, #tpu.memory_space<vmem>>) semaphore(%run_scoped3A : memref<!tpu.dma_semaphore, #tpu.memory_space<semaphore_mem>>) {add = true}
        %dma_wait3A_41 = arith.constant 0 : i32
        %dma_wait3A_42 = arith.constant 0 : i32
        %dma_wait3A_43 = tpu.memref_slice %arg7[%dma_wait3A_41, %dma_wait3A_42] : memref<10016x128xf32, #tpu.memory_space<vmem_shared>> -> memref<10016x128xf32, #tpu.memory_space<vmem_shared>>
        tpu.wait_indirect_dma semaphore(%run_scoped3A : memref<!tpu.dma_semaphore, #tpu.memory_space<semaphore_mem>>) src(%arg9 : memref<128x128xf32, #tpu.memory_space<vmem>>) dst(%dma_wait3A_43 : memref<10016x128xf32, #tpu.memory_space<vmem_shared>>)
        tpu.yield
      }) : () -> ()
    }
    %scan3A_11 = arith.constant 40 : i32
    %barrier3A_12 = arith.constant 0 : index
    tpu.barrier barrier_id(%barrier3A_12)
    "tpu.region"() ({
      %run_scoped3A = tpu.sem_alloc : memref<!tpu.dma_semaphore, #tpu.memory_space<semaphore_mem>>
      %dma_start3A_18 = arith.constant 0 : i32
      %dma_start3A_19 = arith.constant 0 : i32
      %dma_start3A_20 = tpu.memref_slice %arg6[%arg0, %dma_start3A_18, %dma_start3A_19] : memref<2x10000x128xf32, #tpu.memory_space<hbm>> -> memref<1x10000x128xf32, #tpu.memory_space<hbm>>
      %dma_start3A_21 = tpu.memref_squeeze %dma_start3A_20 : memref<1x10000x128xf32, #tpu.memory_space<hbm>> -> memref<10000x128xf32, #tpu.memory_space<hbm>>
      %dma_start3A_22 = arith.constant 0 : i32
      %dma_start3A_23 = tpu.memref_slice %dma_start3A_21[%mul3A_2, %dma_start3A_22] : memref<10000x128xf32, #tpu.memory_space<hbm>> -> memref<624x128xf32, #tpu.memory_space<hbm>>
      %dma_start3A_24 = arith.constant 0 : i32
      %dma_start3A_25 = tpu.memref_slice %arg7[%mul3A_2, %dma_start3A_24] : memref<10016x128xf32, #tpu.memory_space<vmem_shared>> -> memref<624x128xf32, #tpu.memory_space<vmem_shared>>
      tpu.enqueue_dma source(%dma_start3A_25 : memref<624x128xf32, #tpu.memory_space<vmem_shared>>) target(%dma_start3A_23 : memref<624x128xf32, #tpu.memory_space<hbm>>) target_semaphore(%run_scoped3A : memref<!tpu.dma_semaphore, #tpu.memory_space<semaphore_mem>>)
      %dma_wait3A = arith.constant 0 : i32
      %dma_wait3A_26 = arith.constant 0 : i32
      %dma_wait3A_27 = tpu.memref_slice %arg6[%arg0, %dma_wait3A, %dma_wait3A_26] : memref<2x10000x128xf32, #tpu.memory_space<hbm>> -> memref<1x10000x128xf32, #tpu.memory_space<hbm>>
      %dma_wait3A_28 = tpu.memref_squeeze %dma_wait3A_27 : memref<1x10000x128xf32, #tpu.memory_space<hbm>> -> memref<10000x128xf32, #tpu.memory_space<hbm>>
      %dma_wait3A_29 = arith.constant 0 : i32
      %dma_wait3A_30 = tpu.memref_slice %dma_wait3A_28[%mul3A_2, %dma_wait3A_29] : memref<10000x128xf32, #tpu.memory_space<hbm>> -> memref<624x128xf32, #tpu.memory_space<hbm>>
      %dma_wait3A_31 = arith.constant 0 : i32
      %dma_wait3A_32 = tpu.memref_slice %arg7[%mul3A_2, %dma_wait3A_31] : memref<10016x128xf32, #tpu.memory_space<vmem_shared>> -> memref<624x128xf32, #tpu.memory_space<vmem_shared>>
      tpu.wait_dma2 semaphore(%run_scoped3A : memref<!tpu.dma_semaphore, #tpu.memory_space<semaphore_mem>>) src(%dma_wait3A_32 : memref<624x128xf32, #tpu.memory_space<vmem_shared>>) dst(%dma_wait3A_30 : memref<624x128xf32, #tpu.memory_space<hbm>>)
      tpu.yield
    }) : () -> ()
    %eq3A_13 = arith.constant 15 : i32
    %eq3A_14 = arith.cmpi eq, %arg1, %eq3A_13 : i32
    %convert_element_type3A_15 = arith.extui %eq3A_14 : i1 to i32
    %cond3A_16 = arith.constant 0 : i32
    %cond3A_17 = arith.cmpi ne, %convert_element_type3A_15, %cond3A_16 : i32
    scf.if %cond3A_17 {
      "tpu.region"() ({
        %run_scoped3A = tpu.sem_alloc : memref<!tpu.dma_semaphore, #tpu.memory_space<semaphore_mem>>
        %dma_start3A_18 = arith.constant 0 : i32
        %dma_start3A_19 = arith.constant 0 : i32
        %dma_start3A_20 = tpu.memref_slice %arg6[%arg0, %dma_start3A_18, %dma_start3A_19] : memref<2x10000x128xf32, #tpu.memory_space<hbm>> -> memref<1x10000x128xf32, #tpu.memory_space<hbm>>
        %dma_start3A_21 = tpu.memref_squeeze %dma_start3A_20 : memref<1x10000x128xf32, #tpu.memory_space<hbm>> -> memref<10000x128xf32, #tpu.memory_space<hbm>>
        %dma_start3A_22 = arith.constant 9984 : i32
        %dma_start3A_23 = arith.constant 0 : i32
        %dma_start3A_24 = tpu.memref_slice %dma_start3A_21[%dma_start3A_22, %dma_start3A_23] : memref<10000x128xf32, #tpu.memory_space<hbm>> -> memref<16x128xf32, #tpu.memory_space<hbm>>
        %dma_start3A_25 = arith.constant 9984 : i32
        %dma_start3A_26 = arith.constant 0 : i32
        %dma_start3A_27 = tpu.memref_slice %arg7[%dma_start3A_25, %dma_start3A_26] : memref<10016x128xf32, #tpu.memory_space<vmem_shared>> -> memref<16x128xf32, #tpu.memory_space<vmem_shared>>
        tpu.enqueue_dma source(%dma_start3A_27 : memref<16x128xf32, #tpu.memory_space<vmem_shared>>) target(%dma_start3A_24 : memref<16x128xf32, #tpu.memory_space<hbm>>) target_semaphore(%run_scoped3A : memref<!tpu.dma_semaphore, #tpu.memory_space<semaphore_mem>>)
        %dma_wait3A = arith.constant 0 : i32
        %dma_wait3A_28 = arith.constant 0 : i32
        %dma_wait3A_29 = tpu.memref_slice %arg6[%arg0, %dma_wait3A, %dma_wait3A_28] : memref<2x10000x128xf32, #tpu.memory_space<hbm>> -> memref<1x10000x128xf32, #tpu.memory_space<hbm>>
        %dma_wait3A_30 = tpu.memref_squeeze %dma_wait3A_29 : memref<1x10000x128xf32, #tpu.memory_space<hbm>> -> memref<10000x128xf32, #tpu.memory_space<hbm>>
        %dma_wait3A_31 = arith.constant 9984 : i32
        %dma_wait3A_32 = arith.constant 0 : i32
        %dma_wait3A_33 = tpu.memref_slice %dma_wait3A_30[%dma_wait3A_31, %dma_wait3A_32] : memref<10000x128xf32, #tpu.memory_space<hbm>> -> memref<16x128xf32, #tpu.memory_space<hbm>>
        %dma_wait3A_34 = arith.constant 9984 : i32
        %dma_wait3A_35 = arith.constant 0 : i32
        %dma_wait3A_36 = tpu.memref_slice %arg7[%dma_wait3A_34, %dma_wait3A_35] : memref<10016x128xf32, #tpu.memory_space<vmem_shared>> -> memref<16x128xf32, #tpu.memory_space<vmem_shared>>
        tpu.wait_dma2 semaphore(%run_scoped3A : memref<!tpu.dma_semaphore, #tpu.memory_space<semaphore_mem>>) src(%dma_wait3A_36 : memref<16x128xf32, #tpu.memory_space<vmem_shared>>) dst(%dma_wait3A_33 : memref<16x128xf32, #tpu.memory_space<hbm>>)
        tpu.yield
      }) : () -> ()
    } else {
    }
    return
  }
}

#map = affine_map<(d0, d1) -> (0, 0)>
#map1 = affine_map<(d0, d1) -> (0, 0, 0)>
module attributes {stable_mosaic.version = 14 : i64} {
  func.func @body(%arg0: i32, %arg1: i32, %arg2: memref<128x128xf32, #tpu.memory_space<hbm>>, %arg3: memref<2560x128xi32, #tpu.memory_space<hbm>>, %arg4: memref<624x128xf32, #tpu.memory_space<hbm>>, %arg5: memref<2x10000x128xf32, #tpu.memory_space<hbm>>, %arg6: memref<10016x128xf32, #tpu.memory_space<vmem_shared>>, %arg7: memref<128x128xf32, #tpu.memory_space<vmem>>, %arg8: memref<128xi32, #tpu.memory_space<vmem>>) attributes {dimension_semantics = [#tpu.dimension_semantics<core_parallel>, #tpu.dimension_semantics<subcore_parallel>], iteration_bounds = array<i64: 2, 16>, scalar_prefetch = 0 : i64, scratch_operands = 3 : i64, tpu.core_type = #tpu.core_type<sc_vector_subcore>, window_params = [{transform_indices = #map}, {transform_indices = #map}, {transform_indices = #map}, {transform_indices = #map1}]} {
    %mul3A = arith.constant 2 : i32
    %mul3A_0 = arith.muli %arg1, %mul3A : i32
    %add3A = arith.addi %mul3A_0, %arg0 : i32
    %mul3A_1 = arith.constant 624 : i32
    %mul3A_2 = arith.muli %arg1, %mul3A_1 : i32
    "tpu.region"() ({
      %run_scoped3A = tpu.sem_alloc : memref<!tpu.dma_semaphore, #tpu.memory_space<semaphore_mem>>
      %dma_start3A = arith.constant 0 : i32
      %dma_start3A_16 = tpu.memref_slice %arg6[%mul3A_2, %dma_start3A] : memref<10016x128xf32, #tpu.memory_space<vmem_shared>> -> memref<624x128xf32, #tpu.memory_space<vmem_shared>>
      tpu.enqueue_dma source(%arg4 : memref<624x128xf32, #tpu.memory_space<hbm>>) target(%dma_start3A_16 : memref<624x128xf32, #tpu.memory_space<vmem_shared>>) target_semaphore(%run_scoped3A : memref<!tpu.dma_semaphore, #tpu.memory_space<semaphore_mem>>)
      %dma_wait3A = arith.constant 0 : i32
      %dma_wait3A_17 = tpu.memref_slice %arg6[%mul3A_2, %dma_wait3A] : memref<10016x128xf32, #tpu.memory_space<vmem_shared>> -> memref<624x128xf32, #tpu.memory_space<vmem_shared>>
      tpu.wait_dma2 semaphore(%run_scoped3A : memref<!tpu.dma_semaphore, #tpu.memory_space<semaphore_mem>>) src(%arg4 : memref<624x128xf32, #tpu.memory_space<hbm>>) dst(%dma_wait3A_17 : memref<624x128xf32, #tpu.memory_space<vmem_shared>>)
      tpu.yield
    }) : () -> ()
    %eq3A = arith.constant 15 : i32
    %eq3A_3 = arith.cmpi eq, %arg1, %eq3A : i32
    %convert_element_type3A = arith.extui %eq3A_3 : i1 to i32
    %cond3A = arith.constant 0 : i32
    %cond3A_4 = arith.cmpi ne, %convert_element_type3A, %cond3A : i32
    scf.if %cond3A_4 {
      "tpu.region"() ({
        %run_scoped3A = tpu.sem_alloc : memref<!tpu.dma_semaphore, #tpu.memory_space<semaphore_mem>>
        %dma_start3A = arith.constant 9984 : i32
        %dma_start3A_16 = arith.constant 0 : i32
        %dma_start3A_17 = tpu.memref_slice %arg6[%dma_start3A, %dma_start3A_16] : memref<10016x128xf32, #tpu.memory_space<vmem_shared>> -> memref<32x128xf32, #tpu.memory_space<vmem_shared>>
        %dma_start3A_18 = arith.constant 0 : i32
        %dma_start3A_19 = arith.constant 0 : i32
        %dma_start3A_20 = tpu.memref_slice %arg4[%dma_start3A_18, %dma_start3A_19] : memref<624x128xf32, #tpu.memory_space<hbm>> -> memref<32x128xf32, #tpu.memory_space<hbm>>
        tpu.enqueue_dma source(%dma_start3A_20 : memref<32x128xf32, #tpu.memory_space<hbm>>) target(%dma_start3A_17 : memref<32x128xf32, #tpu.memory_space<vmem_shared>>) target_semaphore(%run_scoped3A : memref<!tpu.dma_semaphore, #tpu.memory_space<semaphore_mem>>)
        %dma_wait3A = arith.constant 9984 : i32
        %dma_wait3A_21 = arith.constant 0 : i32
        %dma_wait3A_22 = tpu.memref_slice %arg6[%dma_wait3A, %dma_wait3A_21] : memref<10016x128xf32, #tpu.memory_space<vmem_shared>> -> memref<32x128xf32, #tpu.memory_space<vmem_shared>>
        %dma_wait3A_23 = arith.constant 0 : i32
        %dma_wait3A_24 = arith.constant 0 : i32
        %dma_wait3A_25 = tpu.memref_slice %arg4[%dma_wait3A_23, %dma_wait3A_24] : memref<624x128xf32, #tpu.memory_space<hbm>> -> memref<32x128xf32, #tpu.memory_space<hbm>>
        tpu.wait_dma2 semaphore(%run_scoped3A : memref<!tpu.dma_semaphore, #tpu.memory_space<semaphore_mem>>) src(%dma_wait3A_25 : memref<32x128xf32, #tpu.memory_space<hbm>>) dst(%dma_wait3A_22 : memref<32x128xf32, #tpu.memory_space<vmem_shared>>)
        tpu.yield
      }) : () -> ()
    } else {
    }
    "tpu.region"() ({
      %run_scoped3A = tpu.sem_alloc : memref<!tpu.dma_semaphore, #tpu.memory_space<semaphore_mem>>
      tpu.enqueue_dma source(%arg2 : memref<128x128xf32, #tpu.memory_space<hbm>>) target(%arg7 : memref<128x128xf32, #tpu.memory_space<vmem>>) target_semaphore(%run_scoped3A : memref<!tpu.dma_semaphore, #tpu.memory_space<semaphore_mem>>)
      tpu.wait_dma2 semaphore(%run_scoped3A : memref<!tpu.dma_semaphore, #tpu.memory_space<semaphore_mem>>) src(%arg2 : memref<128x128xf32, #tpu.memory_space<hbm>>) dst(%arg7 : memref<128x128xf32, #tpu.memory_space<vmem>>)
      tpu.yield
    }) : () -> ()
    %barrier3A = arith.constant 0 : index
    tpu.barrier barrier_id(%barrier3A)
    %scan3A = arith.constant 0 : i32
    %scan3A_5 = arith.constant 0 : i32
    %scan3A_6 = arith.constant 80 : i32
    %scan3A_7 = arith.addi %scan3A_5, %scan3A_6 : i32
    %scan3A_8 = arith.constant 1 : i32
    scf.for %scan3A_16 = %scan3A_5 to %scan3A_7 step %scan3A_8  : i32 {
      %mul3A_17 = arith.constant 32 : i32
      %mul3A_18 = arith.muli %scan3A_16, %mul3A_17 : i32
      %add3A_19 = arith.addi %mul3A_18, %add3A : i32
      "tpu.region"() ({
        %run_scoped3A = tpu.sem_alloc : memref<!tpu.dma_semaphore, #tpu.memory_space<semaphore_mem>>
        %dma_start3A = arith.constant 0 : i32
        %dma_start3A_20 = tpu.memref_slice %arg3[%add3A_19, %dma_start3A] : memref<2560x128xi32, #tpu.memory_space<hbm>> -> memref<1x128xi32, #tpu.memory_space<hbm>>
        %dma_start3A_21 = tpu.memref_squeeze %dma_start3A_20 : memref<1x128xi32, #tpu.memory_space<hbm>> -> memref<128xi32, #tpu.memory_space<hbm>>
        %dma_start3A_22 = arith.constant 0 : i32
        %dma_start3A_23 = tpu.memref_slice %arg3[%add3A_19, %dma_start3A_22] : memref<2560x128xi32, #tpu.memory_space<hbm>> -> memref<1x128xi32, #tpu.memory_space<hbm>>
        %dma_start3A_24 = tpu.memref_squeeze %dma_start3A_23 : memref<1x128xi32, #tpu.memory_space<hbm>> -> memref<128xi32, #tpu.memory_space<hbm>>
        tpu.enqueue_dma source(%dma_start3A_24 : memref<128xi32, #tpu.memory_space<hbm>>) target(%arg8 : memref<128xi32, #tpu.memory_space<vmem>>) target_semaphore(%run_scoped3A : memref<!tpu.dma_semaphore, #tpu.memory_space<semaphore_mem>>)
        %dma_wait3A = arith.constant 0 : i32
        %dma_wait3A_25 = tpu.memref_slice %arg3[%add3A_19, %dma_wait3A] : memref<2560x128xi32, #tpu.memory_space<hbm>> -> memref<1x128xi32, #tpu.memory_space<hbm>>
        %dma_wait3A_26 = tpu.memref_squeeze %dma_wait3A_25 : memref<1x128xi32, #tpu.memory_space<hbm>> -> memref<128xi32, #tpu.memory_space<hbm>>
        %dma_wait3A_27 = arith.constant 0 : i32
        %dma_wait3A_28 = tpu.memref_slice %arg3[%add3A_19, %dma_wait3A_27] : memref<2560x128xi32, #tpu.memory_space<hbm>> -> memref<1x128xi32, #tpu.memory_space<hbm>>
        %dma_wait3A_29 = tpu.memref_squeeze %dma_wait3A_28 : memref<1x128xi32, #tpu.memory_space<hbm>> -> memref<128xi32, #tpu.memory_space<hbm>>
        tpu.wait_dma2 semaphore(%run_scoped3A : memref<!tpu.dma_semaphore, #tpu.memory_space<semaphore_mem>>) src(%dma_wait3A_29 : memref<128xi32, #tpu.memory_space<hbm>>) dst(%arg8 : memref<128xi32, #tpu.memory_space<vmem>>)
        tpu.yield
      }) : () -> ()
      "tpu.region"() ({
        %run_scoped3A = tpu.sem_alloc : memref<!tpu.dma_semaphore, #tpu.memory_space<semaphore_mem>>
        %dma_start3A = arith.constant 0 : i32
        %dma_start3A_20 = arith.constant 0 : i32
        %dma_start3A_21 = tpu.memref_slice %arg6[%dma_start3A, %dma_start3A_20] : memref<10016x128xf32, #tpu.memory_space<vmem_shared>> -> memref<10016x128xf32, #tpu.memory_space<vmem_shared>>
        tpu.enqueue_indirect_dma source(%arg7 : memref<128x128xf32, #tpu.memory_space<vmem>>) target(%dma_start3A_21 : memref<10016x128xf32, #tpu.memory_space<vmem_shared>>) offsets(%arg8 : memref<128xi32, #tpu.memory_space<vmem>>) semaphore(%run_scoped3A : memref<!tpu.dma_semaphore, #tpu.memory_space<semaphore_mem>>) {add = true}
        %dma_wait3A = arith.constant 0 : i32
        %dma_wait3A_22 = arith.constant 0 : i32
        %dma_wait3A_23 = tpu.memref_slice %arg6[%dma_wait3A, %dma_wait3A_22] : memref<10016x128xf32, #tpu.memory_space<vmem_shared>> -> memref<10016x128xf32, #tpu.memory_space<vmem_shared>>
        tpu.wait_indirect_dma semaphore(%run_scoped3A : memref<!tpu.dma_semaphore, #tpu.memory_space<semaphore_mem>>) src(%arg7 : memref<128x128xf32, #tpu.memory_space<vmem>>) dst(%dma_wait3A_23 : memref<10016x128xf32, #tpu.memory_space<vmem_shared>>)
        tpu.yield
      }) : () -> ()
    }
    %scan3A_9 = arith.constant 80 : i32
    %barrier3A_10 = arith.constant 0 : index
    tpu.barrier barrier_id(%barrier3A_10)
    "tpu.region"() ({
      %run_scoped3A = tpu.sem_alloc : memref<!tpu.dma_semaphore, #tpu.memory_space<semaphore_mem>>
      %dma_start3A = arith.constant 0 : i32
      %dma_start3A_16 = arith.constant 0 : i32
      %dma_start3A_17 = tpu.memref_slice %arg5[%arg0, %dma_start3A, %dma_start3A_16] : memref<2x10000x128xf32, #tpu.memory_space<hbm>> -> memref<1x10000x128xf32, #tpu.memory_space<hbm>>
      %dma_start3A_18 = tpu.memref_squeeze %dma_start3A_17 : memref<1x10000x128xf32, #tpu.memory_space<hbm>> -> memref<10000x128xf32, #tpu.memory_space<hbm>>
      %dma_start3A_19 = arith.constant 0 : i32
      %dma_start3A_20 = tpu.memref_slice %dma_start3A_18[%mul3A_2, %dma_start3A_19] : memref<10000x128xf32, #tpu.memory_space<hbm>> -> memref<624x128xf32, #tpu.memory_space<hbm>>
      %dma_start3A_21 = arith.constant 0 : i32
      %dma_start3A_22 = tpu.memref_slice %arg6[%mul3A_2, %dma_start3A_21] : memref<10016x128xf32, #tpu.memory_space<vmem_shared>> -> memref<624x128xf32, #tpu.memory_space<vmem_shared>>
      tpu.enqueue_dma source(%dma_start3A_22 : memref<624x128xf32, #tpu.memory_space<vmem_shared>>) target(%dma_start3A_20 : memref<624x128xf32, #tpu.memory_space<hbm>>) target_semaphore(%run_scoped3A : memref<!tpu.dma_semaphore, #tpu.memory_space<semaphore_mem>>)
      %dma_wait3A = arith.constant 0 : i32
      %dma_wait3A_23 = arith.constant 0 : i32
      %dma_wait3A_24 = tpu.memref_slice %arg5[%arg0, %dma_wait3A, %dma_wait3A_23] : memref<2x10000x128xf32, #tpu.memory_space<hbm>> -> memref<1x10000x128xf32, #tpu.memory_space<hbm>>
      %dma_wait3A_25 = tpu.memref_squeeze %dma_wait3A_24 : memref<1x10000x128xf32, #tpu.memory_space<hbm>> -> memref<10000x128xf32, #tpu.memory_space<hbm>>
      %dma_wait3A_26 = arith.constant 0 : i32
      %dma_wait3A_27 = tpu.memref_slice %dma_wait3A_25[%mul3A_2, %dma_wait3A_26] : memref<10000x128xf32, #tpu.memory_space<hbm>> -> memref<624x128xf32, #tpu.memory_space<hbm>>
      %dma_wait3A_28 = arith.constant 0 : i32
      %dma_wait3A_29 = tpu.memref_slice %arg6[%mul3A_2, %dma_wait3A_28] : memref<10016x128xf32, #tpu.memory_space<vmem_shared>> -> memref<624x128xf32, #tpu.memory_space<vmem_shared>>
      tpu.wait_dma2 semaphore(%run_scoped3A : memref<!tpu.dma_semaphore, #tpu.memory_space<semaphore_mem>>) src(%dma_wait3A_29 : memref<624x128xf32, #tpu.memory_space<vmem_shared>>) dst(%dma_wait3A_27 : memref<624x128xf32, #tpu.memory_space<hbm>>)
      tpu.yield
    }) : () -> ()
    %eq3A_11 = arith.constant 15 : i32
    %eq3A_12 = arith.cmpi eq, %arg1, %eq3A_11 : i32
    %convert_element_type3A_13 = arith.extui %eq3A_12 : i1 to i32
    %cond3A_14 = arith.constant 0 : i32
    %cond3A_15 = arith.cmpi ne, %convert_element_type3A_13, %cond3A_14 : i32
    scf.if %cond3A_15 {
      "tpu.region"() ({
        %run_scoped3A = tpu.sem_alloc : memref<!tpu.dma_semaphore, #tpu.memory_space<semaphore_mem>>
        %dma_start3A = arith.constant 0 : i32
        %dma_start3A_16 = arith.constant 0 : i32
        %dma_start3A_17 = tpu.memref_slice %arg5[%arg0, %dma_start3A, %dma_start3A_16] : memref<2x10000x128xf32, #tpu.memory_space<hbm>> -> memref<1x10000x128xf32, #tpu.memory_space<hbm>>
        %dma_start3A_18 = tpu.memref_squeeze %dma_start3A_17 : memref<1x10000x128xf32, #tpu.memory_space<hbm>> -> memref<10000x128xf32, #tpu.memory_space<hbm>>
        %dma_start3A_19 = arith.constant 9984 : i32
        %dma_start3A_20 = arith.constant 0 : i32
        %dma_start3A_21 = tpu.memref_slice %dma_start3A_18[%dma_start3A_19, %dma_start3A_20] : memref<10000x128xf32, #tpu.memory_space<hbm>> -> memref<16x128xf32, #tpu.memory_space<hbm>>
        %dma_start3A_22 = arith.constant 9984 : i32
        %dma_start3A_23 = arith.constant 0 : i32
        %dma_start3A_24 = tpu.memref_slice %arg6[%dma_start3A_22, %dma_start3A_23] : memref<10016x128xf32, #tpu.memory_space<vmem_shared>> -> memref<16x128xf32, #tpu.memory_space<vmem_shared>>
        tpu.enqueue_dma source(%dma_start3A_24 : memref<16x128xf32, #tpu.memory_space<vmem_shared>>) target(%dma_start3A_21 : memref<16x128xf32, #tpu.memory_space<hbm>>) target_semaphore(%run_scoped3A : memref<!tpu.dma_semaphore, #tpu.memory_space<semaphore_mem>>)
        %dma_wait3A = arith.constant 0 : i32
        %dma_wait3A_25 = arith.constant 0 : i32
        %dma_wait3A_26 = tpu.memref_slice %arg5[%arg0, %dma_wait3A, %dma_wait3A_25] : memref<2x10000x128xf32, #tpu.memory_space<hbm>> -> memref<1x10000x128xf32, #tpu.memory_space<hbm>>
        %dma_wait3A_27 = tpu.memref_squeeze %dma_wait3A_26 : memref<1x10000x128xf32, #tpu.memory_space<hbm>> -> memref<10000x128xf32, #tpu.memory_space<hbm>>
        %dma_wait3A_28 = arith.constant 9984 : i32
        %dma_wait3A_29 = arith.constant 0 : i32
        %dma_wait3A_30 = tpu.memref_slice %dma_wait3A_27[%dma_wait3A_28, %dma_wait3A_29] : memref<10000x128xf32, #tpu.memory_space<hbm>> -> memref<16x128xf32, #tpu.memory_space<hbm>>
        %dma_wait3A_31 = arith.constant 9984 : i32
        %dma_wait3A_32 = arith.constant 0 : i32
        %dma_wait3A_33 = tpu.memref_slice %arg6[%dma_wait3A_31, %dma_wait3A_32] : memref<10016x128xf32, #tpu.memory_space<vmem_shared>> -> memref<16x128xf32, #tpu.memory_space<vmem_shared>>
        tpu.wait_dma2 semaphore(%run_scoped3A : memref<!tpu.dma_semaphore, #tpu.memory_space<semaphore_mem>>) src(%dma_wait3A_33 : memref<16x128xf32, #tpu.memory_space<vmem_shared>>) dst(%dma_wait3A_30 : memref<16x128xf32, #tpu.memory_space<hbm>>)
        tpu.yield
      }) : () -> ()
    } else {
    }
    return
  }
}

#map = affine_map<(d0, d1) -> (0, 0)>
#map1 = affine_map<(d0, d1) -> (0, 0, 0)>
module attributes {stable_mosaic.version = 14 : i64} {
  func.func @body(%arg0: i32, %arg1: i32, %arg2: memref<10000x128xf32, #tpu.memory_space<hbm>>, %arg3: memref<2560x128xi32, #tpu.memory_space<hbm>>, %arg4: memref<2560x128xi32, #tpu.memory_space<hbm>>, %arg5: memref<624x128xf32, #tpu.memory_space<hbm>>, %arg6: memref<2x10000x128xf32, #tpu.memory_space<hbm>>, %arg7: memref<10016x128xf32, #tpu.memory_space<vmem_shared>>, %arg8: memref<128x128xf32, #tpu.memory_space<vmem>>, %arg9: memref<128x128xf32, #tpu.memory_space<vmem>>, %arg10: memref<128xi32, #tpu.memory_space<vmem>>, %arg11: memref<128xi32, #tpu.memory_space<vmem>>, %arg12: memref<128xi32, #tpu.memory_space<vmem>>, %arg13: memref<128xi32, #tpu.memory_space<vmem>>, %arg14: memref<!tpu.dma_semaphore, #tpu.memory_space<semaphore_mem>>, %arg15: memref<!tpu.dma_semaphore, #tpu.memory_space<semaphore_mem>>) attributes {dimension_semantics = [#tpu.dimension_semantics<core_parallel>, #tpu.dimension_semantics<subcore_parallel>], iteration_bounds = array<i64: 2, 16>, scalar_prefetch = 0 : i64, scratch_operands = 9 : i64, tpu.core_type = #tpu.core_type<sc_vector_subcore>, window_params = [{transform_indices = #map}, {transform_indices = #map}, {transform_indices = #map}, {transform_indices = #map}, {transform_indices = #map1}]} {
    %mul3A = arith.constant 2 : i32
    %mul3A_0 = arith.muli %arg1, %mul3A : i32
    %add3A = arith.addi %mul3A_0, %arg0 : i32
    %mul3A_1 = arith.constant 624 : i32
    %mul3A_2 = arith.muli %arg1, %mul3A_1 : i32
    "tpu.region"() ({
      %run_scoped3A = tpu.sem_alloc : memref<!tpu.dma_semaphore, #tpu.memory_space<semaphore_mem>>
      %dma_start3A_18 = arith.constant 0 : i32
      %dma_start3A_19 = tpu.memref_slice %arg7[%mul3A_2, %dma_start3A_18] : memref<10016x128xf32, #tpu.memory_space<vmem_shared>> -> memref<624x128xf32, #tpu.memory_space<vmem_shared>>
      tpu.enqueue_dma source(%arg5 : memref<624x128xf32, #tpu.memory_space<hbm>>) target(%dma_start3A_19 : memref<624x128xf32, #tpu.memory_space<vmem_shared>>) target_semaphore(%run_scoped3A : memref<!tpu.dma_semaphore, #tpu.memory_space<semaphore_mem>>)
      %dma_wait3A = arith.constant 0 : i32
      %dma_wait3A_20 = tpu.memref_slice %arg7[%mul3A_2, %dma_wait3A] : memref<10016x128xf32, #tpu.memory_space<vmem_shared>> -> memref<624x128xf32, #tpu.memory_space<vmem_shared>>
      tpu.wait_dma2 semaphore(%run_scoped3A : memref<!tpu.dma_semaphore, #tpu.memory_space<semaphore_mem>>) src(%arg5 : memref<624x128xf32, #tpu.memory_space<hbm>>) dst(%dma_wait3A_20 : memref<624x128xf32, #tpu.memory_space<vmem_shared>>)
      tpu.yield
    }) : () -> ()
    %eq3A = arith.constant 15 : i32
    %eq3A_3 = arith.cmpi eq, %arg1, %eq3A : i32
    %convert_element_type3A = arith.extui %eq3A_3 : i1 to i32
    %cond3A = arith.constant 0 : i32
    %cond3A_4 = arith.cmpi ne, %convert_element_type3A, %cond3A : i32
    scf.if %cond3A_4 {
      "tpu.region"() ({
        %run_scoped3A = tpu.sem_alloc : memref<!tpu.dma_semaphore, #tpu.memory_space<semaphore_mem>>
        %dma_start3A_18 = arith.constant 9984 : i32
        %dma_start3A_19 = arith.constant 0 : i32
        %dma_start3A_20 = tpu.memref_slice %arg7[%dma_start3A_18, %dma_start3A_19] : memref<10016x128xf32, #tpu.memory_space<vmem_shared>> -> memref<32x128xf32, #tpu.memory_space<vmem_shared>>
        %dma_start3A_21 = arith.constant 0 : i32
        %dma_start3A_22 = arith.constant 0 : i32
        %dma_start3A_23 = tpu.memref_slice %arg5[%dma_start3A_21, %dma_start3A_22] : memref<624x128xf32, #tpu.memory_space<hbm>> -> memref<32x128xf32, #tpu.memory_space<hbm>>
        tpu.enqueue_dma source(%dma_start3A_23 : memref<32x128xf32, #tpu.memory_space<hbm>>) target(%dma_start3A_20 : memref<32x128xf32, #tpu.memory_space<vmem_shared>>) target_semaphore(%run_scoped3A : memref<!tpu.dma_semaphore, #tpu.memory_space<semaphore_mem>>)
        %dma_wait3A = arith.constant 9984 : i32
        %dma_wait3A_24 = arith.constant 0 : i32
        %dma_wait3A_25 = tpu.memref_slice %arg7[%dma_wait3A, %dma_wait3A_24] : memref<10016x128xf32, #tpu.memory_space<vmem_shared>> -> memref<32x128xf32, #tpu.memory_space<vmem_shared>>
        %dma_wait3A_26 = arith.constant 0 : i32
        %dma_wait3A_27 = arith.constant 0 : i32
        %dma_wait3A_28 = tpu.memref_slice %arg5[%dma_wait3A_26, %dma_wait3A_27] : memref<624x128xf32, #tpu.memory_space<hbm>> -> memref<32x128xf32, #tpu.memory_space<hbm>>
        tpu.wait_dma2 semaphore(%run_scoped3A : memref<!tpu.dma_semaphore, #tpu.memory_space<semaphore_mem>>) src(%dma_wait3A_28 : memref<32x128xf32, #tpu.memory_space<hbm>>) dst(%dma_wait3A_25 : memref<32x128xf32, #tpu.memory_space<vmem_shared>>)
        tpu.yield
      }) : () -> ()
    } else {
    }
    "tpu.region"() ({
      %run_scoped3A = tpu.sem_alloc : memref<!tpu.dma_semaphore, #tpu.memory_space<semaphore_mem>>
      %dma_start3A_18 = arith.constant 0 : i32
      %dma_start3A_19 = tpu.memref_slice %arg3[%add3A, %dma_start3A_18] : memref<2560x128xi32, #tpu.memory_space<hbm>> -> memref<1x128xi32, #tpu.memory_space<hbm>>
      %dma_start3A_20 = tpu.memref_squeeze %dma_start3A_19 : memref<1x128xi32, #tpu.memory_space<hbm>> -> memref<128xi32, #tpu.memory_space<hbm>>
      %dma_start3A_21 = arith.constant 0 : i32
      %dma_start3A_22 = tpu.memref_slice %arg3[%add3A, %dma_start3A_21] : memref<2560x128xi32, #tpu.memory_space<hbm>> -> memref<1x128xi32, #tpu.memory_space<hbm>>
      %dma_start3A_23 = tpu.memref_squeeze %dma_start3A_22 : memref<1x128xi32, #tpu.memory_space<hbm>> -> memref<128xi32, #tpu.memory_space<hbm>>
      tpu.enqueue_dma source(%dma_start3A_23 : memref<128xi32, #tpu.memory_space<hbm>>) target(%arg10 : memref<128xi32, #tpu.memory_space<vmem>>) target_semaphore(%run_scoped3A : memref<!tpu.dma_semaphore, #tpu.memory_space<semaphore_mem>>)
      %dma_wait3A = arith.constant 0 : i32
      %dma_wait3A_24 = tpu.memref_slice %arg3[%add3A, %dma_wait3A] : memref<2560x128xi32, #tpu.memory_space<hbm>> -> memref<1x128xi32, #tpu.memory_space<hbm>>
      %dma_wait3A_25 = tpu.memref_squeeze %dma_wait3A_24 : memref<1x128xi32, #tpu.memory_space<hbm>> -> memref<128xi32, #tpu.memory_space<hbm>>
      %dma_wait3A_26 = arith.constant 0 : i32
      %dma_wait3A_27 = tpu.memref_slice %arg3[%add3A, %dma_wait3A_26] : memref<2560x128xi32, #tpu.memory_space<hbm>> -> memref<1x128xi32, #tpu.memory_space<hbm>>
      %dma_wait3A_28 = tpu.memref_squeeze %dma_wait3A_27 : memref<1x128xi32, #tpu.memory_space<hbm>> -> memref<128xi32, #tpu.memory_space<hbm>>
      tpu.wait_dma2 semaphore(%run_scoped3A : memref<!tpu.dma_semaphore, #tpu.memory_space<semaphore_mem>>) src(%dma_wait3A_28 : memref<128xi32, #tpu.memory_space<hbm>>) dst(%arg10 : memref<128xi32, #tpu.memory_space<vmem>>)
      tpu.yield
    }) : () -> ()
    "tpu.region"() ({
      %run_scoped3A = tpu.sem_alloc : memref<!tpu.dma_semaphore, #tpu.memory_space<semaphore_mem>>
      %dma_start3A_18 = arith.constant 0 : i32
      %dma_start3A_19 = tpu.memref_slice %arg4[%add3A, %dma_start3A_18] : memref<2560x128xi32, #tpu.memory_space<hbm>> -> memref<1x128xi32, #tpu.memory_space<hbm>>
      %dma_start3A_20 = tpu.memref_squeeze %dma_start3A_19 : memref<1x128xi32, #tpu.memory_space<hbm>> -> memref<128xi32, #tpu.memory_space<hbm>>
      %dma_start3A_21 = arith.constant 0 : i32
      %dma_start3A_22 = tpu.memref_slice %arg4[%add3A, %dma_start3A_21] : memref<2560x128xi32, #tpu.memory_space<hbm>> -> memref<1x128xi32, #tpu.memory_space<hbm>>
      %dma_start3A_23 = tpu.memref_squeeze %dma_start3A_22 : memref<1x128xi32, #tpu.memory_space<hbm>> -> memref<128xi32, #tpu.memory_space<hbm>>
      tpu.enqueue_dma source(%dma_start3A_23 : memref<128xi32, #tpu.memory_space<hbm>>) target(%arg11 : memref<128xi32, #tpu.memory_space<vmem>>) target_semaphore(%run_scoped3A : memref<!tpu.dma_semaphore, #tpu.memory_space<semaphore_mem>>)
      %dma_wait3A = arith.constant 0 : i32
      %dma_wait3A_24 = tpu.memref_slice %arg4[%add3A, %dma_wait3A] : memref<2560x128xi32, #tpu.memory_space<hbm>> -> memref<1x128xi32, #tpu.memory_space<hbm>>
      %dma_wait3A_25 = tpu.memref_squeeze %dma_wait3A_24 : memref<1x128xi32, #tpu.memory_space<hbm>> -> memref<128xi32, #tpu.memory_space<hbm>>
      %dma_wait3A_26 = arith.constant 0 : i32
      %dma_wait3A_27 = tpu.memref_slice %arg4[%add3A, %dma_wait3A_26] : memref<2560x128xi32, #tpu.memory_space<hbm>> -> memref<1x128xi32, #tpu.memory_space<hbm>>
      %dma_wait3A_28 = tpu.memref_squeeze %dma_wait3A_27 : memref<1x128xi32, #tpu.memory_space<hbm>> -> memref<128xi32, #tpu.memory_space<hbm>>
      tpu.wait_dma2 semaphore(%run_scoped3A : memref<!tpu.dma_semaphore, #tpu.memory_space<semaphore_mem>>) src(%dma_wait3A_28 : memref<128xi32, #tpu.memory_space<hbm>>) dst(%arg11 : memref<128xi32, #tpu.memory_space<vmem>>)
      tpu.yield
    }) : () -> ()
    %barrier3A = arith.constant 0 : index
    tpu.barrier barrier_id(%barrier3A)
    %dma_start3A = arith.constant 0 : i32
    %dma_start3A_5 = arith.constant 0 : i32
    %dma_start3A_6 = tpu.memref_slice %arg2[%dma_start3A, %dma_start3A_5] : memref<10000x128xf32, #tpu.memory_space<hbm>> -> memref<10000x128xf32, #tpu.memory_space<hbm>>
    tpu.enqueue_indirect_dma source(%dma_start3A_6 : memref<10000x128xf32, #tpu.memory_space<hbm>>) target(%arg8 : memref<128x128xf32, #tpu.memory_space<vmem>>) offsets(%arg10 : memref<128xi32, #tpu.memory_space<vmem>>) semaphore(%arg14 : memref<!tpu.dma_semaphore, #tpu.memory_space<semaphore_mem>>)
    %scan3A = arith.constant 0 : i32
    %scan3A_7 = arith.constant 0 : i32
    %scan3A_8 = arith.constant 40 : i32
    %scan3A_9 = arith.addi %scan3A_7, %scan3A_8 : i32
    %scan3A_10 = arith.constant 1 : i32
    scf.for %scan3A_18 = %scan3A_7 to %scan3A_9 step %scan3A_10  : i32 {
      %mul3A_19 = arith.constant 2 : i32
      %mul3A_20 = arith.muli %mul3A_19, %scan3A_18 : i32
      %add3A_21 = arith.constant 1 : i32
      %add3A_22 = arith.addi %mul3A_20, %add3A_21 : i32
      %mul3A_23 = arith.constant 32 : i32
      %mul3A_24 = arith.muli %add3A_22, %mul3A_23 : i32
      %add3A_25 = arith.addi %mul3A_24, %add3A : i32
      "tpu.region"() ({
        %run_scoped3A = tpu.sem_alloc : memref<!tpu.dma_semaphore, #tpu.memory_space<semaphore_mem>>
        %dma_start3A_38 = arith.constant 0 : i32
        %dma_start3A_39 = tpu.memref_slice %arg3[%add3A_25, %dma_start3A_38] : memref<2560x128xi32, #tpu.memory_space<hbm>> -> memref<1x128xi32, #tpu.memory_space<hbm>>
        %dma_start3A_40 = tpu.memref_squeeze %dma_start3A_39 : memref<1x128xi32, #tpu.memory_space<hbm>> -> memref<128xi32, #tpu.memory_space<hbm>>
        %dma_start3A_41 = arith.constant 0 : i32
        %dma_start3A_42 = tpu.memref_slice %arg3[%add3A_25, %dma_start3A_41] : memref<2560x128xi32, #tpu.memory_space<hbm>> -> memref<1x128xi32, #tpu.memory_space<hbm>>
        %dma_start3A_43 = tpu.memref_squeeze %dma_start3A_42 : memref<1x128xi32, #tpu.memory_space<hbm>> -> memref<128xi32, #tpu.memory_space<hbm>>
        tpu.enqueue_dma source(%dma_start3A_43 : memref<128xi32, #tpu.memory_space<hbm>>) target(%arg12 : memref<128xi32, #tpu.memory_space<vmem>>) target_semaphore(%run_scoped3A : memref<!tpu.dma_semaphore, #tpu.memory_space<semaphore_mem>>)
        %dma_wait3A_44 = arith.constant 0 : i32
        %dma_wait3A_45 = tpu.memref_slice %arg3[%add3A_25, %dma_wait3A_44] : memref<2560x128xi32, #tpu.memory_space<hbm>> -> memref<1x128xi32, #tpu.memory_space<hbm>>
        %dma_wait3A_46 = tpu.memref_squeeze %dma_wait3A_45 : memref<1x128xi32, #tpu.memory_space<hbm>> -> memref<128xi32, #tpu.memory_space<hbm>>
        %dma_wait3A_47 = arith.constant 0 : i32
        %dma_wait3A_48 = tpu.memref_slice %arg3[%add3A_25, %dma_wait3A_47] : memref<2560x128xi32, #tpu.memory_space<hbm>> -> memref<1x128xi32, #tpu.memory_space<hbm>>
        %dma_wait3A_49 = tpu.memref_squeeze %dma_wait3A_48 : memref<1x128xi32, #tpu.memory_space<hbm>> -> memref<128xi32, #tpu.memory_space<hbm>>
        tpu.wait_dma2 semaphore(%run_scoped3A : memref<!tpu.dma_semaphore, #tpu.memory_space<semaphore_mem>>) src(%dma_wait3A_49 : memref<128xi32, #tpu.memory_space<hbm>>) dst(%arg12 : memref<128xi32, #tpu.memory_space<vmem>>)
        tpu.yield
      }) : () -> ()
      "tpu.region"() ({
        %run_scoped3A = tpu.sem_alloc : memref<!tpu.dma_semaphore, #tpu.memory_space<semaphore_mem>>
        %dma_start3A_38 = arith.constant 0 : i32
        %dma_start3A_39 = tpu.memref_slice %arg4[%add3A_25, %dma_start3A_38] : memref<2560x128xi32, #tpu.memory_space<hbm>> -> memref<1x128xi32, #tpu.memory_space<hbm>>
        %dma_start3A_40 = tpu.memref_squeeze %dma_start3A_39 : memref<1x128xi32, #tpu.memory_space<hbm>> -> memref<128xi32, #tpu.memory_space<hbm>>
        %dma_start3A_41 = arith.constant 0 : i32
        %dma_start3A_42 = tpu.memref_slice %arg4[%add3A_25, %dma_start3A_41] : memref<2560x128xi32, #tpu.memory_space<hbm>> -> memref<1x128xi32, #tpu.memory_space<hbm>>
        %dma_start3A_43 = tpu.memref_squeeze %dma_start3A_42 : memref<1x128xi32, #tpu.memory_space<hbm>> -> memref<128xi32, #tpu.memory_space<hbm>>
        tpu.enqueue_dma source(%dma_start3A_43 : memref<128xi32, #tpu.memory_space<hbm>>) target(%arg13 : memref<128xi32, #tpu.memory_space<vmem>>) target_semaphore(%run_scoped3A : memref<!tpu.dma_semaphore, #tpu.memory_space<semaphore_mem>>)
        %dma_wait3A_44 = arith.constant 0 : i32
        %dma_wait3A_45 = tpu.memref_slice %arg4[%add3A_25, %dma_wait3A_44] : memref<2560x128xi32, #tpu.memory_space<hbm>> -> memref<1x128xi32, #tpu.memory_space<hbm>>
        %dma_wait3A_46 = tpu.memref_squeeze %dma_wait3A_45 : memref<1x128xi32, #tpu.memory_space<hbm>> -> memref<128xi32, #tpu.memory_space<hbm>>
        %dma_wait3A_47 = arith.constant 0 : i32
        %dma_wait3A_48 = tpu.memref_slice %arg4[%add3A_25, %dma_wait3A_47] : memref<2560x128xi32, #tpu.memory_space<hbm>> -> memref<1x128xi32, #tpu.memory_space<hbm>>
        %dma_wait3A_49 = tpu.memref_squeeze %dma_wait3A_48 : memref<1x128xi32, #tpu.memory_space<hbm>> -> memref<128xi32, #tpu.memory_space<hbm>>
        tpu.wait_dma2 semaphore(%run_scoped3A : memref<!tpu.dma_semaphore, #tpu.memory_space<semaphore_mem>>) src(%dma_wait3A_49 : memref<128xi32, #tpu.memory_space<hbm>>) dst(%arg13 : memref<128xi32, #tpu.memory_space<vmem>>)
        tpu.yield
      }) : () -> ()
      %dma_start3A_26 = arith.constant 0 : i32
      %dma_start3A_27 = arith.constant 0 : i32
      %dma_start3A_28 = tpu.memref_slice %arg2[%dma_start3A_26, %dma_start3A_27] : memref<10000x128xf32, #tpu.memory_space<hbm>> -> memref<10000x128xf32, #tpu.memory_space<hbm>>
      tpu.enqueue_indirect_dma source(%dma_start3A_28 : memref<10000x128xf32, #tpu.memory_space<hbm>>) target(%arg9 : memref<128x128xf32, #tpu.memory_space<vmem>>) offsets(%arg12 : memref<128xi32, #tpu.memory_space<vmem>>) semaphore(%arg15 : memref<!tpu.dma_semaphore, #tpu.memory_space<semaphore_mem>>)
      %dma_wait3A = arith.constant 0 : i32
      %dma_wait3A_29 = arith.constant 0 : i32
      %dma_wait3A_30 = tpu.memref_slice %arg2[%dma_wait3A, %dma_wait3A_29] : memref<10000x128xf32, #tpu.memory_space<hbm>> -> memref<10000x128xf32, #tpu.memory_space<hbm>>
      tpu.wait_indirect_dma semaphore(%arg14 : memref<!tpu.dma_semaphore, #tpu.memory_space<semaphore_mem>>) src(%dma_wait3A_30 : memref<10000x128xf32, #tpu.memory_space<hbm>>) dst(%arg8 : memref<128x128xf32, #tpu.memory_space<vmem>>)
      "tpu.region"() ({
        %run_scoped3A = tpu.sem_alloc : memref<!tpu.dma_semaphore, #tpu.memory_space<semaphore_mem>>
        %dma_start3A_38 = arith.constant 0 : i32
        %dma_start3A_39 = arith.constant 0 : i32
        %dma_start3A_40 = tpu.memref_slice %arg7[%dma_start3A_38, %dma_start3A_39] : memref<10016x128xf32, #tpu.memory_space<vmem_shared>> -> memref<10016x128xf32, #tpu.memory_space<vmem_shared>>
        tpu.enqueue_indirect_dma source(%arg8 : memref<128x128xf32, #tpu.memory_space<vmem>>) target(%dma_start3A_40 : memref<10016x128xf32, #tpu.memory_space<vmem_shared>>) offsets(%arg11 : memref<128xi32, #tpu.memory_space<vmem>>) semaphore(%run_scoped3A : memref<!tpu.dma_semaphore, #tpu.memory_space<semaphore_mem>>) {add = true}
        %dma_wait3A_41 = arith.constant 0 : i32
        %dma_wait3A_42 = arith.constant 0 : i32
        %dma_wait3A_43 = tpu.memref_slice %arg7[%dma_wait3A_41, %dma_wait3A_42] : memref<10016x128xf32, #tpu.memory_space<vmem_shared>> -> memref<10016x128xf32, #tpu.memory_space<vmem_shared>>
        tpu.wait_indirect_dma semaphore(%run_scoped3A : memref<!tpu.dma_semaphore, #tpu.memory_space<semaphore_mem>>) src(%arg8 : memref<128x128xf32, #tpu.memory_space<vmem>>) dst(%dma_wait3A_43 : memref<10016x128xf32, #tpu.memory_space<vmem_shared>>)
        tpu.yield
      }) : () -> ()
      %lt3A = arith.constant 39 : i32
      %lt3A_31 = arith.cmpi slt, %scan3A_18, %lt3A : i32
      %convert_element_type3A_32 = arith.extui %lt3A_31 : i1 to i32
      %cond3A_33 = arith.constant 0 : i32
      %cond3A_34 = arith.cmpi ne, %convert_element_type3A_32, %cond3A_33 : i32
      scf.if %cond3A_34 {
        %mul3A_38 = arith.constant 2 : i32
        %mul3A_39 = arith.muli %mul3A_38, %scan3A_18 : i32
        %add3A_40 = arith.constant 2 : i32
        %add3A_41 = arith.addi %mul3A_39, %add3A_40 : i32
        %mul3A_42 = arith.constant 32 : i32
        %mul3A_43 = arith.muli %add3A_41, %mul3A_42 : i32
        %add3A_44 = arith.addi %mul3A_43, %add3A : i32
        "tpu.region"() ({
          %run_scoped3A = tpu.sem_alloc : memref<!tpu.dma_semaphore, #tpu.memory_space<semaphore_mem>>
          %dma_start3A_48 = arith.constant 0 : i32
          %dma_start3A_49 = tpu.memref_slice %arg3[%add3A_44, %dma_start3A_48] : memref<2560x128xi32, #tpu.memory_space<hbm>> -> memref<1x128xi32, #tpu.memory_space<hbm>>
          %dma_start3A_50 = tpu.memref_squeeze %dma_start3A_49 : memref<1x128xi32, #tpu.memory_space<hbm>> -> memref<128xi32, #tpu.memory_space<hbm>>
          %dma_start3A_51 = arith.constant 0 : i32
          %dma_start3A_52 = tpu.memref_slice %arg3[%add3A_44, %dma_start3A_51] : memref<2560x128xi32, #tpu.memory_space<hbm>> -> memref<1x128xi32, #tpu.memory_space<hbm>>
          %dma_start3A_53 = tpu.memref_squeeze %dma_start3A_52 : memref<1x128xi32, #tpu.memory_space<hbm>> -> memref<128xi32, #tpu.memory_space<hbm>>
          tpu.enqueue_dma source(%dma_start3A_53 : memref<128xi32, #tpu.memory_space<hbm>>) target(%arg10 : memref<128xi32, #tpu.memory_space<vmem>>) target_semaphore(%run_scoped3A : memref<!tpu.dma_semaphore, #tpu.memory_space<semaphore_mem>>)
          %dma_wait3A_54 = arith.constant 0 : i32
          %dma_wait3A_55 = tpu.memref_slice %arg3[%add3A_44, %dma_wait3A_54] : memref<2560x128xi32, #tpu.memory_space<hbm>> -> memref<1x128xi32, #tpu.memory_space<hbm>>
          %dma_wait3A_56 = tpu.memref_squeeze %dma_wait3A_55 : memref<1x128xi32, #tpu.memory_space<hbm>> -> memref<128xi32, #tpu.memory_space<hbm>>
          %dma_wait3A_57 = arith.constant 0 : i32
          %dma_wait3A_58 = tpu.memref_slice %arg3[%add3A_44, %dma_wait3A_57] : memref<2560x128xi32, #tpu.memory_space<hbm>> -> memref<1x128xi32, #tpu.memory_space<hbm>>
          %dma_wait3A_59 = tpu.memref_squeeze %dma_wait3A_58 : memref<1x128xi32, #tpu.memory_space<hbm>> -> memref<128xi32, #tpu.memory_space<hbm>>
          tpu.wait_dma2 semaphore(%run_scoped3A : memref<!tpu.dma_semaphore, #tpu.memory_space<semaphore_mem>>) src(%dma_wait3A_59 : memref<128xi32, #tpu.memory_space<hbm>>) dst(%arg10 : memref<128xi32, #tpu.memory_space<vmem>>)
          tpu.yield
        }) : () -> ()
        "tpu.region"() ({
          %run_scoped3A = tpu.sem_alloc : memref<!tpu.dma_semaphore, #tpu.memory_space<semaphore_mem>>
          %dma_start3A_48 = arith.constant 0 : i32
          %dma_start3A_49 = tpu.memref_slice %arg4[%add3A_44, %dma_start3A_48] : memref<2560x128xi32, #tpu.memory_space<hbm>> -> memref<1x128xi32, #tpu.memory_space<hbm>>
          %dma_start3A_50 = tpu.memref_squeeze %dma_start3A_49 : memref<1x128xi32, #tpu.memory_space<hbm>> -> memref<128xi32, #tpu.memory_space<hbm>>
          %dma_start3A_51 = arith.constant 0 : i32
          %dma_start3A_52 = tpu.memref_slice %arg4[%add3A_44, %dma_start3A_51] : memref<2560x128xi32, #tpu.memory_space<hbm>> -> memref<1x128xi32, #tpu.memory_space<hbm>>
          %dma_start3A_53 = tpu.memref_squeeze %dma_start3A_52 : memref<1x128xi32, #tpu.memory_space<hbm>> -> memref<128xi32, #tpu.memory_space<hbm>>
          tpu.enqueue_dma source(%dma_start3A_53 : memref<128xi32, #tpu.memory_space<hbm>>) target(%arg11 : memref<128xi32, #tpu.memory_space<vmem>>) target_semaphore(%run_scoped3A : memref<!tpu.dma_semaphore, #tpu.memory_space<semaphore_mem>>)
          %dma_wait3A_54 = arith.constant 0 : i32
          %dma_wait3A_55 = tpu.memref_slice %arg4[%add3A_44, %dma_wait3A_54] : memref<2560x128xi32, #tpu.memory_space<hbm>> -> memref<1x128xi32, #tpu.memory_space<hbm>>
          %dma_wait3A_56 = tpu.memref_squeeze %dma_wait3A_55 : memref<1x128xi32, #tpu.memory_space<hbm>> -> memref<128xi32, #tpu.memory_space<hbm>>
          %dma_wait3A_57 = arith.constant 0 : i32
          %dma_wait3A_58 = tpu.memref_slice %arg4[%add3A_44, %dma_wait3A_57] : memref<2560x128xi32, #tpu.memory_space<hbm>> -> memref<1x128xi32, #tpu.memory_space<hbm>>
          %dma_wait3A_59 = tpu.memref_squeeze %dma_wait3A_58 : memref<1x128xi32, #tpu.memory_space<hbm>> -> memref<128xi32, #tpu.memory_space<hbm>>
          tpu.wait_dma2 semaphore(%run_scoped3A : memref<!tpu.dma_semaphore, #tpu.memory_space<semaphore_mem>>) src(%dma_wait3A_59 : memref<128xi32, #tpu.memory_space<hbm>>) dst(%arg11 : memref<128xi32, #tpu.memory_space<vmem>>)
          tpu.yield
        }) : () -> ()
        %dma_start3A_45 = arith.constant 0 : i32
        %dma_start3A_46 = arith.constant 0 : i32
        %dma_start3A_47 = tpu.memref_slice %arg2[%dma_start3A_45, %dma_start3A_46] : memref<10000x128xf32, #tpu.memory_space<hbm>> -> memref<10000x128xf32, #tpu.memory_space<hbm>>
        tpu.enqueue_indirect_dma source(%dma_start3A_47 : memref<10000x128xf32, #tpu.memory_space<hbm>>) target(%arg8 : memref<128x128xf32, #tpu.memory_space<vmem>>) offsets(%arg10 : memref<128xi32, #tpu.memory_space<vmem>>) semaphore(%arg14 : memref<!tpu.dma_semaphore, #tpu.memory_space<semaphore_mem>>)
      } else {
      }
      %dma_wait3A_35 = arith.constant 0 : i32
      %dma_wait3A_36 = arith.constant 0 : i32
      %dma_wait3A_37 = tpu.memref_slice %arg2[%dma_wait3A_35, %dma_wait3A_36] : memref<10000x128xf32, #tpu.memory_space<hbm>> -> memref<10000x128xf32, #tpu.memory_space<hbm>>
      tpu.wait_indirect_dma semaphore(%arg15 : memref<!tpu.dma_semaphore, #tpu.memory_space<semaphore_mem>>) src(%dma_wait3A_37 : memref<10000x128xf32, #tpu.memory_space<hbm>>) dst(%arg9 : memref<128x128xf32, #tpu.memory_space<vmem>>)
      "tpu.region"() ({
        %run_scoped3A = tpu.sem_alloc : memref<!tpu.dma_semaphore, #tpu.memory_space<semaphore_mem>>
        %dma_start3A_38 = arith.constant 0 : i32
        %dma_start3A_39 = arith.constant 0 : i32
        %dma_start3A_40 = tpu.memref_slice %arg7[%dma_start3A_38, %dma_start3A_39] : memref<10016x128xf32, #tpu.memory_space<vmem_shared>> -> memref<10016x128xf32, #tpu.memory_space<vmem_shared>>
        tpu.enqueue_indirect_dma source(%arg9 : memref<128x128xf32, #tpu.memory_space<vmem>>) target(%dma_start3A_40 : memref<10016x128xf32, #tpu.memory_space<vmem_shared>>) offsets(%arg13 : memref<128xi32, #tpu.memory_space<vmem>>) semaphore(%run_scoped3A : memref<!tpu.dma_semaphore, #tpu.memory_space<semaphore_mem>>) {add = true}
        %dma_wait3A_41 = arith.constant 0 : i32
        %dma_wait3A_42 = arith.constant 0 : i32
        %dma_wait3A_43 = tpu.memref_slice %arg7[%dma_wait3A_41, %dma_wait3A_42] : memref<10016x128xf32, #tpu.memory_space<vmem_shared>> -> memref<10016x128xf32, #tpu.memory_space<vmem_shared>>
        tpu.wait_indirect_dma semaphore(%run_scoped3A : memref<!tpu.dma_semaphore, #tpu.memory_space<semaphore_mem>>) src(%arg9 : memref<128x128xf32, #tpu.memory_space<vmem>>) dst(%dma_wait3A_43 : memref<10016x128xf32, #tpu.memory_space<vmem_shared>>)
        tpu.yield
      }) : () -> ()
    }
    %scan3A_11 = arith.constant 40 : i32
    %barrier3A_12 = arith.constant 0 : index
    tpu.barrier barrier_id(%barrier3A_12)
    "tpu.region"() ({
      %run_scoped3A = tpu.sem_alloc : memref<!tpu.dma_semaphore, #tpu.memory_space<semaphore_mem>>
      %dma_start3A_18 = arith.constant 0 : i32
      %dma_start3A_19 = arith.constant 0 : i32
      %dma_start3A_20 = tpu.memref_slice %arg6[%arg0, %dma_start3A_18, %dma_start3A_19] : memref<2x10000x128xf32, #tpu.memory_space<hbm>> -> memref<1x10000x128xf32, #tpu.memory_space<hbm>>
      %dma_start3A_21 = tpu.memref_squeeze %dma_start3A_20 : memref<1x10000x128xf32, #tpu.memory_space<hbm>> -> memref<10000x128xf32, #tpu.memory_space<hbm>>
      %dma_start3A_22 = arith.constant 0 : i32
      %dma_start3A_23 = tpu.memref_slice %dma_start3A_21[%mul3A_2, %dma_start3A_22] : memref<10000x128xf32, #tpu.memory_space<hbm>> -> memref<624x128xf32, #tpu.memory_space<hbm>>
      %dma_start3A_24 = arith.constant 0 : i32
      %dma_start3A_25 = tpu.memref_slice %arg7[%mul3A_2, %dma_start3A_24] : memref<10016x128xf32, #tpu.memory_space<vmem_shared>> -> memref<624x128xf32, #tpu.memory_space<vmem_shared>>
      tpu.enqueue_dma source(%dma_start3A_25 : memref<624x128xf32, #tpu.memory_space<vmem_shared>>) target(%dma_start3A_23 : memref<624x128xf32, #tpu.memory_space<hbm>>) target_semaphore(%run_scoped3A : memref<!tpu.dma_semaphore, #tpu.memory_space<semaphore_mem>>)
      %dma_wait3A = arith.constant 0 : i32
      %dma_wait3A_26 = arith.constant 0 : i32
      %dma_wait3A_27 = tpu.memref_slice %arg6[%arg0, %dma_wait3A, %dma_wait3A_26] : memref<2x10000x128xf32, #tpu.memory_space<hbm>> -> memref<1x10000x128xf32, #tpu.memory_space<hbm>>
      %dma_wait3A_28 = tpu.memref_squeeze %dma_wait3A_27 : memref<1x10000x128xf32, #tpu.memory_space<hbm>> -> memref<10000x128xf32, #tpu.memory_space<hbm>>
      %dma_wait3A_29 = arith.constant 0 : i32
      %dma_wait3A_30 = tpu.memref_slice %dma_wait3A_28[%mul3A_2, %dma_wait3A_29] : memref<10000x128xf32, #tpu.memory_space<hbm>> -> memref<624x128xf32, #tpu.memory_space<hbm>>
      %dma_wait3A_31 = arith.constant 0 : i32
      %dma_wait3A_32 = tpu.memref_slice %arg7[%mul3A_2, %dma_wait3A_31] : memref<10016x128xf32, #tpu.memory_space<vmem_shared>> -> memref<624x128xf32, #tpu.memory_space<vmem_shared>>
      tpu.wait_dma2 semaphore(%run_scoped3A : memref<!tpu.dma_semaphore, #tpu.memory_space<semaphore_mem>>) src(%dma_wait3A_32 : memref<624x128xf32, #tpu.memory_space<vmem_shared>>) dst(%dma_wait3A_30 : memref<624x128xf32, #tpu.memory_space<hbm>>)
      tpu.yield
    }) : () -> ()
    %eq3A_13 = arith.constant 15 : i32
    %eq3A_14 = arith.cmpi eq, %arg1, %eq3A_13 : i32
    %convert_element_type3A_15 = arith.extui %eq3A_14 : i1 to i32
    %cond3A_16 = arith.constant 0 : i32
    %cond3A_17 = arith.cmpi ne, %convert_element_type3A_15, %cond3A_16 : i32
    scf.if %cond3A_17 {
      "tpu.region"() ({
        %run_scoped3A = tpu.sem_alloc : memref<!tpu.dma_semaphore, #tpu.memory_space<semaphore_mem>>
        %dma_start3A_18 = arith.constant 0 : i32
        %dma_start3A_19 = arith.constant 0 : i32
        %dma_start3A_20 = tpu.memref_slice %arg6[%arg0, %dma_start3A_18, %dma_start3A_19] : memref<2x10000x128xf32, #tpu.memory_space<hbm>> -> memref<1x10000x128xf32, #tpu.memory_space<hbm>>
        %dma_start3A_21 = tpu.memref_squeeze %dma_start3A_20 : memref<1x10000x128xf32, #tpu.memory_space<hbm>> -> memref<10000x128xf32, #tpu.memory_space<hbm>>
        %dma_start3A_22 = arith.constant 9984 : i32
        %dma_start3A_23 = arith.constant 0 : i32
        %dma_start3A_24 = tpu.memref_slice %dma_start3A_21[%dma_start3A_22, %dma_start3A_23] : memref<10000x128xf32, #tpu.memory_space<hbm>> -> memref<16x128xf32, #tpu.memory_space<hbm>>
        %dma_start3A_25 = arith.constant 9984 : i32
        %dma_start3A_26 = arith.constant 0 : i32
        %dma_start3A_27 = tpu.memref_slice %arg7[%dma_start3A_25, %dma_start3A_26] : memref<10016x128xf32, #tpu.memory_space<vmem_shared>> -> memref<16x128xf32, #tpu.memory_space<vmem_shared>>
        tpu.enqueue_dma source(%dma_start3A_27 : memref<16x128xf32, #tpu.memory_space<vmem_shared>>) target(%dma_start3A_24 : memref<16x128xf32, #tpu.memory_space<hbm>>) target_semaphore(%run_scoped3A : memref<!tpu.dma_semaphore, #tpu.memory_space<semaphore_mem>>)
        %dma_wait3A = arith.constant 0 : i32
        %dma_wait3A_28 = arith.constant 0 : i32
        %dma_wait3A_29 = tpu.memref_slice %arg6[%arg0, %dma_wait3A, %dma_wait3A_28] : memref<2x10000x128xf32, #tpu.memory_space<hbm>> -> memref<1x10000x128xf32, #tpu.memory_space<hbm>>
        %dma_wait3A_30 = tpu.memref_squeeze %dma_wait3A_29 : memref<1x10000x128xf32, #tpu.memory_space<hbm>> -> memref<10000x128xf32, #tpu.memory_space<hbm>>
        %dma_wait3A_31 = arith.constant 9984 : i32
        %dma_wait3A_32 = arith.constant 0 : i32
        %dma_wait3A_33 = tpu.memref_slice %dma_wait3A_30[%dma_wait3A_31, %dma_wait3A_32] : memref<10000x128xf32, #tpu.memory_space<hbm>> -> memref<16x128xf32, #tpu.memory_space<hbm>>
        %dma_wait3A_34 = arith.constant 9984 : i32
        %dma_wait3A_35 = arith.constant 0 : i32
        %dma_wait3A_36 = tpu.memref_slice %arg7[%dma_wait3A_34, %dma_wait3A_35] : memref<10016x128xf32, #tpu.memory_space<vmem_shared>> -> memref<16x128xf32, #tpu.memory_space<vmem_shared>>
        tpu.wait_dma2 semaphore(%run_scoped3A : memref<!tpu.dma_semaphore, #tpu.memory_space<semaphore_mem>>) src(%dma_wait3A_36 : memref<16x128xf32, #tpu.memory_space<vmem_shared>>) dst(%dma_wait3A_33 : memref<16x128xf32, #tpu.memory_space<hbm>>)
        tpu.yield
      }) : () -> ()
    } else {
    }
    return
  }
}

#map = affine_map<(d0, d1) -> (0, 0)>
#map1 = affine_map<(d0, d1) -> (0, 0, 0)>
module attributes {stable_mosaic.version = 14 : i64} {
  func.func @body(%arg0: i32, %arg1: i32, %arg2: memref<10000x128xf32, #tpu.memory_space<hbm>>, %arg3: memref<2560x128xi32, #tpu.memory_space<hbm>>, %arg4: memref<2560x128xi32, #tpu.memory_space<hbm>>, %arg5: memref<624x128xf32, #tpu.memory_space<hbm>>, %arg6: memref<2x10000x128xf32, #tpu.memory_space<hbm>>, %arg7: memref<10016x128xf32, #tpu.memory_space<vmem_shared>>, %arg8: memref<128x128xf32, #tpu.memory_space<vmem>>, %arg9: memref<128x128xf32, #tpu.memory_space<vmem>>, %arg10: memref<128xi32, #tpu.memory_space<vmem>>, %arg11: memref<128xi32, #tpu.memory_space<vmem>>, %arg12: memref<128xi32, #tpu.memory_space<vmem>>, %arg13: memref<128xi32, #tpu.memory_space<vmem>>, %arg14: memref<!tpu.dma_semaphore, #tpu.memory_space<semaphore_mem>>, %arg15: memref<!tpu.dma_semaphore, #tpu.memory_space<semaphore_mem>>) attributes {dimension_semantics = [#tpu.dimension_semantics<core_parallel>, #tpu.dimension_semantics<subcore_parallel>], iteration_bounds = array<i64: 2, 16>, scalar_prefetch = 0 : i64, scratch_operands = 9 : i64, tpu.core_type = #tpu.core_type<sc_vector_subcore>, window_params = [{transform_indices = #map}, {transform_indices = #map}, {transform_indices = #map}, {transform_indices = #map}, {transform_indices = #map1}]} {
    %mul3A = arith.constant 2 : i32
    %mul3A_0 = arith.muli %arg1, %mul3A : i32
    %add3A = arith.addi %mul3A_0, %arg0 : i32
    %mul3A_1 = arith.constant 624 : i32
    %mul3A_2 = arith.muli %arg1, %mul3A_1 : i32
    "tpu.region"() ({
      %run_scoped3A = tpu.sem_alloc : memref<!tpu.dma_semaphore, #tpu.memory_space<semaphore_mem>>
      %dma_start3A_18 = arith.constant 0 : i32
      %dma_start3A_19 = tpu.memref_slice %arg7[%mul3A_2, %dma_start3A_18] : memref<10016x128xf32, #tpu.memory_space<vmem_shared>> -> memref<624x128xf32, #tpu.memory_space<vmem_shared>>
      tpu.enqueue_dma source(%arg5 : memref<624x128xf32, #tpu.memory_space<hbm>>) target(%dma_start3A_19 : memref<624x128xf32, #tpu.memory_space<vmem_shared>>) target_semaphore(%run_scoped3A : memref<!tpu.dma_semaphore, #tpu.memory_space<semaphore_mem>>)
      %dma_wait3A = arith.constant 0 : i32
      %dma_wait3A_20 = tpu.memref_slice %arg7[%mul3A_2, %dma_wait3A] : memref<10016x128xf32, #tpu.memory_space<vmem_shared>> -> memref<624x128xf32, #tpu.memory_space<vmem_shared>>
      tpu.wait_dma2 semaphore(%run_scoped3A : memref<!tpu.dma_semaphore, #tpu.memory_space<semaphore_mem>>) src(%arg5 : memref<624x128xf32, #tpu.memory_space<hbm>>) dst(%dma_wait3A_20 : memref<624x128xf32, #tpu.memory_space<vmem_shared>>)
      tpu.yield
    }) : () -> ()
    %eq3A = arith.constant 15 : i32
    %eq3A_3 = arith.cmpi eq, %arg1, %eq3A : i32
    %convert_element_type3A = arith.extui %eq3A_3 : i1 to i32
    %cond3A = arith.constant 0 : i32
    %cond3A_4 = arith.cmpi ne, %convert_element_type3A, %cond3A : i32
    scf.if %cond3A_4 {
      "tpu.region"() ({
        %run_scoped3A = tpu.sem_alloc : memref<!tpu.dma_semaphore, #tpu.memory_space<semaphore_mem>>
        %dma_start3A_18 = arith.constant 9984 : i32
        %dma_start3A_19 = arith.constant 0 : i32
        %dma_start3A_20 = tpu.memref_slice %arg7[%dma_start3A_18, %dma_start3A_19] : memref<10016x128xf32, #tpu.memory_space<vmem_shared>> -> memref<32x128xf32, #tpu.memory_space<vmem_shared>>
        %dma_start3A_21 = arith.constant 0 : i32
        %dma_start3A_22 = arith.constant 0 : i32
        %dma_start3A_23 = tpu.memref_slice %arg5[%dma_start3A_21, %dma_start3A_22] : memref<624x128xf32, #tpu.memory_space<hbm>> -> memref<32x128xf32, #tpu.memory_space<hbm>>
        tpu.enqueue_dma source(%dma_start3A_23 : memref<32x128xf32, #tpu.memory_space<hbm>>) target(%dma_start3A_20 : memref<32x128xf32, #tpu.memory_space<vmem_shared>>) target_semaphore(%run_scoped3A : memref<!tpu.dma_semaphore, #tpu.memory_space<semaphore_mem>>)
        %dma_wait3A = arith.constant 9984 : i32
        %dma_wait3A_24 = arith.constant 0 : i32
        %dma_wait3A_25 = tpu.memref_slice %arg7[%dma_wait3A, %dma_wait3A_24] : memref<10016x128xf32, #tpu.memory_space<vmem_shared>> -> memref<32x128xf32, #tpu.memory_space<vmem_shared>>
        %dma_wait3A_26 = arith.constant 0 : i32
        %dma_wait3A_27 = arith.constant 0 : i32
        %dma_wait3A_28 = tpu.memref_slice %arg5[%dma_wait3A_26, %dma_wait3A_27] : memref<624x128xf32, #tpu.memory_space<hbm>> -> memref<32x128xf32, #tpu.memory_space<hbm>>
        tpu.wait_dma2 semaphore(%run_scoped3A : memref<!tpu.dma_semaphore, #tpu.memory_space<semaphore_mem>>) src(%dma_wait3A_28 : memref<32x128xf32, #tpu.memory_space<hbm>>) dst(%dma_wait3A_25 : memref<32x128xf32, #tpu.memory_space<vmem_shared>>)
        tpu.yield
      }) : () -> ()
    } else {
    }
    "tpu.region"() ({
      %run_scoped3A = tpu.sem_alloc : memref<!tpu.dma_semaphore, #tpu.memory_space<semaphore_mem>>
      %dma_start3A_18 = arith.constant 0 : i32
      %dma_start3A_19 = tpu.memref_slice %arg3[%add3A, %dma_start3A_18] : memref<2560x128xi32, #tpu.memory_space<hbm>> -> memref<1x128xi32, #tpu.memory_space<hbm>>
      %dma_start3A_20 = tpu.memref_squeeze %dma_start3A_19 : memref<1x128xi32, #tpu.memory_space<hbm>> -> memref<128xi32, #tpu.memory_space<hbm>>
      %dma_start3A_21 = arith.constant 0 : i32
      %dma_start3A_22 = tpu.memref_slice %arg3[%add3A, %dma_start3A_21] : memref<2560x128xi32, #tpu.memory_space<hbm>> -> memref<1x128xi32, #tpu.memory_space<hbm>>
      %dma_start3A_23 = tpu.memref_squeeze %dma_start3A_22 : memref<1x128xi32, #tpu.memory_space<hbm>> -> memref<128xi32, #tpu.memory_space<hbm>>
      tpu.enqueue_dma source(%dma_start3A_23 : memref<128xi32, #tpu.memory_space<hbm>>) target(%arg10 : memref<128xi32, #tpu.memory_space<vmem>>) target_semaphore(%run_scoped3A : memref<!tpu.dma_semaphore, #tpu.memory_space<semaphore_mem>>)
      %dma_wait3A = arith.constant 0 : i32
      %dma_wait3A_24 = tpu.memref_slice %arg3[%add3A, %dma_wait3A] : memref<2560x128xi32, #tpu.memory_space<hbm>> -> memref<1x128xi32, #tpu.memory_space<hbm>>
      %dma_wait3A_25 = tpu.memref_squeeze %dma_wait3A_24 : memref<1x128xi32, #tpu.memory_space<hbm>> -> memref<128xi32, #tpu.memory_space<hbm>>
      %dma_wait3A_26 = arith.constant 0 : i32
      %dma_wait3A_27 = tpu.memref_slice %arg3[%add3A, %dma_wait3A_26] : memref<2560x128xi32, #tpu.memory_space<hbm>> -> memref<1x128xi32, #tpu.memory_space<hbm>>
      %dma_wait3A_28 = tpu.memref_squeeze %dma_wait3A_27 : memref<1x128xi32, #tpu.memory_space<hbm>> -> memref<128xi32, #tpu.memory_space<hbm>>
      tpu.wait_dma2 semaphore(%run_scoped3A : memref<!tpu.dma_semaphore, #tpu.memory_space<semaphore_mem>>) src(%dma_wait3A_28 : memref<128xi32, #tpu.memory_space<hbm>>) dst(%arg10 : memref<128xi32, #tpu.memory_space<vmem>>)
      tpu.yield
    }) : () -> ()
    "tpu.region"() ({
      %run_scoped3A = tpu.sem_alloc : memref<!tpu.dma_semaphore, #tpu.memory_space<semaphore_mem>>
      %dma_start3A_18 = arith.constant 0 : i32
      %dma_start3A_19 = tpu.memref_slice %arg4[%add3A, %dma_start3A_18] : memref<2560x128xi32, #tpu.memory_space<hbm>> -> memref<1x128xi32, #tpu.memory_space<hbm>>
      %dma_start3A_20 = tpu.memref_squeeze %dma_start3A_19 : memref<1x128xi32, #tpu.memory_space<hbm>> -> memref<128xi32, #tpu.memory_space<hbm>>
      %dma_start3A_21 = arith.constant 0 : i32
      %dma_start3A_22 = tpu.memref_slice %arg4[%add3A, %dma_start3A_21] : memref<2560x128xi32, #tpu.memory_space<hbm>> -> memref<1x128xi32, #tpu.memory_space<hbm>>
      %dma_start3A_23 = tpu.memref_squeeze %dma_start3A_22 : memref<1x128xi32, #tpu.memory_space<hbm>> -> memref<128xi32, #tpu.memory_space<hbm>>
      tpu.enqueue_dma source(%dma_start3A_23 : memref<128xi32, #tpu.memory_space<hbm>>) target(%arg11 : memref<128xi32, #tpu.memory_space<vmem>>) target_semaphore(%run_scoped3A : memref<!tpu.dma_semaphore, #tpu.memory_space<semaphore_mem>>)
      %dma_wait3A = arith.constant 0 : i32
      %dma_wait3A_24 = tpu.memref_slice %arg4[%add3A, %dma_wait3A] : memref<2560x128xi32, #tpu.memory_space<hbm>> -> memref<1x128xi32, #tpu.memory_space<hbm>>
      %dma_wait3A_25 = tpu.memref_squeeze %dma_wait3A_24 : memref<1x128xi32, #tpu.memory_space<hbm>> -> memref<128xi32, #tpu.memory_space<hbm>>
      %dma_wait3A_26 = arith.constant 0 : i32
      %dma_wait3A_27 = tpu.memref_slice %arg4[%add3A, %dma_wait3A_26] : memref<2560x128xi32, #tpu.memory_space<hbm>> -> memref<1x128xi32, #tpu.memory_space<hbm>>
      %dma_wait3A_28 = tpu.memref_squeeze %dma_wait3A_27 : memref<1x128xi32, #tpu.memory_space<hbm>> -> memref<128xi32, #tpu.memory_space<hbm>>
      tpu.wait_dma2 semaphore(%run_scoped3A : memref<!tpu.dma_semaphore, #tpu.memory_space<semaphore_mem>>) src(%dma_wait3A_28 : memref<128xi32, #tpu.memory_space<hbm>>) dst(%arg11 : memref<128xi32, #tpu.memory_space<vmem>>)
      tpu.yield
    }) : () -> ()
    %barrier3A = arith.constant 0 : index
    tpu.barrier barrier_id(%barrier3A)
    %dma_start3A = arith.constant 0 : i32
    %dma_start3A_5 = arith.constant 0 : i32
    %dma_start3A_6 = tpu.memref_slice %arg2[%dma_start3A, %dma_start3A_5] : memref<10000x128xf32, #tpu.memory_space<hbm>> -> memref<10000x128xf32, #tpu.memory_space<hbm>>
    tpu.enqueue_indirect_dma source(%dma_start3A_6 : memref<10000x128xf32, #tpu.memory_space<hbm>>) target(%arg8 : memref<128x128xf32, #tpu.memory_space<vmem>>) offsets(%arg10 : memref<128xi32, #tpu.memory_space<vmem>>) semaphore(%arg14 : memref<!tpu.dma_semaphore, #tpu.memory_space<semaphore_mem>>)
    %scan3A = arith.constant 0 : i32
    %scan3A_7 = arith.constant 0 : i32
    %scan3A_8 = arith.constant 40 : i32
    %scan3A_9 = arith.addi %scan3A_7, %scan3A_8 : i32
    %scan3A_10 = arith.constant 1 : i32
    scf.for %scan3A_18 = %scan3A_7 to %scan3A_9 step %scan3A_10  : i32 {
      %mul3A_19 = arith.constant 2 : i32
      %mul3A_20 = arith.muli %mul3A_19, %scan3A_18 : i32
      %add3A_21 = arith.constant 1 : i32
      %add3A_22 = arith.addi %mul3A_20, %add3A_21 : i32
      %mul3A_23 = arith.constant 32 : i32
      %mul3A_24 = arith.muli %add3A_22, %mul3A_23 : i32
      %add3A_25 = arith.addi %mul3A_24, %add3A : i32
      "tpu.region"() ({
        %run_scoped3A = tpu.sem_alloc : memref<!tpu.dma_semaphore, #tpu.memory_space<semaphore_mem>>
        %dma_start3A_38 = arith.constant 0 : i32
        %dma_start3A_39 = tpu.memref_slice %arg3[%add3A_25, %dma_start3A_38] : memref<2560x128xi32, #tpu.memory_space<hbm>> -> memref<1x128xi32, #tpu.memory_space<hbm>>
        %dma_start3A_40 = tpu.memref_squeeze %dma_start3A_39 : memref<1x128xi32, #tpu.memory_space<hbm>> -> memref<128xi32, #tpu.memory_space<hbm>>
        %dma_start3A_41 = arith.constant 0 : i32
        %dma_start3A_42 = tpu.memref_slice %arg3[%add3A_25, %dma_start3A_41] : memref<2560x128xi32, #tpu.memory_space<hbm>> -> memref<1x128xi32, #tpu.memory_space<hbm>>
        %dma_start3A_43 = tpu.memref_squeeze %dma_start3A_42 : memref<1x128xi32, #tpu.memory_space<hbm>> -> memref<128xi32, #tpu.memory_space<hbm>>
        tpu.enqueue_dma source(%dma_start3A_43 : memref<128xi32, #tpu.memory_space<hbm>>) target(%arg12 : memref<128xi32, #tpu.memory_space<vmem>>) target_semaphore(%run_scoped3A : memref<!tpu.dma_semaphore, #tpu.memory_space<semaphore_mem>>)
        %dma_wait3A_44 = arith.constant 0 : i32
        %dma_wait3A_45 = tpu.memref_slice %arg3[%add3A_25, %dma_wait3A_44] : memref<2560x128xi32, #tpu.memory_space<hbm>> -> memref<1x128xi32, #tpu.memory_space<hbm>>
        %dma_wait3A_46 = tpu.memref_squeeze %dma_wait3A_45 : memref<1x128xi32, #tpu.memory_space<hbm>> -> memref<128xi32, #tpu.memory_space<hbm>>
        %dma_wait3A_47 = arith.constant 0 : i32
        %dma_wait3A_48 = tpu.memref_slice %arg3[%add3A_25, %dma_wait3A_47] : memref<2560x128xi32, #tpu.memory_space<hbm>> -> memref<1x128xi32, #tpu.memory_space<hbm>>
        %dma_wait3A_49 = tpu.memref_squeeze %dma_wait3A_48 : memref<1x128xi32, #tpu.memory_space<hbm>> -> memref<128xi32, #tpu.memory_space<hbm>>
        tpu.wait_dma2 semaphore(%run_scoped3A : memref<!tpu.dma_semaphore, #tpu.memory_space<semaphore_mem>>) src(%dma_wait3A_49 : memref<128xi32, #tpu.memory_space<hbm>>) dst(%arg12 : memref<128xi32, #tpu.memory_space<vmem>>)
        tpu.yield
      }) : () -> ()
      "tpu.region"() ({
        %run_scoped3A = tpu.sem_alloc : memref<!tpu.dma_semaphore, #tpu.memory_space<semaphore_mem>>
        %dma_start3A_38 = arith.constant 0 : i32
        %dma_start3A_39 = tpu.memref_slice %arg4[%add3A_25, %dma_start3A_38] : memref<2560x128xi32, #tpu.memory_space<hbm>> -> memref<1x128xi32, #tpu.memory_space<hbm>>
        %dma_start3A_40 = tpu.memref_squeeze %dma_start3A_39 : memref<1x128xi32, #tpu.memory_space<hbm>> -> memref<128xi32, #tpu.memory_space<hbm>>
        %dma_start3A_41 = arith.constant 0 : i32
        %dma_start3A_42 = tpu.memref_slice %arg4[%add3A_25, %dma_start3A_41] : memref<2560x128xi32, #tpu.memory_space<hbm>> -> memref<1x128xi32, #tpu.memory_space<hbm>>
        %dma_start3A_43 = tpu.memref_squeeze %dma_start3A_42 : memref<1x128xi32, #tpu.memory_space<hbm>> -> memref<128xi32, #tpu.memory_space<hbm>>
        tpu.enqueue_dma source(%dma_start3A_43 : memref<128xi32, #tpu.memory_space<hbm>>) target(%arg13 : memref<128xi32, #tpu.memory_space<vmem>>) target_semaphore(%run_scoped3A : memref<!tpu.dma_semaphore, #tpu.memory_space<semaphore_mem>>)
        %dma_wait3A_44 = arith.constant 0 : i32
        %dma_wait3A_45 = tpu.memref_slice %arg4[%add3A_25, %dma_wait3A_44] : memref<2560x128xi32, #tpu.memory_space<hbm>> -> memref<1x128xi32, #tpu.memory_space<hbm>>
        %dma_wait3A_46 = tpu.memref_squeeze %dma_wait3A_45 : memref<1x128xi32, #tpu.memory_space<hbm>> -> memref<128xi32, #tpu.memory_space<hbm>>
        %dma_wait3A_47 = arith.constant 0 : i32
        %dma_wait3A_48 = tpu.memref_slice %arg4[%add3A_25, %dma_wait3A_47] : memref<2560x128xi32, #tpu.memory_space<hbm>> -> memref<1x128xi32, #tpu.memory_space<hbm>>
        %dma_wait3A_49 = tpu.memref_squeeze %dma_wait3A_48 : memref<1x128xi32, #tpu.memory_space<hbm>> -> memref<128xi32, #tpu.memory_space<hbm>>
        tpu.wait_dma2 semaphore(%run_scoped3A : memref<!tpu.dma_semaphore, #tpu.memory_space<semaphore_mem>>) src(%dma_wait3A_49 : memref<128xi32, #tpu.memory_space<hbm>>) dst(%arg13 : memref<128xi32, #tpu.memory_space<vmem>>)
        tpu.yield
      }) : () -> ()
      %dma_start3A_26 = arith.constant 0 : i32
      %dma_start3A_27 = arith.constant 0 : i32
      %dma_start3A_28 = tpu.memref_slice %arg2[%dma_start3A_26, %dma_start3A_27] : memref<10000x128xf32, #tpu.memory_space<hbm>> -> memref<10000x128xf32, #tpu.memory_space<hbm>>
      tpu.enqueue_indirect_dma source(%dma_start3A_28 : memref<10000x128xf32, #tpu.memory_space<hbm>>) target(%arg9 : memref<128x128xf32, #tpu.memory_space<vmem>>) offsets(%arg12 : memref<128xi32, #tpu.memory_space<vmem>>) semaphore(%arg15 : memref<!tpu.dma_semaphore, #tpu.memory_space<semaphore_mem>>)
      %dma_wait3A = arith.constant 0 : i32
      %dma_wait3A_29 = arith.constant 0 : i32
      %dma_wait3A_30 = tpu.memref_slice %arg2[%dma_wait3A, %dma_wait3A_29] : memref<10000x128xf32, #tpu.memory_space<hbm>> -> memref<10000x128xf32, #tpu.memory_space<hbm>>
      tpu.wait_indirect_dma semaphore(%arg14 : memref<!tpu.dma_semaphore, #tpu.memory_space<semaphore_mem>>) src(%dma_wait3A_30 : memref<10000x128xf32, #tpu.memory_space<hbm>>) dst(%arg8 : memref<128x128xf32, #tpu.memory_space<vmem>>)
      "tpu.region"() ({
        %run_scoped3A = tpu.sem_alloc : memref<!tpu.dma_semaphore, #tpu.memory_space<semaphore_mem>>
        %dma_start3A_38 = arith.constant 0 : i32
        %dma_start3A_39 = arith.constant 0 : i32
        %dma_start3A_40 = tpu.memref_slice %arg7[%dma_start3A_38, %dma_start3A_39] : memref<10016x128xf32, #tpu.memory_space<vmem_shared>> -> memref<10016x128xf32, #tpu.memory_space<vmem_shared>>
        tpu.enqueue_indirect_dma source(%arg8 : memref<128x128xf32, #tpu.memory_space<vmem>>) target(%dma_start3A_40 : memref<10016x128xf32, #tpu.memory_space<vmem_shared>>) offsets(%arg11 : memref<128xi32, #tpu.memory_space<vmem>>) semaphore(%run_scoped3A : memref<!tpu.dma_semaphore, #tpu.memory_space<semaphore_mem>>) {add = true}
        %dma_wait3A_41 = arith.constant 0 : i32
        %dma_wait3A_42 = arith.constant 0 : i32
        %dma_wait3A_43 = tpu.memref_slice %arg7[%dma_wait3A_41, %dma_wait3A_42] : memref<10016x128xf32, #tpu.memory_space<vmem_shared>> -> memref<10016x128xf32, #tpu.memory_space<vmem_shared>>
        tpu.wait_indirect_dma semaphore(%run_scoped3A : memref<!tpu.dma_semaphore, #tpu.memory_space<semaphore_mem>>) src(%arg8 : memref<128x128xf32, #tpu.memory_space<vmem>>) dst(%dma_wait3A_43 : memref<10016x128xf32, #tpu.memory_space<vmem_shared>>)
        tpu.yield
      }) : () -> ()
      %lt3A = arith.constant 39 : i32
      %lt3A_31 = arith.cmpi slt, %scan3A_18, %lt3A : i32
      %convert_element_type3A_32 = arith.extui %lt3A_31 : i1 to i32
      %cond3A_33 = arith.constant 0 : i32
      %cond3A_34 = arith.cmpi ne, %convert_element_type3A_32, %cond3A_33 : i32
      scf.if %cond3A_34 {
        %mul3A_38 = arith.constant 2 : i32
        %mul3A_39 = arith.muli %mul3A_38, %scan3A_18 : i32
        %add3A_40 = arith.constant 2 : i32
        %add3A_41 = arith.addi %mul3A_39, %add3A_40 : i32
        %mul3A_42 = arith.constant 32 : i32
        %mul3A_43 = arith.muli %add3A_41, %mul3A_42 : i32
        %add3A_44 = arith.addi %mul3A_43, %add3A : i32
        "tpu.region"() ({
          %run_scoped3A = tpu.sem_alloc : memref<!tpu.dma_semaphore, #tpu.memory_space<semaphore_mem>>
          %dma_start3A_48 = arith.constant 0 : i32
          %dma_start3A_49 = tpu.memref_slice %arg3[%add3A_44, %dma_start3A_48] : memref<2560x128xi32, #tpu.memory_space<hbm>> -> memref<1x128xi32, #tpu.memory_space<hbm>>
          %dma_start3A_50 = tpu.memref_squeeze %dma_start3A_49 : memref<1x128xi32, #tpu.memory_space<hbm>> -> memref<128xi32, #tpu.memory_space<hbm>>
          %dma_start3A_51 = arith.constant 0 : i32
          %dma_start3A_52 = tpu.memref_slice %arg3[%add3A_44, %dma_start3A_51] : memref<2560x128xi32, #tpu.memory_space<hbm>> -> memref<1x128xi32, #tpu.memory_space<hbm>>
          %dma_start3A_53 = tpu.memref_squeeze %dma_start3A_52 : memref<1x128xi32, #tpu.memory_space<hbm>> -> memref<128xi32, #tpu.memory_space<hbm>>
          tpu.enqueue_dma source(%dma_start3A_53 : memref<128xi32, #tpu.memory_space<hbm>>) target(%arg10 : memref<128xi32, #tpu.memory_space<vmem>>) target_semaphore(%run_scoped3A : memref<!tpu.dma_semaphore, #tpu.memory_space<semaphore_mem>>)
          %dma_wait3A_54 = arith.constant 0 : i32
          %dma_wait3A_55 = tpu.memref_slice %arg3[%add3A_44, %dma_wait3A_54] : memref<2560x128xi32, #tpu.memory_space<hbm>> -> memref<1x128xi32, #tpu.memory_space<hbm>>
          %dma_wait3A_56 = tpu.memref_squeeze %dma_wait3A_55 : memref<1x128xi32, #tpu.memory_space<hbm>> -> memref<128xi32, #tpu.memory_space<hbm>>
          %dma_wait3A_57 = arith.constant 0 : i32
          %dma_wait3A_58 = tpu.memref_slice %arg3[%add3A_44, %dma_wait3A_57] : memref<2560x128xi32, #tpu.memory_space<hbm>> -> memref<1x128xi32, #tpu.memory_space<hbm>>
          %dma_wait3A_59 = tpu.memref_squeeze %dma_wait3A_58 : memref<1x128xi32, #tpu.memory_space<hbm>> -> memref<128xi32, #tpu.memory_space<hbm>>
          tpu.wait_dma2 semaphore(%run_scoped3A : memref<!tpu.dma_semaphore, #tpu.memory_space<semaphore_mem>>) src(%dma_wait3A_59 : memref<128xi32, #tpu.memory_space<hbm>>) dst(%arg10 : memref<128xi32, #tpu.memory_space<vmem>>)
          tpu.yield
        }) : () -> ()
        "tpu.region"() ({
          %run_scoped3A = tpu.sem_alloc : memref<!tpu.dma_semaphore, #tpu.memory_space<semaphore_mem>>
          %dma_start3A_48 = arith.constant 0 : i32
          %dma_start3A_49 = tpu.memref_slice %arg4[%add3A_44, %dma_start3A_48] : memref<2560x128xi32, #tpu.memory_space<hbm>> -> memref<1x128xi32, #tpu.memory_space<hbm>>
          %dma_start3A_50 = tpu.memref_squeeze %dma_start3A_49 : memref<1x128xi32, #tpu.memory_space<hbm>> -> memref<128xi32, #tpu.memory_space<hbm>>
          %dma_start3A_51 = arith.constant 0 : i32
          %dma_start3A_52 = tpu.memref_slice %arg4[%add3A_44, %dma_start3A_51] : memref<2560x128xi32, #tpu.memory_space<hbm>> -> memref<1x128xi32, #tpu.memory_space<hbm>>
          %dma_start3A_53 = tpu.memref_squeeze %dma_start3A_52 : memref<1x128xi32, #tpu.memory_space<hbm>> -> memref<128xi32, #tpu.memory_space<hbm>>
          tpu.enqueue_dma source(%dma_start3A_53 : memref<128xi32, #tpu.memory_space<hbm>>) target(%arg11 : memref<128xi32, #tpu.memory_space<vmem>>) target_semaphore(%run_scoped3A : memref<!tpu.dma_semaphore, #tpu.memory_space<semaphore_mem>>)
          %dma_wait3A_54 = arith.constant 0 : i32
          %dma_wait3A_55 = tpu.memref_slice %arg4[%add3A_44, %dma_wait3A_54] : memref<2560x128xi32, #tpu.memory_space<hbm>> -> memref<1x128xi32, #tpu.memory_space<hbm>>
          %dma_wait3A_56 = tpu.memref_squeeze %dma_wait3A_55 : memref<1x128xi32, #tpu.memory_space<hbm>> -> memref<128xi32, #tpu.memory_space<hbm>>
          %dma_wait3A_57 = arith.constant 0 : i32
          %dma_wait3A_58 = tpu.memref_slice %arg4[%add3A_44, %dma_wait3A_57] : memref<2560x128xi32, #tpu.memory_space<hbm>> -> memref<1x128xi32, #tpu.memory_space<hbm>>
          %dma_wait3A_59 = tpu.memref_squeeze %dma_wait3A_58 : memref<1x128xi32, #tpu.memory_space<hbm>> -> memref<128xi32, #tpu.memory_space<hbm>>
          tpu.wait_dma2 semaphore(%run_scoped3A : memref<!tpu.dma_semaphore, #tpu.memory_space<semaphore_mem>>) src(%dma_wait3A_59 : memref<128xi32, #tpu.memory_space<hbm>>) dst(%arg11 : memref<128xi32, #tpu.memory_space<vmem>>)
          tpu.yield
        }) : () -> ()
        %dma_start3A_45 = arith.constant 0 : i32
        %dma_start3A_46 = arith.constant 0 : i32
        %dma_start3A_47 = tpu.memref_slice %arg2[%dma_start3A_45, %dma_start3A_46] : memref<10000x128xf32, #tpu.memory_space<hbm>> -> memref<10000x128xf32, #tpu.memory_space<hbm>>
        tpu.enqueue_indirect_dma source(%dma_start3A_47 : memref<10000x128xf32, #tpu.memory_space<hbm>>) target(%arg8 : memref<128x128xf32, #tpu.memory_space<vmem>>) offsets(%arg10 : memref<128xi32, #tpu.memory_space<vmem>>) semaphore(%arg14 : memref<!tpu.dma_semaphore, #tpu.memory_space<semaphore_mem>>)
      } else {
      }
      %dma_wait3A_35 = arith.constant 0 : i32
      %dma_wait3A_36 = arith.constant 0 : i32
      %dma_wait3A_37 = tpu.memref_slice %arg2[%dma_wait3A_35, %dma_wait3A_36] : memref<10000x128xf32, #tpu.memory_space<hbm>> -> memref<10000x128xf32, #tpu.memory_space<hbm>>
      tpu.wait_indirect_dma semaphore(%arg15 : memref<!tpu.dma_semaphore, #tpu.memory_space<semaphore_mem>>) src(%dma_wait3A_37 : memref<10000x128xf32, #tpu.memory_space<hbm>>) dst(%arg9 : memref<128x128xf32, #tpu.memory_space<vmem>>)
      "tpu.region"() ({
        %run_scoped3A = tpu.sem_alloc : memref<!tpu.dma_semaphore, #tpu.memory_space<semaphore_mem>>
        %dma_start3A_38 = arith.constant 0 : i32
        %dma_start3A_39 = arith.constant 0 : i32
        %dma_start3A_40 = tpu.memref_slice %arg7[%dma_start3A_38, %dma_start3A_39] : memref<10016x128xf32, #tpu.memory_space<vmem_shared>> -> memref<10016x128xf32, #tpu.memory_space<vmem_shared>>
        tpu.enqueue_indirect_dma source(%arg9 : memref<128x128xf32, #tpu.memory_space<vmem>>) target(%dma_start3A_40 : memref<10016x128xf32, #tpu.memory_space<vmem_shared>>) offsets(%arg13 : memref<128xi32, #tpu.memory_space<vmem>>) semaphore(%run_scoped3A : memref<!tpu.dma_semaphore, #tpu.memory_space<semaphore_mem>>) {add = true}
        %dma_wait3A_41 = arith.constant 0 : i32
        %dma_wait3A_42 = arith.constant 0 : i32
        %dma_wait3A_43 = tpu.memref_slice %arg7[%dma_wait3A_41, %dma_wait3A_42] : memref<10016x128xf32, #tpu.memory_space<vmem_shared>> -> memref<10016x128xf32, #tpu.memory_space<vmem_shared>>
        tpu.wait_indirect_dma semaphore(%run_scoped3A : memref<!tpu.dma_semaphore, #tpu.memory_space<semaphore_mem>>) src(%arg9 : memref<128x128xf32, #tpu.memory_space<vmem>>) dst(%dma_wait3A_43 : memref<10016x128xf32, #tpu.memory_space<vmem_shared>>)
        tpu.yield
      }) : () -> ()
    }
    %scan3A_11 = arith.constant 40 : i32
    %barrier3A_12 = arith.constant 0 : index
    tpu.barrier barrier_id(%barrier3A_12)
    "tpu.region"() ({
      %run_scoped3A = tpu.sem_alloc : memref<!tpu.dma_semaphore, #tpu.memory_space<semaphore_mem>>
      %dma_start3A_18 = arith.constant 0 : i32
      %dma_start3A_19 = arith.constant 0 : i32
      %dma_start3A_20 = tpu.memref_slice %arg6[%arg0, %dma_start3A_18, %dma_start3A_19] : memref<2x10000x128xf32, #tpu.memory_space<hbm>> -> memref<1x10000x128xf32, #tpu.memory_space<hbm>>
      %dma_start3A_21 = tpu.memref_squeeze %dma_start3A_20 : memref<1x10000x128xf32, #tpu.memory_space<hbm>> -> memref<10000x128xf32, #tpu.memory_space<hbm>>
      %dma_start3A_22 = arith.constant 0 : i32
      %dma_start3A_23 = tpu.memref_slice %dma_start3A_21[%mul3A_2, %dma_start3A_22] : memref<10000x128xf32, #tpu.memory_space<hbm>> -> memref<624x128xf32, #tpu.memory_space<hbm>>
      %dma_start3A_24 = arith.constant 0 : i32
      %dma_start3A_25 = tpu.memref_slice %arg7[%mul3A_2, %dma_start3A_24] : memref<10016x128xf32, #tpu.memory_space<vmem_shared>> -> memref<624x128xf32, #tpu.memory_space<vmem_shared>>
      tpu.enqueue_dma source(%dma_start3A_25 : memref<624x128xf32, #tpu.memory_space<vmem_shared>>) target(%dma_start3A_23 : memref<624x128xf32, #tpu.memory_space<hbm>>) target_semaphore(%run_scoped3A : memref<!tpu.dma_semaphore, #tpu.memory_space<semaphore_mem>>)
      %dma_wait3A = arith.constant 0 : i32
      %dma_wait3A_26 = arith.constant 0 : i32
      %dma_wait3A_27 = tpu.memref_slice %arg6[%arg0, %dma_wait3A, %dma_wait3A_26] : memref<2x10000x128xf32, #tpu.memory_space<hbm>> -> memref<1x10000x128xf32, #tpu.memory_space<hbm>>
      %dma_wait3A_28 = tpu.memref_squeeze %dma_wait3A_27 : memref<1x10000x128xf32, #tpu.memory_space<hbm>> -> memref<10000x128xf32, #tpu.memory_space<hbm>>
      %dma_wait3A_29 = arith.constant 0 : i32
      %dma_wait3A_30 = tpu.memref_slice %dma_wait3A_28[%mul3A_2, %dma_wait3A_29] : memref<10000x128xf32, #tpu.memory_space<hbm>> -> memref<624x128xf32, #tpu.memory_space<hbm>>
      %dma_wait3A_31 = arith.constant 0 : i32
      %dma_wait3A_32 = tpu.memref_slice %arg7[%mul3A_2, %dma_wait3A_31] : memref<10016x128xf32, #tpu.memory_space<vmem_shared>> -> memref<624x128xf32, #tpu.memory_space<vmem_shared>>
      tpu.wait_dma2 semaphore(%run_scoped3A : memref<!tpu.dma_semaphore, #tpu.memory_space<semaphore_mem>>) src(%dma_wait3A_32 : memref<624x128xf32, #tpu.memory_space<vmem_shared>>) dst(%dma_wait3A_30 : memref<624x128xf32, #tpu.memory_space<hbm>>)
      tpu.yield
    }) : () -> ()
    %eq3A_13 = arith.constant 15 : i32
    %eq3A_14 = arith.cmpi eq, %arg1, %eq3A_13 : i32
    %convert_element_type3A_15 = arith.extui %eq3A_14 : i1 to i32
    %cond3A_16 = arith.constant 0 : i32
    %cond3A_17 = arith.cmpi ne, %convert_element_type3A_15, %cond3A_16 : i32
    scf.if %cond3A_17 {
      "tpu.region"() ({
        %run_scoped3A = tpu.sem_alloc : memref<!tpu.dma_semaphore, #tpu.memory_space<semaphore_mem>>
        %dma_start3A_18 = arith.constant 0 : i32
        %dma_start3A_19 = arith.constant 0 : i32
        %dma_start3A_20 = tpu.memref_slice %arg6[%arg0, %dma_start3A_18, %dma_start3A_19] : memref<2x10000x128xf32, #tpu.memory_space<hbm>> -> memref<1x10000x128xf32, #tpu.memory_space<hbm>>
        %dma_start3A_21 = tpu.memref_squeeze %dma_start3A_20 : memref<1x10000x128xf32, #tpu.memory_space<hbm>> -> memref<10000x128xf32, #tpu.memory_space<hbm>>
        %dma_start3A_22 = arith.constant 9984 : i32
        %dma_start3A_23 = arith.constant 0 : i32
        %dma_start3A_24 = tpu.memref_slice %dma_start3A_21[%dma_start3A_22, %dma_start3A_23] : memref<10000x128xf32, #tpu.memory_space<hbm>> -> memref<16x128xf32, #tpu.memory_space<hbm>>
        %dma_start3A_25 = arith.constant 9984 : i32
        %dma_start3A_26 = arith.constant 0 : i32
        %dma_start3A_27 = tpu.memref_slice %arg7[%dma_start3A_25, %dma_start3A_26] : memref<10016x128xf32, #tpu.memory_space<vmem_shared>> -> memref<16x128xf32, #tpu.memory_space<vmem_shared>>
        tpu.enqueue_dma source(%dma_start3A_27 : memref<16x128xf32, #tpu.memory_space<vmem_shared>>) target(%dma_start3A_24 : memref<16x128xf32, #tpu.memory_space<hbm>>) target_semaphore(%run_scoped3A : memref<!tpu.dma_semaphore, #tpu.memory_space<semaphore_mem>>)
        %dma_wait3A = arith.constant 0 : i32
        %dma_wait3A_28 = arith.constant 0 : i32
        %dma_wait3A_29 = tpu.memref_slice %arg6[%arg0, %dma_wait3A, %dma_wait3A_28] : memref<2x10000x128xf32, #tpu.memory_space<hbm>> -> memref<1x10000x128xf32, #tpu.memory_space<hbm>>
        %dma_wait3A_30 = tpu.memref_squeeze %dma_wait3A_29 : memref<1x10000x128xf32, #tpu.memory_space<hbm>> -> memref<10000x128xf32, #tpu.memory_space<hbm>>
        %dma_wait3A_31 = arith.constant 9984 : i32
        %dma_wait3A_32 = arith.constant 0 : i32
        %dma_wait3A_33 = tpu.memref_slice %dma_wait3A_30[%dma_wait3A_31, %dma_wait3A_32] : memref<10000x128xf32, #tpu.memory_space<hbm>> -> memref<16x128xf32, #tpu.memory_space<hbm>>
        %dma_wait3A_34 = arith.constant 9984 : i32
        %dma_wait3A_35 = arith.constant 0 : i32
        %dma_wait3A_36 = tpu.memref_slice %arg7[%dma_wait3A_34, %dma_wait3A_35] : memref<10016x128xf32, #tpu.memory_space<vmem_shared>> -> memref<16x128xf32, #tpu.memory_space<vmem_shared>>
        tpu.wait_dma2 semaphore(%run_scoped3A : memref<!tpu.dma_semaphore, #tpu.memory_space<semaphore_mem>>) src(%dma_wait3A_36 : memref<16x128xf32, #tpu.memory_space<vmem_shared>>) dst(%dma_wait3A_33 : memref<16x128xf32, #tpu.memory_space<hbm>>)
        tpu.yield
      }) : () -> ()
    } else {
    }
    return
  }
}

module attributes {stable_mosaic.version = 14 : i64} {
  func.func @_tc3_body(%arg0: i32, %arg1: memref<1024x128xf32, #tpu.memory_space<vmem>>, %arg2: memref<2x1024x128xf32, #tpu.memory_space<vmem>>, %arg3: memref<2x1024x128xf32, #tpu.memory_space<vmem>>, %arg4: memref<128x128xf32, #tpu.memory_space<vmem>>, %arg5: memref<128x128xf32, #tpu.memory_space<vmem>>, %arg6: memref<1x128xf32, #tpu.memory_space<vmem>>, %arg7: memref<1024x128xf32, #tpu.memory_space<vmem>>) attributes {dimension_semantics = [#tpu.dimension_semantics<arbitrary>], iteration_bounds = array<i64: 10>, scalar_prefetch = 0 : i64, scratch_operands = 0 : i64, tpu.core_type = #tpu.core_type<tc>, window_params = [{transform_indices = @transform_0, window_bounds = array<i64: 1024, 128>}, {transform_indices = @transform_1, window_bounds = array<i64: 2, 1024, 128>}, {transform_indices = @transform_2, window_bounds = array<i64: 2, 1024, 128>}, {pipeline_mode = #tpu.pipeline_mode<synchronous>, transform_indices = @transform_3, window_bounds = array<i64: 128, 128>}, {pipeline_mode = #tpu.pipeline_mode<synchronous>, transform_indices = @transform_4, window_bounds = array<i64: 128, 128>}, {pipeline_mode = #tpu.pipeline_mode<synchronous>, transform_indices = @transform_5, window_bounds = array<i64: 1, 128>}, {transform_indices = @transform_6, window_bounds = array<i64: 1024, 128>}]} {
    %get3A = arith.constant 0 : index
    %get3A_0 = arith.constant 0 : index
    %get3A_1 = arith.constant 0 : index
    %get3A_2 = vector.load %arg2[%get3A, %get3A_0, %get3A_1] : memref<2x1024x128xf32, #tpu.memory_space<vmem>>, vector<1x1024x128xf32>
    %get3A_3 = vector.shape_cast %get3A_2 : vector<1x1024x128xf32> to vector<1024x128xf32>
    %get3A_4 = arith.constant 1 : index
    %get3A_5 = arith.constant 0 : index
    %get3A_6 = arith.constant 0 : index
    %get3A_7 = vector.load %arg2[%get3A_4, %get3A_5, %get3A_6] : memref<2x1024x128xf32, #tpu.memory_space<vmem>>, vector<1x1024x128xf32>
    %get3A_8 = vector.shape_cast %get3A_7 : vector<1x1024x128xf32> to vector<1024x128xf32>
    %add3A = arith.addf %get3A_3, %get3A_8 : vector<1024x128xf32>
    %get3A_9 = arith.constant 0 : index
    %get3A_10 = arith.constant 0 : index
    %get3A_11 = arith.constant 0 : index
    %get3A_12 = vector.load %arg3[%get3A_9, %get3A_10, %get3A_11] : memref<2x1024x128xf32, #tpu.memory_space<vmem>>, vector<1x1024x128xf32>
    %get3A_13 = vector.shape_cast %get3A_12 : vector<1x1024x128xf32> to vector<1024x128xf32>
    %get3A_14 = arith.constant 1 : index
    %get3A_15 = arith.constant 0 : index
    %get3A_16 = arith.constant 0 : index
    %get3A_17 = vector.load %arg3[%get3A_14, %get3A_15, %get3A_16] : memref<2x1024x128xf32, #tpu.memory_space<vmem>>, vector<1x1024x128xf32>
    %get3A_18 = vector.shape_cast %get3A_17 : vector<1x1024x128xf32> to vector<1024x128xf32>
    %add3A_19 = arith.addf %get3A_13, %get3A_18 : vector<1024x128xf32>
    %slice3A = vector.extract_strided_slice %add3A_19 {offsets = [0, 0], sizes = [1024, 1], strides = [1, 1]} : vector<1024x128xf32> to vector<1024x1xf32>
    %squeeze3A = vector.shape_cast %slice3A : vector<1024x1xf32> to vector<1024xf32>
    %max3A = arith.constant 1.000000e+00 : f32
    %max3A_20 = vector.broadcast %max3A : f32 to vector<1024xf32>
    %max3A_21 = arith.maximumf %squeeze3A, %max3A_20 : vector<1024xf32>
    %div3A = arith.constant 1.000000e+00 : f32
    %div3A_22 = vector.broadcast %div3A : f32 to vector<1024xf32>
    %div3A_23 = arith.divf %div3A_22, %max3A_21 : vector<1024xf32>
    %broadcast_in_dim3A = vector.shape_cast %div3A_23 : vector<1024xf32> to vector<1024x1xf32>
    %mul3A = vector.broadcast %broadcast_in_dim3A : vector<1024x1xf32> to vector<1024x128xf32>
    %mul3A_24 = arith.mulf %add3A, %mul3A : vector<1024x128xf32>
    %get3A_25 = arith.constant 0 : index
    %get3A_26 = arith.constant 0 : index
    %get3A_27 = vector.load %arg1[%get3A_25, %get3A_26] : memref<1024x128xf32, #tpu.memory_space<vmem>>, vector<1024x128xf32>
    %get3A_28 = arith.constant 0 : index
    %get3A_29 = arith.constant 0 : index
    %get3A_30 = vector.load %arg4[%get3A_28, %get3A_29] : memref<128x128xf32, #tpu.memory_space<vmem>>, vector<128x128xf32>
    %dot_general3A = arith.constant dense<0.000000e+00> : vector<1024x128xf32>
    %dot_general3A_31 = tpu.matmul %get3A_27, %get3A_30, %dot_general3A {dimension_numbers = #tpu.dot_dimension_numbers<[1], [0], [0], [1], [0, 0, 1, 1], [], []>, transpose_lhs_hint = false} : vector<1024x128xf32>, vector<128x128xf32>, vector<1024x128xf32> -> vector<1024x128xf32>
    %get3A_32 = arith.constant 0 : index
    %get3A_33 = arith.constant 0 : index
    %get3A_34 = vector.load %arg5[%get3A_32, %get3A_33] : memref<128x128xf32, #tpu.memory_space<vmem>>, vector<128x128xf32>
    %dot_general3A_35 = arith.constant dense<0.000000e+00> : vector<1024x128xf32>
    %dot_general3A_36 = tpu.matmul %mul3A_24, %get3A_34, %dot_general3A_35 {dimension_numbers = #tpu.dot_dimension_numbers<[1], [0], [0], [1], [0, 0, 1, 1], [], []>, transpose_lhs_hint = false} : vector<1024x128xf32>, vector<128x128xf32>, vector<1024x128xf32> -> vector<1024x128xf32>
    %add3A_37 = arith.addf %dot_general3A_31, %dot_general3A_36 : vector<1024x128xf32>
    %get3A_38 = arith.constant 0 : index
    %get3A_39 = arith.constant 0 : index
    %get3A_40 = vector.load %arg6[%get3A_38, %get3A_39] : memref<1x128xf32, #tpu.memory_space<vmem>>, vector<1x128xf32>
    %add3A_41 = vector.broadcast %get3A_40 : vector<1x128xf32> to vector<1024x128xf32>
    %add3A_42 = arith.addf %add3A_37, %add3A_41 : vector<1024x128xf32>
    %iota3A = tpu.iota {dimensions = array<i32: 1>} : vector<1024x128xi32>
    %lt3A = arith.constant 47 : i32
    %lt3A_43 = vector.broadcast %lt3A : i32 to vector<1024x128xi32>
    %lt3A_44 = arith.cmpi slt, %iota3A, %lt3A_43 : vector<1024x128xi32>
    %jit3A = arith.constant -1.000000e+30 : f32
    %broadcast_in_dim3A_45 = vector.broadcast %jit3A : f32 to vector<1024x128xf32>
    %select_n3A = arith.select %lt3A_44, %add3A_42, %broadcast_in_dim3A_45 : vector<1024x128xi1>, vector<1024x128xf32>
    %reduce_max3A = arith.constant dense<0xFF800000> : vector<1024xf32>
    %reduce_max3A_46 = vector.multi_reduction <maximumf>, %select_n3A, %reduce_max3A [1] : vector<1024x128xf32> to vector<1024xf32>
    %broadcast_in_dim3A_47 = vector.shape_cast %reduce_max3A_46 : vector<1024xf32> to vector<1024x1xf32>
    %sub3A = vector.broadcast %broadcast_in_dim3A_47 : vector<1024x1xf32> to vector<1024x128xf32>
    %sub3A_48 = arith.subf %select_n3A, %sub3A : vector<1024x128xf32>
    %exp3A = math.exp %sub3A_48 : vector<1024x128xf32>
    %jit3A_49 = arith.constant 0.000000e+00 : f32
    %broadcast_in_dim3A_50 = vector.broadcast %jit3A_49 : f32 to vector<1024x128xf32>
    %select_n3A_51 = arith.select %lt3A_44, %exp3A, %broadcast_in_dim3A_50 : vector<1024x128xi1>, vector<1024x128xf32>
    %reduce_sum3A = arith.constant dense<0.000000e+00> : vector<1024xf32>
    %reduce_sum3A_52 = vector.multi_reduction <add>, %select_n3A_51, %reduce_sum3A [1] : vector<1024x128xf32> to vector<1024xf32>
    %broadcast_in_dim3A_53 = vector.shape_cast %reduce_sum3A_52 : vector<1024xf32> to vector<1024x1xf32>
    %log3A = math.log %broadcast_in_dim3A_53 : vector<1024x1xf32>
    %add3A_54 = arith.addf %log3A, %broadcast_in_dim3A_47 : vector<1024x1xf32>
    %sub3A_55 = vector.broadcast %add3A_54 : vector<1024x1xf32> to vector<1024x128xf32>
    %sub3A_56 = arith.subf %add3A_42, %sub3A_55 : vector<1024x128xf32>
    %swap3A = arith.constant 0 : index
    %swap3A_57 = arith.constant 0 : index
    %swap3A_58 = vector.load %arg7[%swap3A, %swap3A_57] : memref<1024x128xf32, #tpu.memory_space<vmem>>, vector<1024x128xf32>
    tpu.vector_store %arg7[%swap3A, %swap3A_57], %sub3A_56 {strides = array<i32>} : memref<1024x128xf32, #tpu.memory_space<vmem>>, vector<1024x128xf32>,
    return
  }
  func.func @transform_0(%arg0: i32) -> (i32, i32) {
    %c0_i32 = arith.constant 0 : i32
    %c0_i32_0 = arith.constant 0 : i32
    return %arg0, %c0_i32 : i32, i32
  }
  func.func @transform_1(%arg0: i32) -> (i32, i32, i32) {
    %c0_i32 = arith.constant 0 : i32
    %c0_i32_0 = arith.constant 0 : i32
    %c0_i32_1 = arith.constant 0 : i32
    return %c0_i32, %arg0, %c0_i32_0 : i32, i32, i32
  }
  func.func @transform_2(%arg0: i32) -> (i32, i32, i32) {
    %c0_i32 = arith.constant 0 : i32
    %c0_i32_0 = arith.constant 0 : i32
    %c0_i32_1 = arith.constant 0 : i32
    return %c0_i32, %arg0, %c0_i32_0 : i32, i32, i32
  }
  func.func @transform_3(%arg0: i32) -> (i32, i32) {
    %c0_i32 = arith.constant 0 : i32
    %c0_i32_0 = arith.constant 0 : i32
    %c0_i32_1 = arith.constant 0 : i32
    return %c0_i32, %c0_i32_0 : i32, i32
  }
  func.func @transform_4(%arg0: i32) -> (i32, i32) {
    %c0_i32 = arith.constant 0 : i32
    %c0_i32_0 = arith.constant 0 : i32
    %c0_i32_1 = arith.constant 0 : i32
    return %c0_i32, %c0_i32_0 : i32, i32
  }
  func.func @transform_5(%arg0: i32) -> (i32, i32) {
    %c0_i32 = arith.constant 0 : i32
    %c0_i32_0 = arith.constant 0 : i32
    %c0_i32_1 = arith.constant 0 : i32
    return %c0_i32, %c0_i32_0 : i32, i32
  }
  func.func @transform_6(%arg0: i32) -> (i32, i32) {
    %c0_i32 = arith.constant 0 : i32
    %c0_i32_0 = arith.constant 0 : i32
    return %arg0, %c0_i32 : i32, i32
  }
}

module attributes {stable_mosaic.version = 14 : i64} {
  func.func @_tc1_body(%arg0: i32, %arg1: memref<1024x128xf32, #tpu.memory_space<vmem>>, %arg2: memref<2x1024x128xf32, #tpu.memory_space<vmem>>, %arg3: memref<2x1024x128xf32, #tpu.memory_space<vmem>>, %arg4: memref<128x128xf32, #tpu.memory_space<vmem>>, %arg5: memref<128x128xf32, #tpu.memory_space<vmem>>, %arg6: memref<1x128xf32, #tpu.memory_space<vmem>>, %arg7: memref<1024x128xf32, #tpu.memory_space<vmem>>) attributes {dimension_semantics = [#tpu.dimension_semantics<arbitrary>], iteration_bounds = array<i64: 10>, scalar_prefetch = 0 : i64, scratch_operands = 0 : i64, tpu.core_type = #tpu.core_type<tc>, window_params = [{transform_indices = @transform_0, window_bounds = array<i64: 1024, 128>}, {transform_indices = @transform_1, window_bounds = array<i64: 2, 1024, 128>}, {transform_indices = @transform_2, window_bounds = array<i64: 2, 1024, 128>}, {pipeline_mode = #tpu.pipeline_mode<synchronous>, transform_indices = @transform_3, window_bounds = array<i64: 128, 128>}, {pipeline_mode = #tpu.pipeline_mode<synchronous>, transform_indices = @transform_4, window_bounds = array<i64: 128, 128>}, {pipeline_mode = #tpu.pipeline_mode<synchronous>, transform_indices = @transform_5, window_bounds = array<i64: 1, 128>}, {transform_indices = @transform_6, window_bounds = array<i64: 1024, 128>}]} {
    %get3A = arith.constant 0 : index
    %get3A_0 = arith.constant 0 : index
    %get3A_1 = arith.constant 0 : index
    %get3A_2 = vector.load %arg2[%get3A, %get3A_0, %get3A_1] : memref<2x1024x128xf32, #tpu.memory_space<vmem>>, vector<1x1024x128xf32>
    %get3A_3 = vector.shape_cast %get3A_2 : vector<1x1024x128xf32> to vector<1024x128xf32>
    %get3A_4 = arith.constant 1 : index
    %get3A_5 = arith.constant 0 : index
    %get3A_6 = arith.constant 0 : index
    %get3A_7 = vector.load %arg2[%get3A_4, %get3A_5, %get3A_6] : memref<2x1024x128xf32, #tpu.memory_space<vmem>>, vector<1x1024x128xf32>
    %get3A_8 = vector.shape_cast %get3A_7 : vector<1x1024x128xf32> to vector<1024x128xf32>
    %add3A = arith.addf %get3A_3, %get3A_8 : vector<1024x128xf32>
    %get3A_9 = arith.constant 0 : index
    %get3A_10 = arith.constant 0 : index
    %get3A_11 = arith.constant 0 : index
    %get3A_12 = vector.load %arg3[%get3A_9, %get3A_10, %get3A_11] : memref<2x1024x128xf32, #tpu.memory_space<vmem>>, vector<1x1024x128xf32>
    %get3A_13 = vector.shape_cast %get3A_12 : vector<1x1024x128xf32> to vector<1024x128xf32>
    %get3A_14 = arith.constant 1 : index
    %get3A_15 = arith.constant 0 : index
    %get3A_16 = arith.constant 0 : index
    %get3A_17 = vector.load %arg3[%get3A_14, %get3A_15, %get3A_16] : memref<2x1024x128xf32, #tpu.memory_space<vmem>>, vector<1x1024x128xf32>
    %get3A_18 = vector.shape_cast %get3A_17 : vector<1x1024x128xf32> to vector<1024x128xf32>
    %add3A_19 = arith.addf %get3A_13, %get3A_18 : vector<1024x128xf32>
    %slice3A = vector.extract_strided_slice %add3A_19 {offsets = [0, 0], sizes = [1024, 1], strides = [1, 1]} : vector<1024x128xf32> to vector<1024x1xf32>
    %squeeze3A = vector.shape_cast %slice3A : vector<1024x1xf32> to vector<1024xf32>
    %max3A = arith.constant 1.000000e+00 : f32
    %max3A_20 = vector.broadcast %max3A : f32 to vector<1024xf32>
    %max3A_21 = arith.maximumf %squeeze3A, %max3A_20 : vector<1024xf32>
    %div3A = arith.constant 1.000000e+00 : f32
    %div3A_22 = vector.broadcast %div3A : f32 to vector<1024xf32>
    %div3A_23 = arith.divf %div3A_22, %max3A_21 : vector<1024xf32>
    %broadcast_in_dim3A = vector.shape_cast %div3A_23 : vector<1024xf32> to vector<1024x1xf32>
    %mul3A = vector.broadcast %broadcast_in_dim3A : vector<1024x1xf32> to vector<1024x128xf32>
    %mul3A_24 = arith.mulf %add3A, %mul3A : vector<1024x128xf32>
    %get3A_25 = arith.constant 0 : index
    %get3A_26 = arith.constant 0 : index
    %get3A_27 = vector.load %arg1[%get3A_25, %get3A_26] : memref<1024x128xf32, #tpu.memory_space<vmem>>, vector<1024x128xf32>
    %get3A_28 = arith.constant 0 : index
    %get3A_29 = arith.constant 0 : index
    %get3A_30 = vector.load %arg4[%get3A_28, %get3A_29] : memref<128x128xf32, #tpu.memory_space<vmem>>, vector<128x128xf32>
    %dot_general3A = arith.constant dense<0.000000e+00> : vector<1024x128xf32>
    %dot_general3A_31 = tpu.matmul %get3A_27, %get3A_30, %dot_general3A {dimension_numbers = #tpu.dot_dimension_numbers<[1], [0], [0], [1], [0, 0, 1, 1], [], []>, transpose_lhs_hint = false} : vector<1024x128xf32>, vector<128x128xf32>, vector<1024x128xf32> -> vector<1024x128xf32>
    %get3A_32 = arith.constant 0 : index
    %get3A_33 = arith.constant 0 : index
    %get3A_34 = vector.load %arg5[%get3A_32, %get3A_33] : memref<128x128xf32, #tpu.memory_space<vmem>>, vector<128x128xf32>
    %dot_general3A_35 = arith.constant dense<0.000000e+00> : vector<1024x128xf32>
    %dot_general3A_36 = tpu.matmul %mul3A_24, %get3A_34, %dot_general3A_35 {dimension_numbers = #tpu.dot_dimension_numbers<[1], [0], [0], [1], [0, 0, 1, 1], [], []>, transpose_lhs_hint = false} : vector<1024x128xf32>, vector<128x128xf32>, vector<1024x128xf32> -> vector<1024x128xf32>
    %add3A_37 = arith.addf %dot_general3A_31, %dot_general3A_36 : vector<1024x128xf32>
    %get3A_38 = arith.constant 0 : index
    %get3A_39 = arith.constant 0 : index
    %get3A_40 = vector.load %arg6[%get3A_38, %get3A_39] : memref<1x128xf32, #tpu.memory_space<vmem>>, vector<1x128xf32>
    %add3A_41 = vector.broadcast %get3A_40 : vector<1x128xf32> to vector<1024x128xf32>
    %add3A_42 = arith.addf %add3A_37, %add3A_41 : vector<1024x128xf32>
    %max3A_43 = arith.constant 0.000000e+00 : f32
    %max3A_44 = vector.broadcast %max3A_43 : f32 to vector<1024x128xf32>
    %max3A_45 = arith.maximumf %add3A_42, %max3A_44 : vector<1024x128xf32>
    %swap3A = arith.constant 0 : index
    %swap3A_46 = arith.constant 0 : index
    %swap3A_47 = vector.load %arg7[%swap3A, %swap3A_46] : memref<1024x128xf32, #tpu.memory_space<vmem>>, vector<1024x128xf32>
    tpu.vector_store %arg7[%swap3A, %swap3A_46], %max3A_45 {strides = array<i32>} : memref<1024x128xf32, #tpu.memory_space<vmem>>, vector<1024x128xf32>,
    return
  }
  func.func @transform_0(%arg0: i32) -> (i32, i32) {
    %c0_i32 = arith.constant 0 : i32
    %c0_i32_0 = arith.constant 0 : i32
    return %arg0, %c0_i32 : i32, i32
  }
  func.func @transform_1(%arg0: i32) -> (i32, i32, i32) {
    %c0_i32 = arith.constant 0 : i32
    %c0_i32_0 = arith.constant 0 : i32
    %c0_i32_1 = arith.constant 0 : i32
    return %c0_i32, %arg0, %c0_i32_0 : i32, i32, i32
  }
  func.func @transform_2(%arg0: i32) -> (i32, i32, i32) {
    %c0_i32 = arith.constant 0 : i32
    %c0_i32_0 = arith.constant 0 : i32
    %c0_i32_1 = arith.constant 0 : i32
    return %c0_i32, %arg0, %c0_i32_0 : i32, i32, i32
  }
  func.func @transform_3(%arg0: i32) -> (i32, i32) {
    %c0_i32 = arith.constant 0 : i32
    %c0_i32_0 = arith.constant 0 : i32
    %c0_i32_1 = arith.constant 0 : i32
    return %c0_i32, %c0_i32_0 : i32, i32
  }
  func.func @transform_4(%arg0: i32) -> (i32, i32) {
    %c0_i32 = arith.constant 0 : i32
    %c0_i32_0 = arith.constant 0 : i32
    %c0_i32_1 = arith.constant 0 : i32
    return %c0_i32, %c0_i32_0 : i32, i32
  }
  func.func @transform_5(%arg0: i32) -> (i32, i32) {
    %c0_i32 = arith.constant 0 : i32
    %c0_i32_0 = arith.constant 0 : i32
    %c0_i32_1 = arith.constant 0 : i32
    return %c0_i32, %c0_i32_0 : i32, i32
  }
  func.func @transform_6(%arg0: i32) -> (i32, i32) {
    %c0_i32 = arith.constant 0 : i32
    %c0_i32_0 = arith.constant 0 : i32
    return %arg0, %c0_i32 : i32, i32
  }
}

</mosaic_0001>

<sc_bundles>
// kernel: kernel.12.cloned.1.call-start
scs
__scs_entry_jumppad:
0x0: {  	(pc) =	sbr.rel $0x88, $3  }
0x1: {  	(tag) =	ssettag $0x0;
	lr =	simm.s32 $0x1  }
0x2: {  	[smem:$0x3F96] =	sst lr;
	_ =	strace $0xD0000000  }
0x3: {  	_ = 	snop  }
0x4: {  	_ = 	snop  }
0x5: {  	_ = 	snop  }
0x6: {  	_ = 	snop  }
0x7: {  	_ = 	snop  }
__scs_overlays_trampoline_lowered:
0x8: {  	[smem:$0x3FA5] =	sst s0  }
0x9: {  	[smem:$0x3FA6] =	sst s1  }
0xa: {  	[smem:$0x3FA7] =	sst s2  }
0xb: {  	[smem:$0x3FA8] =	sst s3  }
0xc: {  	[smem:$0x3FA9] =	sst s4  }
0xd: {  	[smem:$0x3FAA] =	sst s5  }
0xe: {  	[smem:$0x3FAB] =	sst s6  }
0xf: {  	[smem:$0x3FAC] =	sst s7  }
0x10: {  	[smem:$0x3FAD] =	sst s8  }
0x11: {  	[smem:$0x3FAE] =	sst s9;
	s0 =	simm.s32 @!p0 $0x0  }
0x12: {  	s1 =	sld [smem:$0x3F94];
	s0 =	simm.s32 @p0 $0x1  }
0x13: {  	[smem:$0x3FAF] =	sst s0;
	s0 =	simm.s32 @!p1 $0x0  }
0x14: {  	s2 =	sld [smem:$0x3F93];
	s0 =	simm.s32 @p1 $0x1  }
0x15: {  	[smem:$0x3FB0] =	sst s0;
	s0 =	simm.s32 @!p2 $0x0  }
0x16: {  	s3 =	sld [smem:$0x3FDB];
	s0 =	simm.s32 @p2 $0x1  }
0x17: {  	s4 =	simm.s32 $0x1BF5;
	[smem:$0x3FB2] =	sst s0  }
0x18: {  	s0 =	sld [smem:$0x3F95];
	_ =	swait.ge [sflag:s4], $0x0  }
0x19: {  	s7 =	sld [smem:$0x3F96]  }
0x1a: {  	s8 =	sadd.s32 $0xFFFFE003, lr  }
0x1b: {  	s9 =	sadd.s32 $0xFFFFFEF7, lr;
	s5 =	simm.s32 $0xFFFFFFFF;
	p2 =	slt.u32 s8, $0xFFFFF086  }
0x1c: {  	p1 =	slt.u32 s9, $0xF7A;
	s5 =	simm.s32 @!p2 $0x0  }
0x1d: {  	s5 =	simm.s32 @p1 $0x1;
	p0 =	seq.s32 s7, s2  }
0x1e: {  	s7 =	smul.u32 @!p0 $0xF7A, s2;
	p2 =	seq.s32 @!p0 s5, $0x0  }
0x1f: {  	s9 =	smul.u32 $0xF7A, s1;
	s8 =	simm.s32 @!p0 $0x1BF5;
	p2 =	por !p2, p0  }
0x20: {  	[sflag:s8] =	ssyncset.s32 @!p0 $0xFFFFF086;
	s6 =	sadd.s32 @!p0 s3, s7;
	s7 =	simm.s32 @!p0 $0x108  }
0x21: {  	s3 =	sadd.s32 s3, s9;
	s6 =	sadd.s32 @!p0 $0x88, s6;
	s7 =	simm.s32 @p2 $0x1082  }
0x22: {  	[simem:s7], [sflag:s8] =	dma.local @!p0 [hbm:s6], $0xF7A  }
0x23: {  	s9 =	sor.u32 $0xD0000000, s2;
	s6 =	simm.s32 $0x108;
	_ =	swait.ge @!p0 [sflag:s8], $0x0  }
0x24: {  	s3 =	sadd.s32 $0x88, s3;
	s6 =	simm.s32 @!p1 $0x1082;
	[sflag:s4] =	ssyncset.s32 $0xFFFFF086  }
0x25: {  	[simem:s6], [sflag:s4] =	dma.local [hbm:s3], $0xF7A  }
0x26: {  	[smem:$0x3F96] =	sst s1;
	(tag) =	ssettag s2;
	_ =	strace s9  }
0x27: {  	s1 =	sld [smem:$0x3FA6]  }
0x28: {  	s2 =	sld [smem:$0x3FA7]  }
0x29: {  	s4 =	sld [smem:$0x3FA9]  }
0x2a: {  	p0 =	seq.s32 s5, $0x0;
	s5 =	sld [smem:$0x3FAA]  }
0x2b: {  	s6 =	sld [smem:$0x3FAB]  }
0x2c: {  	s7 =	sld [smem:$0x3FAC]  }
0x2d: {  	s3 =	simm.s32 $0x108;
	s8 =	sld [smem:$0x3FAD]  }
0x2e: {  	s3 =	simm.s32 @!p0 $0x1082;
	s9 =	sld [smem:$0x3FAE]  }
0x2f: {  	lr =	sadd.s32 s0, s3;
	s0 =	sld [smem:$0x3FA5]  }
0x30: {  	s3 =	sld [smem:$0x3FA8]  }
0x31: {  	[smem:$0x3FB1] =	sst s10  }
0x32: {  	s10 =	sld [smem:$0x3FAF];
	_ =	sdelay $0x3  }
0x33: {  	p0 =	seq.s32 s10, $0x1;
	s10 =	sld [smem:$0x3FB1];
	_ =	sdelay $0x3  }
0x34: {  	[smem:$0x3FB1] =	sst s10  }
0x35: {  	s10 =	sld [smem:$0x3FB0];
	_ =	sdelay $0x3  }
0x36: {  	p1 =	seq.s32 s10, $0x1;
	s10 =	sld [smem:$0x3FB1];
	_ =	sdelay $0x3  }
0x37: {  	[smem:$0x3FB1] =	sst s10  }
0x38: {  	s10 =	sld [smem:$0x3FB2]  }
0x39: {  	_ = 	snop;
	(pc) =	sbr.ind lr, $3  }
0x3a: {  	_ = 	snop  }
0x3b: {  	_ = 	snop  }
0x3c: {  	p2 =	seq.s32 s10, $0x1;
	s10 =	sld [smem:$0x3FB1]  }
0x3d: {  	_ =	shalt  }
0x3e: {  	_ =	shalt  }
0x3f: {  	_ =	shalt  }
0x40: {  	_ =	shalt  }
0x41: {  	_ =	shalt  }
0x42: {  	_ =	shalt  }
0x43: {  	_ =	shalt  }
0x44: {  	_ =	shalt  }
0x45: {  	_ =	shalt  }
0x46: {  	_ =	shalt  }
0x47: {  	_ =	shalt  }
0x48: {  	_ =	shalt  }
0x49: {  	_ =	shalt  }
0x4a: {  	_ =	shalt  }
0x4b: {  	_ =	shalt  }
0x4c: {  	_ =	shalt  }
0x4d: {  	_ =	shalt  }
0x4e: {  	_ =	shalt  }
0x4f: {  	_ =	shalt  }
0x50: {  	_ =	shalt  }
0x51: {  	_ =	shalt  }
0x52: {  	_ =	shalt  }
0x53: {  	_ =	shalt  }
0x54: {  	_ =	shalt  }
0x55: {  	_ =	shalt  }
0x56: {  	_ =	shalt  }
0x57: {  	_ =	shalt  }
0x58: {  	_ =	shalt  }
0x59: {  	_ =	shalt  }
0x5a: {  	_ =	shalt  }
0x5b: {  	_ =	shalt  }
0x5c: {  	_ =	shalt  }
0x5d: {  	_ =	shalt  }
0x5e: {  	_ =	shalt  }
0x5f: {  	_ =	shalt  }
0x60: {  	_ =	shalt  }
0x61: {  	_ =	shalt  }
0x62: {  	_ =	shalt  }
0x63: {  	_ =	shalt  }
0x64: {  	_ =	shalt  }
0x65: {  	_ =	shalt  }
0x66: {  	_ =	shalt  }
0x67: {  	_ =	shalt  }
0x68: {  	_ =	shalt  }
0x69: {  	_ =	shalt  }
0x6a: {  	_ =	shalt  }
0x6b: {  	_ =	shalt  }
0x6c: {  	_ =	shalt  }
0x6d: {  	_ =	shalt  }
0x6e: {  	_ =	shalt  }
0x6f: {  	_ =	shalt  }
0x70: {  	_ =	shalt  }
0x71: {  	_ =	shalt  }
0x72: {  	_ =	shalt  }
0x73: {  	_ =	shalt  }
0x74: {  	_ =	shalt  }
0x75: {  	_ =	shalt  }
0x76: {  	_ =	shalt  }
0x77: {  	_ =	shalt  }
0x78: {  	_ =	shalt  }
0x79: {  	_ =	shalt  }
0x7a: {  	_ =	shalt  }
0x7b: {  	_ =	shalt  }
0x7c: {  	_ =	shalt  }
0x7d: {  	_ =	shalt  }
0x7e: {  	_ =	shalt  }
0x7f: {  	_ =	shalt  }
0x80: {  	_ =	shalt  }
0x81: {  	_ =	shalt  }
0x82: {  	_ =	shalt  }
0x83: {  	_ =	shalt  }
0x84: {  	_ =	shalt  }
0x85: {  	_ =	shalt  }
0x86: {  	_ =	shalt  }
0x87: {  	_ =	shalt  }
.Lfunc_end0:
.L_simem_size_0:
called_computation.1_lowered:
.L_overlay_start_0:
0x88: {  	s2 =	sld [smem:$0x3FD9]  }
0x89: {  	s3 =	sld [smem:$0x3FFE];
	_ =	sdelay $0x1  }
0x8a: {  	s1 =	srdreg.scid  }
0x8b: {  	s0 =	sand.u32 $0x1, s1  }
0x8c: {  	s17 =	sshll.u32 s0, $0xA;
	s2 =	sadd.s32 s3, s2  }
0x8d: {  	s2 =	sadd.s32 s2, s17  }
0x8e: {  	[smem:$0x3FBD] =	sst s2  }
0x8f: {  	_ = 	snop  }
0x90: {  	s2 =	sld [smem:$0x3FC9]  }
0x91: {  	s18 =	sld [smem:$0x3FD0];
	(tm) =	ssettm $0x1  }
0x92: {  	s4 =	sld [smem:$0x3FFB];
	_ =	sdelay $0x3  }
0x93: {  	_ =	strace s4  }
0x94: {  	s4 =	sld [smem:$0x3FFC];
	_ =	sdelay $0x3  }
0x95: {  	_ =	strace s4  }
0x96: {  	s4 =	sld [smem:$0x3FFD];
	_ =	sdelay $0x3  }
0x97: {  	_ =	strace s4  }
0x98: {  	_ =	strace $0x8FFFFFFF  }
0x99: {  	s19 =	sld [smem:$0x3FDB];
	_ =	sdelay $0x1  }
0x9a: {  	s5 =	simm.s32 $_scs_section_size  }
0x9b: {  	s6 =	simm.s32 $_size__tile_overlayer_lowered;
	s7 =	simm.s32 $_tile_overlayer_lowered  }
0x9c: {  	s22 =	simm.s32 $0x1BFF;
	s21 =	sshll.u32 s7, $0x1;
	s4 =	sadd.s32 s5, s19  }
0x9d: {  	s8 =	simm.s32 $0x0;
	s20 =	sshll.u32 s6, $0x1;
	s6 =	sadd.s32 s21, s4  }
0x9e: {  	[timem:s8], [sflag:s22] =	dma.local [hbm:s6], s20  }
0x9f: {  	_ =	swait.ge [sflag:s22], s20  }
0xa0: {  	s5 =	ssub.s32 $0x0, s20;
	[sflag:s22] =	ssyncset.done $0x0  }
0xa1: {  	[sflag:s22] =	ssyncadd.s32 s5;
	_ =	sdelay $0x1  }
0xa2: {  	s23 =	simm.s32 $0x1B8B  }
0xa3: {  	_ =	swait.ge [sflag:s23], $0x1  }
0xa4: {  	[sflag:s23] =	ssyncset.done $0x0  }
0xa5: {  	s25 =	simm.s32 $0x1B8E;
	s24 =	sld [smem:$0x3FFE];
	[sflag:s23] =	ssyncadd.s32 $0xFFFFFFFF  }
0xa6: {  	s26 =	simm.s32 $execute0_lowered;
	[smem:$0x3FD2] =	sst s25  }
0xa7: {  	s6 =	sshll.u32 s26, $0x1;
	_ =	strace $0x80000046;
	[dreg:$0x1] =	wrdreg $0xFFFFFFFF  }
0xa8: {  	s28 =	simm.s32 $_size_execute0_lowered;
	s4 =	sadd.s32 s4, s6;
	[dreg:$0x0] =	wrdreg $0x0  }
0xa9: {  	s6 =	sshll.u32 s28, $0x1;
	[dreg:$0x2] =	wrdreg s4  }
0xaa: {  	[dreg:$0x3] =	wrdreg s6  }
0xab: {  	[dreg:$0x4] =	wrdreg $0xC0  }
0xac: {  	_ =	task [dreg:s8], $0x5FFFF  }
0xad: {  	[dreg:$0x1] =	wrdreg $0xFFFFFFFF  }
0xae: {  	[dreg:$0x0] =	wrdreg $0x60  }
0xaf: {  	[dreg:$0x2] =	wrdreg s2  }
0xb0: {  	[dreg:$0x3] =	wrdreg s18  }
0xb1: {  	[dreg:$0x4] =	wrdreg s24  }
0xb2: {  	[dreg:$0x5] =	wrdreg $0x0  }
0xb3: {  	[dreg:$0x6] =	wrdreg $0xA  }
0xb4: {  	_ =	task.clear_ibuf [dreg:s8], $0x7FFFF;
	_ =	strace $0x90000046  }
0xb5: {  	s29 =	simm.s32 $0xA;
	_ =	strace $0x80000048  }
0xb6: {  	_ =	swait.ge [sflag:s29], $0x1  }
0xb7: {  	[sflag:s29] =	ssyncadd.s32 $0xFFFFFFFF  }
0xb8: {  	_ =	strace $0x90000048  }
0xb9: {  	_ =	sfence  }
0xba: {  	s30 =	sld [smem:$0x0];
	_ =	sdelay $0x2  }
0xbb: {  	s31 =	sshll.u32 s1, $0xD;
	s1 =	sshrl.u32 s1, $0x2  }
0xbc: {  	s3 =	sand.u32 $0x4000, s31;
	s1 =	sadd.s32 s1, s30  }
0xbd: {  	s0 =	sor.u32 s3, s0;
	s1 =	sshll.u32 s1, $0x11  }
0xbe: {  	s0 =	sor.u32 s1, s0  }
0xbf: {  	s0 =	sadd.s32 $0x8F2B, s0  }
0xc0: {  	[sflag:s0] =	ssyncadd.remote.s32 $0x1  }
0xc1: {  	_ =	sfence.sel $0xFFFF  }
0xc2: {  	[dreg:$0x0] =	wrdreg $0xFFFFFFFF;
	(pc) =	sbr.abs _section_cstart, $3  }
0xc3: {  	[dreg:$0x1] =	wrdreg $0xFFFFFFFF  }
0xc4: {  	_ =	task.clear_ibuf [dreg:s8], $0x2FFFF;
	_ =	strace $0x9FFFFFFF  }
0xc5: {  	(tm) =	ssettm $0x7FFFFFFF  }
tec
execute0_lowered:
.L_overlay_start_1:
0x0: {  	(tag) =	ssettag $0x1  }
0x1: {  	s1 =	rddreg [dreg:$0x0]  }
0x2: {  	s0 =	rddreg [dreg:$0x1]  }
0x3: {  	s4 =	rddreg [dreg:$0x2]  }
0x4: {  	s2 =	rddreg [dreg:$0x3];
	s3 =	simm.s32 $0x0  }
0x5: {  	s5 =	srdreg.scid;
	s19 =	stileid.u32;
	s28 =	simm.s32 $0x17900  }
0x6: {  	s29 =	simm.s32 $0x1;
	s30 =	simm.s32 $0x2;
	s31 =	simm.s32 $0x0  }
0x7: {  	[smem:$0x7FF] =	sst s3;
	s6 =	sand.u32 $0x1, s5;
	s11 =	sadd.s32 $0x2E00, s4  }
0x8: {  	s10 =	smul.u32 $0x4E000, s19;
	s5 =	sadd.s32 $0xCE00, s4;
	s12 =	sshll.u32 s19, $0x5  }
0x9: {  	s20 =	sshll.u32 s19, $0x6;
	s21 =	sadd.s32 $0x138000, s2;
	p0 =	sne.s32 s19, $0xF  }
0xa: {  	_ =	strace $0x80000047;
	s7 =	smul.u32 $0x27100, s6;
	s8 =	ssub.s32 $0x2, s6  }
0xb: {  	s6 =	sshll.u32 s6, $0x4;
	[dreg:$0x5] =	wrdreg s21;
	s15 =	sor.u32 $0x400, s12  }
0xc: {  	s21 =	simm.s32 $0x1B980;
	s9 =	sshrl.u32 s8, $0x1;
	s18 =	sshrl.u32 s10, $0x2  }
0xd: {  	s14 =	sor.u32 s6, s12;
	s6 =	sor.u32 $0x1C03, s20;
	s25 =	sand.u32 $0x580, s15  }
0xe: {  	s20 =	simm.s32 $0x1B900;
	s4 =	sadd.s32 s7, s4;
	s17 =	ssub.s32 s8, s9  }
0xf: {  	s18 =	sadd.s32 s18, s2;
	s22 =	sadd.s32 s0, s14;
	s9 =	sadd.s32 s11, s14  }
0x10: {  	s23 =	sor.u32 $0x9E00, s14;
	s26 =	sand.u32 $0x70, s14;
	s10 =	sadd.s32 $0xF600, s4  }
0x11: {  	s4 =	smul.u32 $0x2700, s19;
	s7 =	smax.u32 s17, $0x1;
	s24 =	sadd.s32 s0, s23  }
0x12: {  	s0 =	sadd.s32 s25, s0;
	s16 =	sadd.s32 $0x200, s9;
	s13 =	smov.u32 s22  }
0x13: {  	s17 =	sadd.s32 $0x200, s22;
	s18 =	sshrl.u32 s18, $0x3;
	[dreg:$0x6] =	wrdreg s7  }
0x14: {  	s19 =	simm.s32 $0x3;
	s22 =	simm.s32 $0x80;
	[dreg:$0x7] =	wrdreg s24  }
0x15: {  	s7 =	sadd.s32 s11, s23;
	s14 =	sadd.s32 s26, s0;
	s23 =	simm.s32 $0x13900  }
0x16: {  	s24 =	simm.s32 $0x1BA00;
	[dreg:$0x8] =	wrdreg s7;
	s7 =	sadd.s32 s25, s11  }
0x17: {  	s25 =	sadd.s32 s4, s10;
	s15 =	sadd.s32 s26, s7;
	s26 =	simm.s32 $0x1BA80  }
.LBB2_1:
0x18: {  	[spmem:s18], [sflag:s6] =	dma.local [hbm:s5], $0x2700  }
0x19: {  	_ =	swait.ge [sflag:s19], $0x2700  }
0x1a: {  	[sflag:s19] =	ssyncset.done $0x0;
	s0 =	rddreg [dreg:$0x5]  }
0x1b: {  	s4 =	simm.s32 @!p0 $0x3;
	[sflag:s19] =	ssyncadd.s32 $0xFFFFD900;
	s0 =	sshrl.u32 @!p0 s0, $0x3  }
0x1c: {  	[spmem:s0], [sflag:s6] =	dma.local @!p0 [hbm:s5], $0x200  }
0x1d: {  	_ =	swait.ge @!p0 [sflag:s4], $0x200  }
0x1e: {  	[sflag:s4] =	ssyncset.done @!p0 $0x0  }
0x1f: {  	[sflag:s4] =	ssyncadd.s32 @!p0 $0xFFFFFE00  }
0x20: {  	[tilespmem:s20], [sflag:$0x3] =	stream.linear.gather [hbm4b:s13+s3], $0x80, $0x38;
	[tilespmem:$0x1BB00] =	vst v63  }
0x21: {  	_ =	swait.ge [sflag:s19], $0x80  }
0x22: {  	[sflag:s19] =	ssyncset.done $0x0  }
0x23: {  	[sflag:s19] =	ssyncadd.s32 $0xFFFFFF80  }
0x24: {  	[tilespmem:s21], [sflag:$0x3] =	stream.linear.gather [hbm4b:s9+s3], $0x80, $0x38;
	[tilespmem:$0x1BB00] =	vst v63  }
0x25: {  	_ =	swait.ge [sflag:s19], $0x80  }
0x26: {  	[sflag:s19] =	ssyncset.done $0x0  }
0x27: {  	[sflag:s19] =	ssyncadd.s32 $0xFFFFFF80  }
0x28: {  	[bflag:$0x0] =	sbarrier.arrive $0xFFFF  }
0x29: {  	[tilespmem:s23], [sflag:$0x1] =	stream.indirect.gather [hbm4b:s1+s22], $0x80, s20, s22, $0xb8;
	[tilespmem:$0x1BB00] =	vst v63  }
0x2a: {  	s7 =	sadd.s32 $0x0, s17  }
0x2b: {  	[tilespmem:s24], [sflag:$0x3] =	stream.linear.gather [hbm4b:s7+s3], $0x80, $0x38;
	[tilespmem:$0x1BB00] =	vst v63  }
0x2c: {  	_ =	swait.ge [sflag:s19], $0x80  }
0x2d: {  	[sflag:s19] =	ssyncset.done $0x0  }
0x2e: {  	s8 =	sadd.s32 $0x0, s16;
	[sflag:s19] =	ssyncadd.s32 $0xFFFFFF80  }
0x2f: {  	[tilespmem:s26], [sflag:$0x3] =	stream.linear.gather [hbm4b:s8+s3], $0x80, $0x38;
	[tilespmem:$0x1BB00] =	vst v63  }
0x30: {  	_ =	swait.ge [sflag:s19], $0x80  }
0x31: {  	[sflag:s19] =	ssyncset.done $0x0  }
0x32: {  	[sflag:s19] =	ssyncadd.s32 $0xFFFFFF80  }
0x33: {  	[tilespmem:s28], [sflag:$0x2] =	stream.indirect.gather [hbm4b:s1+s22], $0x80, s24, s22, $0xb8;
	[tilespmem:$0x1BB00] =	vst v63  }
0x34: {  	_ =	swait.ge [sflag:s29], $0x4000  }
0x35: {  	[sflag:s29] =	ssyncset.done $0x0  }
0x36: {  	[sflag:s29] =	ssyncadd.s32 $0xFFFFC000  }
0x37: {  	[spmem:s2] =	stream.indirect.scatter.add.f32 [tilespmem:s23], [sflag:$0x3], $0x80, s21, s22, $0xb8;
	[tilespmem:$0x1BB00] =	vst v63  }
0x38: {  	_ =	swait.ge [sflag:s19], $0x4000  }
0x39: {  	[sflag:s19] =	ssyncset.done $0x0  }
0x3a: {  	s11 =	sadd.s32 $0x0, s14;
	[sflag:s19] =	ssyncadd.s32 $0xFFFFC000  }
0x3b: {  	[tilespmem:s20], [sflag:$0x3] =	stream.linear.gather [hbm4b:s11+s3], $0x80, $0x38;
	[tilespmem:$0x1BB00] =	vst v63  }
0x3c: {  	_ =	swait.ge [sflag:s19], $0x80  }
0x3d: {  	[sflag:s19] =	ssyncset.done $0x0  }
0x3e: {  	s12 =	sadd.s32 $0x0, s15;
	[sflag:s19] =	ssyncadd.s32 $0xFFFFFF80  }
0x3f: {  	[tilespmem:s21], [sflag:$0x3] =	stream.linear.gather [hbm4b:s12+s3], $0x80, $0x38;
	[tilespmem:$0x1BB00] =	vst v63  }
0x40: {  	_ =	swait.ge [sflag:s19], $0x80  }
0x41: {  	[sflag:s19] =	ssyncset.done $0x0  }
0x42: {  	[sflag:s19] =	ssyncadd.s32 $0xFFFFFF80  }
0x43: {  	[tilespmem:s23], [sflag:$0x1] =	stream.indirect.gather [hbm4b:s1+s22], $0x80, s20, s22, $0xb8;
	[tilespmem:$0x1BB00] =	vst v63  }
0x44: {  	_ =	swait.ge [sflag:s30], $0x4000  }
0x45: {  	[sflag:s30] =	ssyncset.done $0x0  }
0x46: {  	[sflag:s30] =	ssyncadd.s32 $0xFFFFC000  }
0x47: {  	[spmem:s2] =	stream.indirect.scatter.add.f32 [tilespmem:s28], [sflag:$0x3], $0x80, s26, s22, $0xb8;
	[tilespmem:$0x1BB00] =	vst v63  }
0x48: {  	_ =	swait.ge [sflag:s19], $0x4000  }
0x49: {  	s4 =	simm.s32 $0x400;
	s7 =	simm.s32 $0x800;
	[sflag:s19] =	ssyncset.done $0x0  }
.LBB2_2:
0x4a: {  	s12 =	sadd.s32 s4, s17  }
0x4b: {  	[sflag:s19] =	ssyncadd.s32 $0xFFFFC000;
	s8 =	smov.u32 s7;
	s11 =	sadd.s32 $0x400, s7  }
0x4c: {  	[tilespmem:s24], [sflag:$0x3] =	stream.linear.gather [hbm4b:s12+s3], $0x80, $0x38;
	[tilespmem:$0x1BB00] =	vst v63  }
0x4d: {  	p1 =	sne.s32 s7, $0x9800;
	_ =	swait.ge [sflag:s19], $0x80  }
0x4e: {  	[sflag:s19] =	ssyncset.done $0x0  }
0x4f: {  	s7 =	sadd.s32 s4, s16;
	[sflag:s19] =	ssyncadd.s32 $0xFFFFFF80  }
0x50: {  	[tilespmem:s26], [sflag:$0x3] =	stream.linear.gather [hbm4b:s7+s3], $0x80, $0x38;
	[tilespmem:$0x1BB00] =	vst v63  }
0x51: {  	_ =	swait.ge [sflag:s19], $0x80  }
0x52: {  	[sflag:s19] =	ssyncset.done $0x0  }
0x53: {  	[sflag:s19] =	ssyncadd.s32 $0xFFFFFF80  }
0x54: {  	[tilespmem:s28], [sflag:$0x2] =	stream.indirect.gather [hbm4b:s1+s22], $0x80, s24, s22, $0xb8;
	[tilespmem:$0x1BB00] =	vst v63  }
0x55: {  	_ =	swait.ge [sflag:s29], $0x4000  }
0x56: {  	[sflag:s29] =	ssyncset.done $0x0  }
0x57: {  	[sflag:s29] =	ssyncadd.s32 $0xFFFFC000  }
0x58: {  	[spmem:s2] =	stream.indirect.scatter.add.f32 [tilespmem:s23], [sflag:$0x3], $0x80, s21, s22, $0xb8;
	[tilespmem:$0x1BB00] =	vst v63  }
0x59: {  	_ =	swait.ge [sflag:s19], $0x4000  }
0x5a: {  	[sflag:s19] =	ssyncset.done $0x0  }
0x5b: {  	s7 =	sadd.s32 s4, s14;
	[sflag:s19] =	ssyncadd.s32 $0xFFFFC000  }
0x5c: {  	[tilespmem:s20], [sflag:$0x3] =	stream.linear.gather [hbm4b:s7+s3], $0x80, $0x38;
	[tilespmem:$0x1BB00] =	vst v63  }
0x5d: {  	_ =	swait.ge [sflag:s19], $0x80  }
0x5e: {  	[sflag:s19] =	ssyncset.done $0x0  }
0x5f: {  	s7 =	sadd.s32 s4, s15;
	s4 =	smov.u32 s8;
	[sflag:s19] =	ssyncadd.s32 $0xFFFFFF80  }
0x60: {  	[tilespmem:s21], [sflag:$0x3] =	stream.linear.gather [hbm4b:s7+s3], $0x80, $0x38;
	[tilespmem:$0x1BB00] =	vst v63  }
0x61: {  	_ =	swait.ge [sflag:s19], $0x80  }
0x62: {  	[sflag:s19] =	ssyncset.done $0x0  }
0x63: {  	[sflag:s19] =	ssyncadd.s32 $0xFFFFFF80  }
0x64: {  	[tilespmem:s23], [sflag:$0x1] =	stream.indirect.gather [hbm4b:s1+s22], $0x80, s20, s22, $0xb8;
	[tilespmem:$0x1BB00] =	vst v63  }
0x65: {  	_ =	swait.ge [sflag:s30], $0x4000  }
.Ltmp0:
0x66: {  	[sflag:s30] =	ssyncset.done $0x0;
	(pc) =	sbr.rel @p1 .LBB2_2-.Ltmp0, $4  }
0x67: {  	[sflag:s30] =	ssyncadd.s32 $0xFFFFC000  }
0x68: {  	[spmem:s2] =	stream.indirect.scatter.add.f32 [tilespmem:s28], [sflag:$0x3], $0x80, s26, s22, $0xb8;
	[tilespmem:$0x1BB00] =	vst v63  }
0x69: {  	_ =	swait.ge [sflag:s19], $0x4000  }
0x6a: {  	s7 =	smov.u32 s11;
	[sflag:s19] =	ssyncset.done $0x0  }
0x6b: {  	s7 =	sadd.s32 s4, s17;
	[sflag:s19] =	ssyncadd.s32 $0xFFFFC000  }
0x6c: {  	[tilespmem:s24], [sflag:$0x3] =	stream.linear.gather [hbm4b:s7+s3], $0x80, $0x38;
	[tilespmem:$0x1BB00] =	vst v63  }
0x6d: {  	_ =	swait.ge [sflag:s19], $0x80  }
0x6e: {  	[sflag:s19] =	ssyncset.done $0x0  }
0x6f: {  	s11 =	sadd.s32 s4, s16;
	[sflag:s19] =	ssyncadd.s32 $0xFFFFFF80  }
0x70: {  	[tilespmem:s26], [sflag:$0x3] =	stream.linear.gather [hbm4b:s11+s3], $0x80, $0x38;
	[tilespmem:$0x1BB00] =	vst v63  }
0x71: {  	_ =	swait.ge [sflag:s19], $0x80  }
0x72: {  	[sflag:s19] =	ssyncset.done $0x0  }
0x73: {  	[sflag:s19] =	ssyncadd.s32 $0xFFFFFF80  }
0x74: {  	[tilespmem:s28], [sflag:$0x2] =	stream.indirect.gather [hbm4b:s1+s22], $0x80, s24, s22, $0xb8;
	[tilespmem:$0x1BB00] =	vst v63  }
0x75: {  	_ =	swait.ge [sflag:s29], $0x4000  }
0x76: {  	[sflag:s29] =	ssyncset.done $0x0  }
0x77: {  	[sflag:s29] =	ssyncadd.s32 $0xFFFFC000  }
0x78: {  	[spmem:s2] =	stream.indirect.scatter.add.f32 [tilespmem:s23], [sflag:$0x3], $0x80, s21, s22, $0xb8;
	[tilespmem:$0x1BB00] =	vst v63  }
0x79: {  	_ =	swait.ge [sflag:s19], $0x4000  }
0x7a: {  	[sflag:s19] =	ssyncset.done $0x0  }
0x7b: {  	s12 =	sadd.s32 s4, s14;
	[sflag:s19] =	ssyncadd.s32 $0xFFFFC000  }
0x7c: {  	[tilespmem:s20], [sflag:$0x3] =	stream.linear.gather [hbm4b:s12+s3], $0x80, $0x38;
	[tilespmem:$0x1BB00] =	vst v63  }
0x7d: {  	_ =	swait.ge [sflag:s19], $0x80  }
0x7e: {  	[sflag:s19] =	ssyncset.done $0x0  }
0x7f: {  	s7 =	sadd.s32 s4, s15;
	[sflag:s19] =	ssyncadd.s32 $0xFFFFFF80  }
0x80: {  	[tilespmem:s21], [sflag:$0x3] =	stream.linear.gather [hbm4b:s7+s3], $0x80, $0x38;
	[tilespmem:$0x1BB00] =	vst v63  }
0x81: {  	_ =	swait.ge [sflag:s19], $0x80  }
0x82: {  	[sflag:s19] =	ssyncset.done $0x0  }
0x83: {  	[sflag:s19] =	ssyncadd.s32 $0xFFFFFF80  }
0x84: {  	[tilespmem:s23], [sflag:$0x1] =	stream.indirect.gather [hbm4b:s1+s22], $0x80, s20, s22, $0xb8;
	[tilespmem:$0x1BB00] =	vst v63  }
0x85: {  	_ =	swait.ge [sflag:s30], $0x4000  }
0x86: {  	[sflag:s30] =	ssyncset.done $0x0  }
0x87: {  	[sflag:s30] =	ssyncadd.s32 $0xFFFFC000  }
0x88: {  	[spmem:s2] =	stream.indirect.scatter.add.f32 [tilespmem:s28], [sflag:$0x3], $0x80, s26, s22, $0xb8;
	[tilespmem:$0x1BB00] =	vst v63  }
0x89: {  	_ =	swait.ge [sflag:s19], $0x4000  }
0x8a: {  	[sflag:s19] =	ssyncset.done $0x0  }
0x8b: {  	s8 =	rddreg [dreg:$0x7];
	[sflag:s19] =	ssyncadd.s32 $0xFFFFC000  }
0x8c: {  	[tilespmem:s24], [sflag:$0x3] =	stream.linear.gather [hbm4b:s8+s3], $0x80, $0x38;
	[tilespmem:$0x1BB00] =	vst v63  }
0x8d: {  	_ =	swait.ge [sflag:s19], $0x80  }
0x8e: {  	[sflag:s19] =	ssyncset.done $0x0  }
0x8f: {  	s11 =	rddreg [dreg:$0x8];
	[sflag:s19] =	ssyncadd.s32 $0xFFFFFF80  }
0x90: {  	[tilespmem:s26], [sflag:$0x3] =	stream.linear.gather [hbm4b:s11+s3], $0x80, $0x38;
	[tilespmem:$0x1BB00] =	vst v63  }
0x91: {  	_ =	swait.ge [sflag:s19], $0x80  }
0x92: {  	[sflag:s19] =	ssyncset.done $0x0  }
0x93: {  	[sflag:s19] =	ssyncadd.s32 $0xFFFFFF80  }
0x94: {  	[tilespmem:s28], [sflag:$0x2] =	stream.indirect.gather [hbm4b:s1+s22], $0x80, s24, s22, $0xb8;
	[tilespmem:$0x1BB00] =	vst v63  }
0x95: {  	_ =	swait.ge [sflag:s29], $0x4000  }
0x96: {  	[sflag:s29] =	ssyncset.done $0x0  }
0x97: {  	[sflag:s29] =	ssyncadd.s32 $0xFFFFC000  }
0x98: {  	[spmem:s2] =	stream.indirect.scatter.add.f32 [tilespmem:s23], [sflag:$0x3], $0x80, s21, s22, $0xb8;
	[tilespmem:$0x1BB00] =	vst v63  }
0x99: {  	_ =	swait.ge [sflag:s19], $0x4000  }
0x9a: {  	[sflag:s19] =	ssyncset.done $0x0  }
0x9b: {  	[sflag:s19] =	ssyncadd.s32 $0xFFFFC000  }
0x9c: {  	_ =	swait.ge [sflag:s30], $0x4000  }
0x9d: {  	[sflag:s30] =	ssyncset.done $0x0  }
0x9e: {  	[sflag:s30] =	ssyncadd.s32 $0xFFFFC000  }
0x9f: {  	[spmem:s2] =	stream.indirect.scatter.add.f32 [tilespmem:s28], [sflag:$0x3], $0x80, s26, s22, $0xb8;
	[tilespmem:$0x1BB00] =	vst v63  }
0xa0: {  	_ =	swait.ge [sflag:s19], $0x4000  }
0xa1: {  	[sflag:s19] =	ssyncset.done $0x0  }
0xa2: {  	[sflag:s19] =	ssyncadd.s32 $0xFFFFC000  }
0xa3: {  	[bflag:$0x0] =	sbarrier.arrive $0xFFFF  }
0xa4: {  	[hbm:s25], [sflag:s6] =	dma.local [spmem:s18], $0x2700  }
0xa5: {  	_ =	swait.ge [sflag:s19], $0x2700  }
0xa6: {  	[sflag:s19] =	ssyncset.done $0x0  }
0xa7: {  	s4 =	sadd.s32 @!p0 $0x27000, s10;
	[sflag:s19] =	ssyncadd.s32 $0xFFFFD900  }
0xa8: {  	[hbm:s4], [sflag:s6] =	dma.local @!p0 [spmem:s0], $0x100  }
0xa9: {  	s0 =	simm.s32 @!p0 $0x3  }
0xaa: {  	_ =	swait.ge @!p0 [sflag:s0], $0x100  }
0xab: {  	s31 =	sadd.s32 $0x1, s31;
	s12 =	rddreg [dreg:$0x6]  }
0xac: {  	p1 =	sne.s32 s31, s12  }
.Ltmp1:
0xad: {  	_ = 	snop;
	(pc) =	sbr.rel @p1 .LBB2_1-.Ltmp1, $3  }
0xae: {  	_ =	sdelay $0x1  }
0xaf: {  	[sflag:s0] =	ssyncset.done @!p0 $0x0  }
0xb0: {  	[sflag:s0] =	ssyncadd.s32 @!p0 $0xFFFFFF00  }
0xb1: {  	_ =	sfence.sel $0x180000  }
0xb2: {  	[bflag:$0x0] =	sbarrier.arrive $0xFFFF  }
0xb3: {  	_ =	strace $0x90000047  }
0xb4: {  	s0 =	stileid.u32;
	[bflag:$0x2] =	sbarrier.arrive $0xFFFF  }
0xb5: {  	p0 =	sne.s32 s0, $0x0;
	s0 =	rddreg [dreg:$0x4]  }
0xb6: {  	s0 =	sadd.s32 @!p0 $0x100000, s0  }
0xb7: {  	[sflag:s0] =	ssyncadd.tile.s32 @!p0 $0x1;
	_ =	shalt  }
.Lfunc_end2:
_tile_overlayer_lowered:
.L_overlay_start_2:
0xb8: {  	(tag) =	ssettag $0x2  }
0xb9: {  	s0 =	rddreg [dreg:$0x0];
	s2 =	stileid.u32  }
0xba: {  	s1 =	rddreg [dreg:$0x1];
	p0 =	sne.s32 s2, $0x0  }
0xbb: {  	s3 =	rddreg [dreg:$0x2];
	[bflag:$0x3] =	sbarrier.arrive $0xFFFF;
	s2 =	simm.s32 @!p0 $0x1C03  }
0xbc: {  	[timem:s3], [sflag:s2] =	dma.local @!p0 [hbm:s0], s1  }
0xbd: {  	s0 =	simm.s32 @!p0 $0x3  }
0xbe: {  	_ =	swait.ge @!p0 [sflag:s0], s1  }
0xbf: {  	s1 =	ssub.s32 @!p0 $0x0, s1;
	[sflag:s0] =	ssyncset.done @!p0 $0x0  }
0xc0: {  	[sflag:s0] =	ssyncadd.s32 @!p0 s1  }
0xc1: {  	[bflag:$0x3] =	sbarrier.arrive $0xFFFF  }
0xc2: {  	_ =	shalt  }

// kernel: kernel.15.cloned.1.call-start
scs
__scs_entry_jumppad:
0x0: {  	(pc) =	sbr.rel $0x88, $3  }
0x1: {  	(tag) =	ssettag $0x0;
	lr =	simm.s32 $0x1  }
0x2: {  	[smem:$0x3F96] =	sst lr;
	_ =	strace $0xD0000000  }
0x3: {  	_ = 	snop  }
0x4: {  	_ = 	snop  }
0x5: {  	_ = 	snop  }
0x6: {  	_ = 	snop  }
0x7: {  	_ = 	snop  }
__scs_overlays_trampoline_lowered:
0x8: {  	[smem:$0x3FA5] =	sst s0  }
0x9: {  	[smem:$0x3FA6] =	sst s1  }
0xa: {  	[smem:$0x3FA7] =	sst s2  }
0xb: {  	[smem:$0x3FA8] =	sst s3  }
0xc: {  	[smem:$0x3FA9] =	sst s4  }
0xd: {  	[smem:$0x3FAA] =	sst s5  }
0xe: {  	[smem:$0x3FAB] =	sst s6  }
0xf: {  	[smem:$0x3FAC] =	sst s7  }
0x10: {  	[smem:$0x3FAD] =	sst s8  }
0x11: {  	[smem:$0x3FAE] =	sst s9;
	s0 =	simm.s32 @!p0 $0x0  }
0x12: {  	s1 =	sld [smem:$0x3F94];
	s0 =	simm.s32 @p0 $0x1  }
0x13: {  	[smem:$0x3FAF] =	sst s0;
	s0 =	simm.s32 @!p1 $0x0  }
0x14: {  	s2 =	sld [smem:$0x3F93];
	s0 =	simm.s32 @p1 $0x1  }
0x15: {  	[smem:$0x3FB0] =	sst s0;
	s0 =	simm.s32 @!p2 $0x0  }
0x16: {  	s3 =	sld [smem:$0x3FDB];
	s0 =	simm.s32 @p2 $0x1  }
0x17: {  	s4 =	simm.s32 $0x1BF5;
	[smem:$0x3FB2] =	sst s0  }
0x18: {  	s0 =	sld [smem:$0x3F95];
	_ =	swait.ge [sflag:s4], $0x0  }
0x19: {  	s7 =	sld [smem:$0x3F96]  }
0x1a: {  	s8 =	sadd.s32 $0xFFFFE003, lr  }
0x1b: {  	s9 =	sadd.s32 $0xFFFFFEF7, lr;
	s5 =	simm.s32 $0xFFFFFFFF;
	p2 =	slt.u32 s8, $0xFFFFF086  }
0x1c: {  	p1 =	slt.u32 s9, $0xF7A;
	s5 =	simm.s32 @!p2 $0x0  }
0x1d: {  	s5 =	simm.s32 @p1 $0x1;
	p0 =	seq.s32 s7, s2  }
0x1e: {  	s7 =	smul.u32 @!p0 $0xF7A, s2;
	p2 =	seq.s32 @!p0 s5, $0x0  }
0x1f: {  	s9 =	smul.u32 $0xF7A, s1;
	s8 =	simm.s32 @!p0 $0x1BF5;
	p2 =	por !p2, p0  }
0x20: {  	[sflag:s8] =	ssyncset.s32 @!p0 $0xFFFFF086;
	s6 =	sadd.s32 @!p0 s3, s7;
	s7 =	simm.s32 @!p0 $0x108  }
0x21: {  	s3 =	sadd.s32 s3, s9;
	s6 =	sadd.s32 @!p0 $0x88, s6;
	s7 =	simm.s32 @p2 $0x1082  }
0x22: {  	[simem:s7], [sflag:s8] =	dma.local @!p0 [hbm:s6], $0xF7A  }
0x23: {  	s9 =	sor.u32 $0xD0000000, s2;
	s6 =	simm.s32 $0x108;
	_ =	swait.ge @!p0 [sflag:s8], $0x0  }
0x24: {  	s3 =	sadd.s32 $0x88, s3;
	s6 =	simm.s32 @!p1 $0x1082;
	[sflag:s4] =	ssyncset.s32 $0xFFFFF086  }
0x25: {  	[simem:s6], [sflag:s4] =	dma.local [hbm:s3], $0xF7A  }
0x26: {  	[smem:$0x3F96] =	sst s1;
	(tag) =	ssettag s2;
	_ =	strace s9  }
0x27: {  	s1 =	sld [smem:$0x3FA6]  }
0x28: {  	s2 =	sld [smem:$0x3FA7]  }
0x29: {  	s4 =	sld [smem:$0x3FA9]  }
0x2a: {  	p0 =	seq.s32 s5, $0x0;
	s5 =	sld [smem:$0x3FAA]  }
0x2b: {  	s6 =	sld [smem:$0x3FAB]  }
0x2c: {  	s7 =	sld [smem:$0x3FAC]  }
0x2d: {  	s3 =	simm.s32 $0x108;
	s8 =	sld [smem:$0x3FAD]  }
0x2e: {  	s3 =	simm.s32 @!p0 $0x1082;
	s9 =	sld [smem:$0x3FAE]  }
0x2f: {  	lr =	sadd.s32 s0, s3;
	s0 =	sld [smem:$0x3FA5]  }
0x30: {  	s3 =	sld [smem:$0x3FA8]  }
0x31: {  	[smem:$0x3FB1] =	sst s10  }
0x32: {  	s10 =	sld [smem:$0x3FAF];
	_ =	sdelay $0x3  }
0x33: {  	p0 =	seq.s32 s10, $0x1;
	s10 =	sld [smem:$0x3FB1];
	_ =	sdelay $0x3  }
0x34: {  	[smem:$0x3FB1] =	sst s10  }
0x35: {  	s10 =	sld [smem:$0x3FB0];
	_ =	sdelay $0x3  }
0x36: {  	p1 =	seq.s32 s10, $0x1;
	s10 =	sld [smem:$0x3FB1];
	_ =	sdelay $0x3  }
0x37: {  	[smem:$0x3FB1] =	sst s10  }
0x38: {  	s10 =	sld [smem:$0x3FB2]  }
0x39: {  	_ = 	snop;
	(pc) =	sbr.ind lr, $3  }
0x3a: {  	_ = 	snop  }
0x3b: {  	_ = 	snop  }
0x3c: {  	p2 =	seq.s32 s10, $0x1;
	s10 =	sld [smem:$0x3FB1]  }
0x3d: {  	_ =	shalt  }
0x3e: {  	_ =	shalt  }
0x3f: {  	_ =	shalt  }
0x40: {  	_ =	shalt  }
0x41: {  	_ =	shalt  }
0x42: {  	_ =	shalt  }
0x43: {  	_ =	shalt  }
0x44: {  	_ =	shalt  }
0x45: {  	_ =	shalt  }
0x46: {  	_ =	shalt  }
0x47: {  	_ =	shalt  }
0x48: {  	_ =	shalt  }
0x49: {  	_ =	shalt  }
0x4a: {  	_ =	shalt  }
0x4b: {  	_ =	shalt  }
0x4c: {  	_ =	shalt  }
0x4d: {  	_ =	shalt  }
0x4e: {  	_ =	shalt  }
0x4f: {  	_ =	shalt  }
0x50: {  	_ =	shalt  }
0x51: {  	_ =	shalt  }
0x52: {  	_ =	shalt  }
0x53: {  	_ =	shalt  }
0x54: {  	_ =	shalt  }
0x55: {  	_ =	shalt  }
0x56: {  	_ =	shalt  }
0x57: {  	_ =	shalt  }
0x58: {  	_ =	shalt  }
0x59: {  	_ =	shalt  }
0x5a: {  	_ =	shalt  }
0x5b: {  	_ =	shalt  }
0x5c: {  	_ =	shalt  }
0x5d: {  	_ =	shalt  }
0x5e: {  	_ =	shalt  }
0x5f: {  	_ =	shalt  }
0x60: {  	_ =	shalt  }
0x61: {  	_ =	shalt  }
0x62: {  	_ =	shalt  }
0x63: {  	_ =	shalt  }
0x64: {  	_ =	shalt  }
0x65: {  	_ =	shalt  }
0x66: {  	_ =	shalt  }
0x67: {  	_ =	shalt  }
0x68: {  	_ =	shalt  }
0x69: {  	_ =	shalt  }
0x6a: {  	_ =	shalt  }
0x6b: {  	_ =	shalt  }
0x6c: {  	_ =	shalt  }
0x6d: {  	_ =	shalt  }
0x6e: {  	_ =	shalt  }
0x6f: {  	_ =	shalt  }
0x70: {  	_ =	shalt  }
0x71: {  	_ =	shalt  }
0x72: {  	_ =	shalt  }
0x73: {  	_ =	shalt  }
0x74: {  	_ =	shalt  }
0x75: {  	_ =	shalt  }
0x76: {  	_ =	shalt  }
0x77: {  	_ =	shalt  }
0x78: {  	_ =	shalt  }
0x79: {  	_ =	shalt  }
0x7a: {  	_ =	shalt  }
0x7b: {  	_ =	shalt  }
0x7c: {  	_ =	shalt  }
0x7d: {  	_ =	shalt  }
0x7e: {  	_ =	shalt  }
0x7f: {  	_ =	shalt  }
0x80: {  	_ =	shalt  }
0x81: {  	_ =	shalt  }
0x82: {  	_ =	shalt  }
0x83: {  	_ =	shalt  }
0x84: {  	_ =	shalt  }
0x85: {  	_ =	shalt  }
0x86: {  	_ =	shalt  }
0x87: {  	_ =	shalt  }
.Lfunc_end0:
.L_simem_size_0:
called_computation.2_lowered:
.L_overlay_start_0:
0x88: {  	s2 =	sld [smem:$0x3FD9]  }
0x89: {  	s3 =	sld [smem:$0x3FFE];
	_ =	sdelay $0x1  }
0x8a: {  	s1 =	srdreg.scid  }
0x8b: {  	s0 =	sand.u32 $0x1, s1  }
0x8c: {  	s17 =	sshll.u32 s0, $0xA;
	s2 =	sadd.s32 s3, s2  }
0x8d: {  	s2 =	sadd.s32 s2, s17  }
0x8e: {  	[smem:$0x3FBD] =	sst s2  }
0x8f: {  	_ = 	snop  }
0x90: {  	s2 =	sld [smem:$0x3FD0];
	(tm) =	ssettm $0x1  }
0x91: {  	s18 =	sld [smem:$0x3FFB];
	_ =	sdelay $0x3  }
0x92: {  	_ =	strace s18  }
0x93: {  	s3 =	sld [smem:$0x3FFC];
	_ =	sdelay $0x3  }
0x94: {  	_ =	strace s3  }
0x95: {  	s3 =	sld [smem:$0x3FFD];
	_ =	sdelay $0x3  }
0x96: {  	_ =	strace s3  }
0x97: {  	_ =	strace $0x8FFFFFFF  }
0x98: {  	s19 =	sld [smem:$0x3FDB];
	_ =	sdelay $0x1  }
0x99: {  	s4 =	simm.s32 $_scs_section_size  }
0x9a: {  	s5 =	simm.s32 $_size__tile_overlayer_lowered;
	s6 =	simm.s32 $_tile_overlayer_lowered  }
0x9b: {  	s22 =	simm.s32 $0x1BFF;
	s21 =	sshll.u32 s6, $0x1;
	s3 =	sadd.s32 s4, s19  }
0x9c: {  	s7 =	simm.s32 $0x0;
	s20 =	sshll.u32 s5, $0x1;
	s5 =	sadd.s32 s21, s3  }
0x9d: {  	[timem:s7], [sflag:s22] =	dma.local [hbm:s5], s20  }
0x9e: {  	_ =	swait.ge [sflag:s22], s20  }
0x9f: {  	s4 =	ssub.s32 $0x0, s20;
	[sflag:s22] =	ssyncset.done $0x0  }
0xa0: {  	[sflag:s22] =	ssyncadd.s32 s4;
	_ =	sdelay $0x1  }
0xa1: {  	s23 =	simm.s32 $0x1B8B  }
0xa2: {  	_ =	swait.ge [sflag:s23], $0x1  }
0xa3: {  	[sflag:s23] =	ssyncset.done $0x0  }
0xa4: {  	s25 =	simm.s32 $0x1B8E;
	s24 =	sld [smem:$0x3FFE];
	[sflag:s23] =	ssyncadd.s32 $0xFFFFFFFF  }
0xa5: {  	s26 =	simm.s32 $execute0_lowered;
	[smem:$0x3FD2] =	sst s25  }
0xa6: {  	s5 =	sshll.u32 s26, $0x1;
	_ =	strace $0x8000004C;
	[dreg:$0x1] =	wrdreg $0xFFFFFFFF  }
0xa7: {  	s28 =	simm.s32 $_size_execute0_lowered;
	s3 =	sadd.s32 s3, s5;
	[dreg:$0x0] =	wrdreg $0x0  }
0xa8: {  	s5 =	sshll.u32 s28, $0x1;
	[dreg:$0x2] =	wrdreg s3  }
0xa9: {  	[dreg:$0x3] =	wrdreg s5  }
0xaa: {  	[dreg:$0x4] =	wrdreg $0xC0  }
0xab: {  	_ =	task [dreg:s7], $0x5FFFF  }
0xac: {  	[dreg:$0x1] =	wrdreg $0xFFFFFFFF  }
0xad: {  	[dreg:$0x0] =	wrdreg $0x60  }
0xae: {  	[dreg:$0x2] =	wrdreg s24  }
0xaf: {  	[dreg:$0x3] =	wrdreg s2  }
0xb0: {  	[dreg:$0x4] =	wrdreg $0x0  }
0xb1: {  	[dreg:$0x5] =	wrdreg $0x9  }
0xb2: {  	_ =	task.clear_ibuf [dreg:s7], $0x6FFFF;
	_ =	strace $0x9000004C  }
0xb3: {  	s29 =	simm.s32 $0x9;
	_ =	strace $0x8000004E  }
0xb4: {  	_ =	swait.ge [sflag:s29], $0x1  }
0xb5: {  	[sflag:s29] =	ssyncadd.s32 $0xFFFFFFFF  }
0xb6: {  	_ =	strace $0x9000004E  }
0xb7: {  	_ =	sfence  }
0xb8: {  	s30 =	sld [smem:$0x0];
	_ =	sdelay $0x2  }
0xb9: {  	s31 =	sshll.u32 s1, $0xD;
	s1 =	sshrl.u32 s1, $0x2  }
0xba: {  	s3 =	sand.u32 $0x4000, s31;
	s1 =	sadd.s32 s1, s30  }
0xbb: {  	s0 =	sor.u32 s3, s0;
	s1 =	sshll.u32 s1, $0x11  }
0xbc: {  	s0 =	sor.u32 s1, s0  }
0xbd: {  	s0 =	sadd.s32 $0x8F2B, s0  }
0xbe: {  	[sflag:s0] =	ssyncadd.remote.s32 $0x1  }
0xbf: {  	_ =	sfence.sel $0xFFFF  }
0xc0: {  	[dreg:$0x0] =	wrdreg $0xFFFFFFFF;
	(pc) =	sbr.abs _section_cstart, $3  }
0xc1: {  	[dreg:$0x1] =	wrdreg $0xFFFFFFFF  }
0xc2: {  	_ =	task.clear_ibuf [dreg:s7], $0x2FFFF;
	_ =	strace $0x9FFFFFFF  }
0xc3: {  	(tm) =	ssettm $0x7FFFFFFF  }
tec
execute0_lowered:
.L_overlay_start_1:
0x0: {  	(tag) =	ssettag $0x1  }
0x1: {  	s0 =	rddreg [dreg:$0x0]  }
0x2: {  	s3 =	rddreg [dreg:$0x1]  }
0x3: {  	s1 =	rddreg [dreg:$0x2];
	s2 =	simm.s32 $0x0;
	s5 =	srdreg.scid  }
0x4: {  	s19 =	stileid.u32;
	s28 =	simm.s32 $0x17900;
	s29 =	simm.s32 $0x1  }
0x5: {  	s30 =	simm.s32 $0x2;
	s31 =	simm.s32 $0x0;
	[smem:$0x7FF] =	sst s2  }
0x6: {  	s4 =	sadd.s32 $0xF600, s0;
	s6 =	sand.u32 $0x1, s5;
	s11 =	sadd.s32 $0x2E00, s0  }
0x7: {  	s10 =	smul.u32 $0x4E000, s19;
	s5 =	sadd.s32 $0xCE00, s0;
	s12 =	sshll.u32 s19, $0x5  }
0x8: {  	s20 =	sshll.u32 s19, $0x6;
	s21 =	sadd.s32 $0x138000, s1;
	p0 =	sne.s32 s19, $0xF  }
0x9: {  	_ =	strace $0x8000004D;
	s7 =	smul.u32 $0x27100, s6;
	s8 =	ssub.s32 $0x2, s6  }
0xa: {  	s6 =	sshll.u32 s6, $0x4;
	[dreg:$0x4] =	wrdreg s21;
	s15 =	sor.u32 $0x400, s12  }
0xb: {  	s21 =	simm.s32 $0x1B980;
	s9 =	sshrl.u32 s8, $0x1;
	s18 =	sshrl.u32 s10, $0x2  }
0xc: {  	s14 =	sor.u32 s6, s12;
	s6 =	sor.u32 $0x1C03, s20;
	s25 =	sand.u32 $0x580, s15  }
0xd: {  	s20 =	simm.s32 $0x1B900;
	s0 =	sadd.s32 s7, s0;
	s17 =	ssub.s32 s8, s9  }
0xe: {  	s18 =	sadd.s32 s18, s1;
	s22 =	sadd.s32 s3, s14;
	s9 =	sadd.s32 s11, s14  }
0xf: {  	s23 =	sor.u32 $0x9E00, s14;
	s26 =	sand.u32 $0x70, s14;
	s10 =	sadd.s32 $0xAC200, s0  }
0x10: {  	s0 =	smul.u32 $0x2700, s19;
	s7 =	smax.u32 s17, $0x1;
	s24 =	sadd.s32 s3, s23  }
0x11: {  	s3 =	sadd.s32 s25, s3;
	s16 =	sadd.s32 $0x200, s9;
	s13 =	smov.u32 s22  }
0x12: {  	s17 =	sadd.s32 $0x200, s22;
	s18 =	sshrl.u32 s18, $0x3;
	[dreg:$0x5] =	wrdreg s7  }
0x13: {  	s19 =	simm.s32 $0x3;
	s22 =	simm.s32 $0x80;
	[dreg:$0x6] =	wrdreg s24  }
0x14: {  	s7 =	sadd.s32 s11, s23;
	s14 =	sadd.s32 s26, s3;
	s23 =	simm.s32 $0x13900  }
0x15: {  	s24 =	simm.s32 $0x1BA00;
	[dreg:$0x7] =	wrdreg s7;
	s7 =	sadd.s32 s25, s11  }
0x16: {  	s25 =	sadd.s32 s0, s10;
	s15 =	sadd.s32 s26, s7;
	s26 =	simm.s32 $0x1BA80  }
.LBB2_1:
0x17: {  	[spmem:s18], [sflag:s6] =	dma.local [hbm:s5], $0x2700  }
0x18: {  	_ =	swait.ge [sflag:s19], $0x2700  }
0x19: {  	[sflag:s19] =	ssyncset.done $0x0;
	s0 =	rddreg [dreg:$0x4]  }
0x1a: {  	s3 =	simm.s32 @!p0 $0x3;
	[sflag:s19] =	ssyncadd.s32 $0xFFFFD900;
	s0 =	sshrl.u32 @!p0 s0, $0x3  }
0x1b: {  	[spmem:s0], [sflag:s6] =	dma.local @!p0 [hbm:s5], $0x200  }
0x1c: {  	_ =	swait.ge @!p0 [sflag:s3], $0x200  }
0x1d: {  	[sflag:s3] =	ssyncset.done @!p0 $0x0  }
0x1e: {  	[sflag:s3] =	ssyncadd.s32 @!p0 $0xFFFFFE00  }
0x1f: {  	[tilespmem:s20], [sflag:$0x3] =	stream.linear.gather [hbm4b:s13+s2], $0x80, $0x38;
	[tilespmem:$0x1BB00] =	vst v63  }
0x20: {  	_ =	swait.ge [sflag:s19], $0x80  }
0x21: {  	[sflag:s19] =	ssyncset.done $0x0  }
0x22: {  	[sflag:s19] =	ssyncadd.s32 $0xFFFFFF80  }
0x23: {  	[tilespmem:s21], [sflag:$0x3] =	stream.linear.gather [hbm4b:s9+s2], $0x80, $0x38;
	[tilespmem:$0x1BB00] =	vst v63  }
0x24: {  	_ =	swait.ge [sflag:s19], $0x80  }
0x25: {  	[sflag:s19] =	ssyncset.done $0x0  }
0x26: {  	[sflag:s19] =	ssyncadd.s32 $0xFFFFFF80  }
0x27: {  	[bflag:$0x0] =	sbarrier.arrive $0xFFFF  }
0x28: {  	[tilespmem:s23], [sflag:$0x1] =	stream.indirect.gather [hbm4b:s4+s22], $0x80, s20, s22, $0xb8;
	[tilespmem:$0x1BB00] =	vst v63  }
0x29: {  	s7 =	sadd.s32 $0x0, s17  }
0x2a: {  	[tilespmem:s24], [sflag:$0x3] =	stream.linear.gather [hbm4b:s7+s2], $0x80, $0x38;
	[tilespmem:$0x1BB00] =	vst v63  }
0x2b: {  	_ =	swait.ge [sflag:s19], $0x80  }
0x2c: {  	[sflag:s19] =	ssyncset.done $0x0  }
0x2d: {  	s8 =	sadd.s32 $0x0, s16;
	[sflag:s19] =	ssyncadd.s32 $0xFFFFFF80  }
0x2e: {  	[tilespmem:s26], [sflag:$0x3] =	stream.linear.gather [hbm4b:s8+s2], $0x80, $0x38;
	[tilespmem:$0x1BB00] =	vst v63  }
0x2f: {  	_ =	swait.ge [sflag:s19], $0x80  }
0x30: {  	[sflag:s19] =	ssyncset.done $0x0  }
0x31: {  	[sflag:s19] =	ssyncadd.s32 $0xFFFFFF80  }
0x32: {  	[tilespmem:s28], [sflag:$0x2] =	stream.indirect.gather [hbm4b:s4+s22], $0x80, s24, s22, $0xb8;
	[tilespmem:$0x1BB00] =	vst v63  }
0x33: {  	_ =	swait.ge [sflag:s29], $0x4000  }
0x34: {  	[sflag:s29] =	ssyncset.done $0x0  }
0x35: {  	[sflag:s29] =	ssyncadd.s32 $0xFFFFC000  }
0x36: {  	[spmem:s1] =	stream.indirect.scatter.add.f32 [tilespmem:s23], [sflag:$0x3], $0x80, s21, s22, $0xb8;
	[tilespmem:$0x1BB00] =	vst v63  }
0x37: {  	_ =	swait.ge [sflag:s19], $0x4000  }
0x38: {  	[sflag:s19] =	ssyncset.done $0x0  }
0x39: {  	s11 =	sadd.s32 $0x0, s14;
	[sflag:s19] =	ssyncadd.s32 $0xFFFFC000  }
0x3a: {  	[tilespmem:s20], [sflag:$0x3] =	stream.linear.gather [hbm4b:s11+s2], $0x80, $0x38;
	[tilespmem:$0x1BB00] =	vst v63  }
0x3b: {  	_ =	swait.ge [sflag:s19], $0x80  }
0x3c: {  	[sflag:s19] =	ssyncset.done $0x0  }
0x3d: {  	s12 =	sadd.s32 $0x0, s15;
	[sflag:s19] =	ssyncadd.s32 $0xFFFFFF80  }
0x3e: {  	[tilespmem:s21], [sflag:$0x3] =	stream.linear.gather [hbm4b:s12+s2], $0x80, $0x38;
	[tilespmem:$0x1BB00] =	vst v63  }
0x3f: {  	_ =	swait.ge [sflag:s19], $0x80  }
0x40: {  	[sflag:s19] =	ssyncset.done $0x0  }
0x41: {  	[sflag:s19] =	ssyncadd.s32 $0xFFFFFF80  }
0x42: {  	[tilespmem:s23], [sflag:$0x1] =	stream.indirect.gather [hbm4b:s4+s22], $0x80, s20, s22, $0xb8;
	[tilespmem:$0x1BB00] =	vst v63  }
0x43: {  	_ =	swait.ge [sflag:s30], $0x4000  }
0x44: {  	[sflag:s30] =	ssyncset.done $0x0  }
0x45: {  	[sflag:s30] =	ssyncadd.s32 $0xFFFFC000  }
0x46: {  	[spmem:s1] =	stream.indirect.scatter.add.f32 [tilespmem:s28], [sflag:$0x3], $0x80, s26, s22, $0xb8;
	[tilespmem:$0x1BB00] =	vst v63  }
0x47: {  	_ =	swait.ge [sflag:s19], $0x4000  }
0x48: {  	s3 =	simm.s32 $0x400;
	s7 =	simm.s32 $0x800;
	[sflag:s19] =	ssyncset.done $0x0  }
.LBB2_2:
0x49: {  	s12 =	sadd.s32 s3, s17  }
0x4a: {  	[sflag:s19] =	ssyncadd.s32 $0xFFFFC000;
	s8 =	smov.u32 s7;
	s11 =	sadd.s32 $0x400, s7  }
0x4b: {  	[tilespmem:s24], [sflag:$0x3] =	stream.linear.gather [hbm4b:s12+s2], $0x80, $0x38;
	[tilespmem:$0x1BB00] =	vst v63  }
0x4c: {  	p1 =	sne.s32 s7, $0x9800;
	_ =	swait.ge [sflag:s19], $0x80  }
0x4d: {  	[sflag:s19] =	ssyncset.done $0x0  }
0x4e: {  	s7 =	sadd.s32 s3, s16;
	[sflag:s19] =	ssyncadd.s32 $0xFFFFFF80  }
0x4f: {  	[tilespmem:s26], [sflag:$0x3] =	stream.linear.gather [hbm4b:s7+s2], $0x80, $0x38;
	[tilespmem:$0x1BB00] =	vst v63  }
0x50: {  	_ =	swait.ge [sflag:s19], $0x80  }
0x51: {  	[sflag:s19] =	ssyncset.done $0x0  }
0x52: {  	[sflag:s19] =	ssyncadd.s32 $0xFFFFFF80  }
0x53: {  	[tilespmem:s28], [sflag:$0x2] =	stream.indirect.gather [hbm4b:s4+s22], $0x80, s24, s22, $0xb8;
	[tilespmem:$0x1BB00] =	vst v63  }
0x54: {  	_ =	swait.ge [sflag:s29], $0x4000  }
0x55: {  	[sflag:s29] =	ssyncset.done $0x0  }
0x56: {  	[sflag:s29] =	ssyncadd.s32 $0xFFFFC000  }
0x57: {  	[spmem:s1] =	stream.indirect.scatter.add.f32 [tilespmem:s23], [sflag:$0x3], $0x80, s21, s22, $0xb8;
	[tilespmem:$0x1BB00] =	vst v63  }
0x58: {  	_ =	swait.ge [sflag:s19], $0x4000  }
0x59: {  	[sflag:s19] =	ssyncset.done $0x0  }
0x5a: {  	s7 =	sadd.s32 s3, s14;
	[sflag:s19] =	ssyncadd.s32 $0xFFFFC000  }
0x5b: {  	[tilespmem:s20], [sflag:$0x3] =	stream.linear.gather [hbm4b:s7+s2], $0x80, $0x38;
	[tilespmem:$0x1BB00] =	vst v63  }
0x5c: {  	_ =	swait.ge [sflag:s19], $0x80  }
0x5d: {  	[sflag:s19] =	ssyncset.done $0x0  }
0x5e: {  	s7 =	sadd.s32 s3, s15;
	s3 =	smov.u32 s8;
	[sflag:s19] =	ssyncadd.s32 $0xFFFFFF80  }
0x5f: {  	[tilespmem:s21], [sflag:$0x3] =	stream.linear.gather [hbm4b:s7+s2], $0x80, $0x38;
	[tilespmem:$0x1BB00] =	vst v63  }
0x60: {  	_ =	swait.ge [sflag:s19], $0x80  }
0x61: {  	[sflag:s19] =	ssyncset.done $0x0  }
0x62: {  	[sflag:s19] =	ssyncadd.s32 $0xFFFFFF80  }
0x63: {  	[tilespmem:s23], [sflag:$0x1] =	stream.indirect.gather [hbm4b:s4+s22], $0x80, s20, s22, $0xb8;
	[tilespmem:$0x1BB00] =	vst v63  }
0x64: {  	_ =	swait.ge [sflag:s30], $0x4000  }
.Ltmp0:
0x65: {  	[sflag:s30] =	ssyncset.done $0x0;
	(pc) =	sbr.rel @p1 .LBB2_2-.Ltmp0, $4  }
0x66: {  	[sflag:s30] =	ssyncadd.s32 $0xFFFFC000  }
0x67: {  	[spmem:s1] =	stream.indirect.scatter.add.f32 [tilespmem:s28], [sflag:$0x3], $0x80, s26, s22, $0xb8;
	[tilespmem:$0x1BB00] =	vst v63  }
0x68: {  	_ =	swait.ge [sflag:s19], $0x4000  }
0x69: {  	s7 =	smov.u32 s11;
	[sflag:s19] =	ssyncset.done $0x0  }
0x6a: {  	s7 =	sadd.s32 s3, s17;
	[sflag:s19] =	ssyncadd.s32 $0xFFFFC000  }
0x6b: {  	[tilespmem:s24], [sflag:$0x3] =	stream.linear.gather [hbm4b:s7+s2], $0x80, $0x38;
	[tilespmem:$0x1BB00] =	vst v63  }
0x6c: {  	_ =	swait.ge [sflag:s19], $0x80  }
0x6d: {  	[sflag:s19] =	ssyncset.done $0x0  }
0x6e: {  	s11 =	sadd.s32 s3, s16;
	[sflag:s19] =	ssyncadd.s32 $0xFFFFFF80  }
0x6f: {  	[tilespmem:s26], [sflag:$0x3] =	stream.linear.gather [hbm4b:s11+s2], $0x80, $0x38;
	[tilespmem:$0x1BB00] =	vst v63  }
0x70: {  	_ =	swait.ge [sflag:s19], $0x80  }
0x71: {  	[sflag:s19] =	ssyncset.done $0x0  }
0x72: {  	[sflag:s19] =	ssyncadd.s32 $0xFFFFFF80  }
0x73: {  	[tilespmem:s28], [sflag:$0x2] =	stream.indirect.gather [hbm4b:s4+s22], $0x80, s24, s22, $0xb8;
	[tilespmem:$0x1BB00] =	vst v63  }
0x74: {  	_ =	swait.ge [sflag:s29], $0x4000  }
0x75: {  	[sflag:s29] =	ssyncset.done $0x0  }
0x76: {  	[sflag:s29] =	ssyncadd.s32 $0xFFFFC000  }
0x77: {  	[spmem:s1] =	stream.indirect.scatter.add.f32 [tilespmem:s23], [sflag:$0x3], $0x80, s21, s22, $0xb8;
	[tilespmem:$0x1BB00] =	vst v63  }
0x78: {  	_ =	swait.ge [sflag:s19], $0x4000  }
0x79: {  	[sflag:s19] =	ssyncset.done $0x0  }
0x7a: {  	s12 =	sadd.s32 s3, s14;
	[sflag:s19] =	ssyncadd.s32 $0xFFFFC000  }
0x7b: {  	[tilespmem:s20], [sflag:$0x3] =	stream.linear.gather [hbm4b:s12+s2], $0x80, $0x38;
	[tilespmem:$0x1BB00] =	vst v63  }
0x7c: {  	_ =	swait.ge [sflag:s19], $0x80  }
0x7d: {  	[sflag:s19] =	ssyncset.done $0x0  }
0x7e: {  	s7 =	sadd.s32 s3, s15;
	[sflag:s19] =	ssyncadd.s32 $0xFFFFFF80  }
0x7f: {  	[tilespmem:s21], [sflag:$0x3] =	stream.linear.gather [hbm4b:s7+s2], $0x80, $0x38;
	[tilespmem:$0x1BB00] =	vst v63  }
0x80: {  	_ =	swait.ge [sflag:s19], $0x80  }
0x81: {  	[sflag:s19] =	ssyncset.done $0x0  }
0x82: {  	[sflag:s19] =	ssyncadd.s32 $0xFFFFFF80  }
0x83: {  	[tilespmem:s23], [sflag:$0x1] =	stream.indirect.gather [hbm4b:s4+s22], $0x80, s20, s22, $0xb8;
	[tilespmem:$0x1BB00] =	vst v63  }
0x84: {  	_ =	swait.ge [sflag:s30], $0x4000  }
0x85: {  	[sflag:s30] =	ssyncset.done $0x0  }
0x86: {  	[sflag:s30] =	ssyncadd.s32 $0xFFFFC000  }
0x87: {  	[spmem:s1] =	stream.indirect.scatter.add.f32 [tilespmem:s28], [sflag:$0x3], $0x80, s26, s22, $0xb8;
	[tilespmem:$0x1BB00] =	vst v63  }
0x88: {  	_ =	swait.ge [sflag:s19], $0x4000  }
0x89: {  	[sflag:s19] =	ssyncset.done $0x0  }
0x8a: {  	s8 =	rddreg [dreg:$0x6];
	[sflag:s19] =	ssyncadd.s32 $0xFFFFC000  }
0x8b: {  	[tilespmem:s24], [sflag:$0x3] =	stream.linear.gather [hbm4b:s8+s2], $0x80, $0x38;
	[tilespmem:$0x1BB00] =	vst v63  }
0x8c: {  	_ =	swait.ge [sflag:s19], $0x80  }
0x8d: {  	[sflag:s19] =	ssyncset.done $0x0  }
0x8e: {  	s11 =	rddreg [dreg:$0x7];
	[sflag:s19] =	ssyncadd.s32 $0xFFFFFF80  }
0x8f: {  	[tilespmem:s26], [sflag:$0x3] =	stream.linear.gather [hbm4b:s11+s2], $0x80, $0x38;
	[tilespmem:$0x1BB00] =	vst v63  }
0x90: {  	_ =	swait.ge [sflag:s19], $0x80  }
0x91: {  	[sflag:s19] =	ssyncset.done $0x0  }
0x92: {  	[sflag:s19] =	ssyncadd.s32 $0xFFFFFF80  }
0x93: {  	[tilespmem:s28], [sflag:$0x2] =	stream.indirect.gather [hbm4b:s4+s22], $0x80, s24, s22, $0xb8;
	[tilespmem:$0x1BB00] =	vst v63  }
0x94: {  	_ =	swait.ge [sflag:s29], $0x4000  }
0x95: {  	[sflag:s29] =	ssyncset.done $0x0  }
0x96: {  	[sflag:s29] =	ssyncadd.s32 $0xFFFFC000  }
0x97: {  	[spmem:s1] =	stream.indirect.scatter.add.f32 [tilespmem:s23], [sflag:$0x3], $0x80, s21, s22, $0xb8;
	[tilespmem:$0x1BB00] =	vst v63  }
0x98: {  	_ =	swait.ge [sflag:s19], $0x4000  }
0x99: {  	[sflag:s19] =	ssyncset.done $0x0  }
0x9a: {  	[sflag:s19] =	ssyncadd.s32 $0xFFFFC000  }
0x9b: {  	_ =	swait.ge [sflag:s30], $0x4000  }
0x9c: {  	[sflag:s30] =	ssyncset.done $0x0  }
0x9d: {  	[sflag:s30] =	ssyncadd.s32 $0xFFFFC000  }
0x9e: {  	[spmem:s1] =	stream.indirect.scatter.add.f32 [tilespmem:s28], [sflag:$0x3], $0x80, s26, s22, $0xb8;
	[tilespmem:$0x1BB00] =	vst v63  }
0x9f: {  	_ =	swait.ge [sflag:s19], $0x4000  }
0xa0: {  	[sflag:s19] =	ssyncset.done $0x0  }
0xa1: {  	[sflag:s19] =	ssyncadd.s32 $0xFFFFC000  }
0xa2: {  	[bflag:$0x0] =	sbarrier.arrive $0xFFFF  }
0xa3: {  	[hbm:s25], [sflag:s6] =	dma.local [spmem:s18], $0x2700  }
0xa4: {  	_ =	swait.ge [sflag:s19], $0x2700  }
0xa5: {  	[sflag:s19] =	ssyncset.done $0x0  }
0xa6: {  	s3 =	sadd.s32 @!p0 $0x27000, s10;
	[sflag:s19] =	ssyncadd.s32 $0xFFFFD900  }
0xa7: {  	[hbm:s3], [sflag:s6] =	dma.local @!p0 [spmem:s0], $0x100  }
0xa8: {  	s0 =	simm.s32 @!p0 $0x3  }
0xa9: {  	_ =	swait.ge @!p0 [sflag:s0], $0x100  }
0xaa: {  	s31 =	sadd.s32 $0x1, s31;
	s12 =	rddreg [dreg:$0x5]  }
0xab: {  	p1 =	sne.s32 s31, s12  }
.Ltmp1:
0xac: {  	_ = 	snop;
	(pc) =	sbr.rel @p1 .LBB2_1-.Ltmp1, $3  }
0xad: {  	_ =	sdelay $0x1  }
0xae: {  	[sflag:s0] =	ssyncset.done @!p0 $0x0  }
0xaf: {  	[sflag:s0] =	ssyncadd.s32 @!p0 $0xFFFFFF00  }
0xb0: {  	_ =	sfence.sel $0x180000  }
0xb1: {  	[bflag:$0x0] =	sbarrier.arrive $0xFFFF  }
0xb2: {  	_ =	strace $0x9000004D  }
0xb3: {  	s0 =	stileid.u32;
	[bflag:$0x2] =	sbarrier.arrive $0xFFFF  }
0xb4: {  	p0 =	sne.s32 s0, $0x0;
	s0 =	rddreg [dreg:$0x3]  }
0xb5: {  	s0 =	sadd.s32 @!p0 $0x100000, s0  }
0xb6: {  	[sflag:s0] =	ssyncadd.tile.s32 @!p0 $0x1;
	_ =	shalt  }
.Lfunc_end2:
_tile_overlayer_lowered:
.L_overlay_start_2:
0xb7: {  	(tag) =	ssettag $0x2  }
0xb8: {  	s0 =	rddreg [dreg:$0x0];
	s2 =	stileid.u32  }
0xb9: {  	s1 =	rddreg [dreg:$0x1];
	p0 =	sne.s32 s2, $0x0  }
0xba: {  	s3 =	rddreg [dreg:$0x2];
	[bflag:$0x3] =	sbarrier.arrive $0xFFFF;
	s2 =	simm.s32 @!p0 $0x1C03  }
0xbb: {  	[timem:s3], [sflag:s2] =	dma.local @!p0 [hbm:s0], s1  }
0xbc: {  	s0 =	simm.s32 @!p0 $0x3  }
0xbd: {  	_ =	swait.ge @!p0 [sflag:s0], s1  }
0xbe: {  	s1 =	ssub.s32 @!p0 $0x0, s1;
	[sflag:s0] =	ssyncset.done @!p0 $0x0  }
0xbf: {  	[sflag:s0] =	ssyncadd.s32 @!p0 s1  }
0xc0: {  	[bflag:$0x3] =	sbarrier.arrive $0xFFFF  }
0xc1: {  	_ =	shalt  }

// kernel: kernel.18.cloned.1.call-start
scs
__scs_entry_jumppad:
0x0: {  	(pc) =	sbr.rel $0x88, $3  }
0x1: {  	(tag) =	ssettag $0x0;
	lr =	simm.s32 $0x1  }
0x2: {  	[smem:$0x3F96] =	sst lr;
	_ =	strace $0xD0000000  }
0x3: {  	_ = 	snop  }
0x4: {  	_ = 	snop  }
0x5: {  	_ = 	snop  }
0x6: {  	_ = 	snop  }
0x7: {  	_ = 	snop  }
__scs_overlays_trampoline_lowered:
0x8: {  	[smem:$0x3FA5] =	sst s0  }
0x9: {  	[smem:$0x3FA6] =	sst s1  }
0xa: {  	[smem:$0x3FA7] =	sst s2  }
0xb: {  	[smem:$0x3FA8] =	sst s3  }
0xc: {  	[smem:$0x3FA9] =	sst s4  }
0xd: {  	[smem:$0x3FAA] =	sst s5  }
0xe: {  	[smem:$0x3FAB] =	sst s6  }
0xf: {  	[smem:$0x3FAC] =	sst s7  }
0x10: {  	[smem:$0x3FAD] =	sst s8  }
0x11: {  	[smem:$0x3FAE] =	sst s9;
	s0 =	simm.s32 @!p0 $0x0  }
0x12: {  	s1 =	sld [smem:$0x3F94];
	s0 =	simm.s32 @p0 $0x1  }
0x13: {  	[smem:$0x3FAF] =	sst s0;
	s0 =	simm.s32 @!p1 $0x0  }
0x14: {  	s2 =	sld [smem:$0x3F93];
	s0 =	simm.s32 @p1 $0x1  }
0x15: {  	[smem:$0x3FB0] =	sst s0;
	s0 =	simm.s32 @!p2 $0x0  }
0x16: {  	s3 =	sld [smem:$0x3FDB];
	s0 =	simm.s32 @p2 $0x1  }
0x17: {  	s4 =	simm.s32 $0x1BF5;
	[smem:$0x3FB2] =	sst s0  }
0x18: {  	s0 =	sld [smem:$0x3F95];
	_ =	swait.ge [sflag:s4], $0x0  }
0x19: {  	s7 =	sld [smem:$0x3F96]  }
0x1a: {  	s8 =	sadd.s32 $0xFFFFE003, lr  }
0x1b: {  	s9 =	sadd.s32 $0xFFFFFEF7, lr;
	s5 =	simm.s32 $0xFFFFFFFF;
	p2 =	slt.u32 s8, $0xFFFFF086  }
0x1c: {  	p1 =	slt.u32 s9, $0xF7A;
	s5 =	simm.s32 @!p2 $0x0  }
0x1d: {  	s5 =	simm.s32 @p1 $0x1;
	p0 =	seq.s32 s7, s2  }
0x1e: {  	s7 =	smul.u32 @!p0 $0xF7A, s2;
	p2 =	seq.s32 @!p0 s5, $0x0  }
0x1f: {  	s9 =	smul.u32 $0xF7A, s1;
	s8 =	simm.s32 @!p0 $0x1BF5;
	p2 =	por !p2, p0  }
0x20: {  	[sflag:s8] =	ssyncset.s32 @!p0 $0xFFFFF086;
	s6 =	sadd.s32 @!p0 s3, s7;
	s7 =	simm.s32 @!p0 $0x108  }
0x21: {  	s3 =	sadd.s32 s3, s9;
	s6 =	sadd.s32 @!p0 $0x88, s6;
	s7 =	simm.s32 @p2 $0x1082  }
0x22: {  	[simem:s7], [sflag:s8] =	dma.local @!p0 [hbm:s6], $0xF7A  }
0x23: {  	s9 =	sor.u32 $0xD0000000, s2;
	s6 =	simm.s32 $0x108;
	_ =	swait.ge @!p0 [sflag:s8], $0x0  }
0x24: {  	s3 =	sadd.s32 $0x88, s3;
	s6 =	simm.s32 @!p1 $0x1082;
	[sflag:s4] =	ssyncset.s32 $0xFFFFF086  }
0x25: {  	[simem:s6], [sflag:s4] =	dma.local [hbm:s3], $0xF7A  }
0x26: {  	[smem:$0x3F96] =	sst s1;
	(tag) =	ssettag s2;
	_ =	strace s9  }
0x27: {  	s1 =	sld [smem:$0x3FA6]  }
0x28: {  	s2 =	sld [smem:$0x3FA7]  }
0x29: {  	s4 =	sld [smem:$0x3FA9]  }
0x2a: {  	p0 =	seq.s32 s5, $0x0;
	s5 =	sld [smem:$0x3FAA]  }
0x2b: {  	s6 =	sld [smem:$0x3FAB]  }
0x2c: {  	s7 =	sld [smem:$0x3FAC]  }
0x2d: {  	s3 =	simm.s32 $0x108;
	s8 =	sld [smem:$0x3FAD]  }
0x2e: {  	s3 =	simm.s32 @!p0 $0x1082;
	s9 =	sld [smem:$0x3FAE]  }
0x2f: {  	lr =	sadd.s32 s0, s3;
	s0 =	sld [smem:$0x3FA5]  }
0x30: {  	s3 =	sld [smem:$0x3FA8]  }
0x31: {  	[smem:$0x3FB1] =	sst s10  }
0x32: {  	s10 =	sld [smem:$0x3FAF];
	_ =	sdelay $0x3  }
0x33: {  	p0 =	seq.s32 s10, $0x1;
	s10 =	sld [smem:$0x3FB1];
	_ =	sdelay $0x3  }
0x34: {  	[smem:$0x3FB1] =	sst s10  }
0x35: {  	s10 =	sld [smem:$0x3FB0];
	_ =	sdelay $0x3  }
0x36: {  	p1 =	seq.s32 s10, $0x1;
	s10 =	sld [smem:$0x3FB1];
	_ =	sdelay $0x3  }
0x37: {  	[smem:$0x3FB1] =	sst s10  }
0x38: {  	s10 =	sld [smem:$0x3FB2]  }
0x39: {  	_ = 	snop;
	(pc) =	sbr.ind lr, $3  }
0x3a: {  	_ = 	snop  }
0x3b: {  	_ = 	snop  }
0x3c: {  	p2 =	seq.s32 s10, $0x1;
	s10 =	sld [smem:$0x3FB1]  }
0x3d: {  	_ =	shalt  }
0x3e: {  	_ =	shalt  }
0x3f: {  	_ =	shalt  }
0x40: {  	_ =	shalt  }
0x41: {  	_ =	shalt  }
0x42: {  	_ =	shalt  }
0x43: {  	_ =	shalt  }
0x44: {  	_ =	shalt  }
0x45: {  	_ =	shalt  }
0x46: {  	_ =	shalt  }
0x47: {  	_ =	shalt  }
0x48: {  	_ =	shalt  }
0x49: {  	_ =	shalt  }
0x4a: {  	_ =	shalt  }
0x4b: {  	_ =	shalt  }
0x4c: {  	_ =	shalt  }
0x4d: {  	_ =	shalt  }
0x4e: {  	_ =	shalt  }
0x4f: {  	_ =	shalt  }
0x50: {  	_ =	shalt  }
0x51: {  	_ =	shalt  }
0x52: {  	_ =	shalt  }
0x53: {  	_ =	shalt  }
0x54: {  	_ =	shalt  }
0x55: {  	_ =	shalt  }
0x56: {  	_ =	shalt  }
0x57: {  	_ =	shalt  }
0x58: {  	_ =	shalt  }
0x59: {  	_ =	shalt  }
0x5a: {  	_ =	shalt  }
0x5b: {  	_ =	shalt  }
0x5c: {  	_ =	shalt  }
0x5d: {  	_ =	shalt  }
0x5e: {  	_ =	shalt  }
0x5f: {  	_ =	shalt  }
0x60: {  	_ =	shalt  }
0x61: {  	_ =	shalt  }
0x62: {  	_ =	shalt  }
0x63: {  	_ =	shalt  }
0x64: {  	_ =	shalt  }
0x65: {  	_ =	shalt  }
0x66: {  	_ =	shalt  }
0x67: {  	_ =	shalt  }
0x68: {  	_ =	shalt  }
0x69: {  	_ =	shalt  }
0x6a: {  	_ =	shalt  }
0x6b: {  	_ =	shalt  }
0x6c: {  	_ =	shalt  }
0x6d: {  	_ =	shalt  }
0x6e: {  	_ =	shalt  }
0x6f: {  	_ =	shalt  }
0x70: {  	_ =	shalt  }
0x71: {  	_ =	shalt  }
0x72: {  	_ =	shalt  }
0x73: {  	_ =	shalt  }
0x74: {  	_ =	shalt  }
0x75: {  	_ =	shalt  }
0x76: {  	_ =	shalt  }
0x77: {  	_ =	shalt  }
0x78: {  	_ =	shalt  }
0x79: {  	_ =	shalt  }
0x7a: {  	_ =	shalt  }
0x7b: {  	_ =	shalt  }
0x7c: {  	_ =	shalt  }
0x7d: {  	_ =	shalt  }
0x7e: {  	_ =	shalt  }
0x7f: {  	_ =	shalt  }
0x80: {  	_ =	shalt  }
0x81: {  	_ =	shalt  }
0x82: {  	_ =	shalt  }
0x83: {  	_ =	shalt  }
0x84: {  	_ =	shalt  }
0x85: {  	_ =	shalt  }
0x86: {  	_ =	shalt  }
0x87: {  	_ =	shalt  }
.Lfunc_end0:
.L_simem_size_0:
called_computation.3_lowered:
.L_overlay_start_0:
0x88: {  	s2 =	sld [smem:$0x3FD9]  }
0x89: {  	s3 =	sld [smem:$0x3FFE];
	_ =	sdelay $0x1  }
0x8a: {  	s1 =	srdreg.scid  }
0x8b: {  	s0 =	sand.u32 $0x1, s1  }
0x8c: {  	s17 =	sshll.u32 s0, $0xA;
	s2 =	sadd.s32 s3, s2  }
0x8d: {  	s2 =	sadd.s32 s2, s17  }
0x8e: {  	[smem:$0x3FBD] =	sst s2  }
0x8f: {  	_ = 	snop  }
0x90: {  	s2 =	sld [smem:$0x3FD0];
	(tm) =	ssettm $0x1  }
0x91: {  	s18 =	sld [smem:$0x3FFB];
	_ =	sdelay $0x3  }
0x92: {  	_ =	strace s18  }
0x93: {  	s3 =	sld [smem:$0x3FFC];
	_ =	sdelay $0x3  }
0x94: {  	_ =	strace s3  }
0x95: {  	s3 =	sld [smem:$0x3FFD];
	_ =	sdelay $0x3  }
0x96: {  	_ =	strace s3  }
0x97: {  	_ =	strace $0x8FFFFFFF  }
0x98: {  	s19 =	sld [smem:$0x3FDB];
	_ =	sdelay $0x1  }
0x99: {  	s4 =	simm.s32 $_scs_section_size  }
0x9a: {  	s5 =	simm.s32 $_size__tile_overlayer_lowered;
	s6 =	simm.s32 $_tile_overlayer_lowered  }
0x9b: {  	s22 =	simm.s32 $0x1BFF;
	s21 =	sshll.u32 s6, $0x1;
	s3 =	sadd.s32 s4, s19  }
0x9c: {  	s7 =	simm.s32 $0x0;
	s20 =	sshll.u32 s5, $0x1;
	s5 =	sadd.s32 s21, s3  }
0x9d: {  	[timem:s7], [sflag:s22] =	dma.local [hbm:s5], s20  }
0x9e: {  	_ =	swait.ge [sflag:s22], s20  }
0x9f: {  	s4 =	ssub.s32 $0x0, s20;
	[sflag:s22] =	ssyncset.done $0x0  }
0xa0: {  	[sflag:s22] =	ssyncadd.s32 s4;
	_ =	sdelay $0x1  }
0xa1: {  	s23 =	simm.s32 $0x1B8B  }
0xa2: {  	_ =	swait.ge [sflag:s23], $0x1  }
0xa3: {  	[sflag:s23] =	ssyncset.done $0x0  }
0xa4: {  	s25 =	simm.s32 $0x1B8E;
	s24 =	sld [smem:$0x3FFE];
	[sflag:s23] =	ssyncadd.s32 $0xFFFFFFFF  }
0xa5: {  	s26 =	simm.s32 $execute0_lowered;
	[smem:$0x3FD2] =	sst s25  }
0xa6: {  	s5 =	sshll.u32 s26, $0x1;
	_ =	strace $0x8000004F;
	[dreg:$0x1] =	wrdreg $0xFFFFFFFF  }
0xa7: {  	s28 =	simm.s32 $_size_execute0_lowered;
	s3 =	sadd.s32 s3, s5;
	[dreg:$0x0] =	wrdreg $0x0  }
0xa8: {  	s5 =	sshll.u32 s28, $0x1;
	[dreg:$0x2] =	wrdreg s3  }
0xa9: {  	[dreg:$0x3] =	wrdreg s5  }
0xaa: {  	[dreg:$0x4] =	wrdreg $0xC0  }
0xab: {  	_ =	task [dreg:s7], $0x5FFFF  }
0xac: {  	[dreg:$0x1] =	wrdreg $0xFFFFFFFF  }
0xad: {  	[dreg:$0x0] =	wrdreg $0x60  }
0xae: {  	[dreg:$0x2] =	wrdreg s24  }
0xaf: {  	[dreg:$0x3] =	wrdreg s2  }
0xb0: {  	[dreg:$0x4] =	wrdreg $0x0  }
0xb1: {  	[dreg:$0x5] =	wrdreg $0x9  }
0xb2: {  	_ =	task.clear_ibuf [dreg:s7], $0x6FFFF;
	_ =	strace $0x9000004F  }
0xb3: {  	s29 =	simm.s32 $0x9;
	_ =	strace $0x80000051  }
0xb4: {  	_ =	swait.ge [sflag:s29], $0x1  }
0xb5: {  	[sflag:s29] =	ssyncadd.s32 $0xFFFFFFFF  }
0xb6: {  	_ =	strace $0x90000051  }
0xb7: {  	_ =	sfence  }
0xb8: {  	s30 =	sld [smem:$0x0];
	_ =	sdelay $0x2  }
0xb9: {  	s31 =	sshll.u32 s1, $0xD;
	s1 =	sshrl.u32 s1, $0x2  }
0xba: {  	s3 =	sand.u32 $0x4000, s31;
	s1 =	sadd.s32 s1, s30  }
0xbb: {  	s0 =	sor.u32 s3, s0;
	s1 =	sshll.u32 s1, $0x11  }
0xbc: {  	s0 =	sor.u32 s1, s0  }
0xbd: {  	s0 =	sadd.s32 $0x8F2B, s0  }
0xbe: {  	[sflag:s0] =	ssyncadd.remote.s32 $0x1  }
0xbf: {  	_ =	sfence.sel $0xFFFF  }
0xc0: {  	[dreg:$0x0] =	wrdreg $0xFFFFFFFF;
	(pc) =	sbr.abs _section_cstart, $3  }
0xc1: {  	[dreg:$0x1] =	wrdreg $0xFFFFFFFF  }
0xc2: {  	_ =	task.clear_ibuf [dreg:s7], $0x2FFFF;
	_ =	strace $0x9FFFFFFF  }
0xc3: {  	(tm) =	ssettm $0x7FFFFFFF  }
tec
execute0_lowered:
.L_overlay_start_1:
0x0: {  	(tag) =	ssettag $0x1  }
0x1: {  	s0 =	rddreg [dreg:$0x0]  }
0x2: {  	s3 =	rddreg [dreg:$0x1]  }
0x3: {  	s1 =	rddreg [dreg:$0x2];
	s2 =	simm.s32 $0x0;
	s5 =	srdreg.scid  }
0x4: {  	s19 =	stileid.u32;
	s28 =	simm.s32 $0x17900;
	s29 =	simm.s32 $0x1  }
0x5: {  	s30 =	simm.s32 $0x2;
	s31 =	simm.s32 $0x0;
	[smem:$0x7FF] =	sst s2  }
0x6: {  	s4 =	sadd.s32 $0xF600, s0;
	s6 =	sand.u32 $0x1, s5;
	s11 =	sadd.s32 $0x2E00, s0  }
0x7: {  	s10 =	smul.u32 $0x4E000, s19;
	s5 =	sadd.s32 $0xCE00, s0;
	s12 =	sshll.u32 s19, $0x5  }
0x8: {  	s20 =	sshll.u32 s19, $0x6;
	s21 =	sadd.s32 $0x138000, s1;
	p0 =	sne.s32 s19, $0xF  }
0x9: {  	_ =	strace $0x80000050;
	s7 =	smul.u32 $0x27100, s6;
	s8 =	ssub.s32 $0x2, s6  }
0xa: {  	s6 =	sshll.u32 s6, $0x4;
	[dreg:$0x4] =	wrdreg s21;
	s15 =	sor.u32 $0x400, s12  }
0xb: {  	s21 =	simm.s32 $0x1B980;
	s9 =	sshrl.u32 s8, $0x1;
	s18 =	sshrl.u32 s10, $0x2  }
0xc: {  	s14 =	sor.u32 s6, s12;
	s6 =	sor.u32 $0x1C03, s20;
	s25 =	sand.u32 $0x580, s15  }
0xd: {  	s20 =	simm.s32 $0x1B900;
	s0 =	sadd.s32 s7, s0;
	s17 =	ssub.s32 s8, s9  }
0xe: {  	s18 =	sadd.s32 s18, s1;
	s22 =	sadd.s32 s3, s14;
	s9 =	sadd.s32 s11, s14  }
0xf: {  	s23 =	sor.u32 $0x9E00, s14;
	s26 =	sand.u32 $0x70, s14;
	s10 =	sadd.s32 $0xAC200, s0  }
0x10: {  	s0 =	smul.u32 $0x2700, s19;
	s7 =	smax.u32 s17, $0x1;
	s24 =	sadd.s32 s3, s23  }
0x11: {  	s3 =	sadd.s32 s25, s3;
	s16 =	sadd.s32 $0x200, s9;
	s13 =	smov.u32 s22  }
0x12: {  	s17 =	sadd.s32 $0x200, s22;
	s18 =	sshrl.u32 s18, $0x3;
	[dreg:$0x5] =	wrdreg s7  }
0x13: {  	s19 =	simm.s32 $0x3;
	s22 =	simm.s32 $0x80;
	[dreg:$0x6] =	wrdreg s24  }
0x14: {  	s7 =	sadd.s32 s11, s23;
	s14 =	sadd.s32 s26, s3;
	s23 =	simm.s32 $0x13900  }
0x15: {  	s24 =	simm.s32 $0x1BA00;
	[dreg:$0x7] =	wrdreg s7;
	s7 =	sadd.s32 s25, s11  }
0x16: {  	s25 =	sadd.s32 s0, s10;
	s15 =	sadd.s32 s26, s7;
	s26 =	simm.s32 $0x1BA80  }
.LBB2_1:
0x17: {  	[spmem:s18], [sflag:s6] =	dma.local [hbm:s5], $0x2700  }
0x18: {  	_ =	swait.ge [sflag:s19], $0x2700  }
0x19: {  	[sflag:s19] =	ssyncset.done $0x0;
	s0 =	rddreg [dreg:$0x4]  }
0x1a: {  	s3 =	simm.s32 @!p0 $0x3;
	[sflag:s19] =	ssyncadd.s32 $0xFFFFD900;
	s0 =	sshrl.u32 @!p0 s0, $0x3  }
0x1b: {  	[spmem:s0], [sflag:s6] =	dma.local @!p0 [hbm:s5], $0x200  }
0x1c: {  	_ =	swait.ge @!p0 [sflag:s3], $0x200  }
0x1d: {  	[sflag:s3] =	ssyncset.done @!p0 $0x0  }
0x1e: {  	[sflag:s3] =	ssyncadd.s32 @!p0 $0xFFFFFE00  }
0x1f: {  	[tilespmem:s20], [sflag:$0x3] =	stream.linear.gather [hbm4b:s13+s2], $0x80, $0x38;
	[tilespmem:$0x1BB00] =	vst v63  }
0x20: {  	_ =	swait.ge [sflag:s19], $0x80  }
0x21: {  	[sflag:s19] =	ssyncset.done $0x0  }
0x22: {  	[sflag:s19] =	ssyncadd.s32 $0xFFFFFF80  }
0x23: {  	[tilespmem:s21], [sflag:$0x3] =	stream.linear.gather [hbm4b:s9+s2], $0x80, $0x38;
	[tilespmem:$0x1BB00] =	vst v63  }
0x24: {  	_ =	swait.ge [sflag:s19], $0x80  }
0x25: {  	[sflag:s19] =	ssyncset.done $0x0  }
0x26: {  	[sflag:s19] =	ssyncadd.s32 $0xFFFFFF80  }
0x27: {  	[bflag:$0x0] =	sbarrier.arrive $0xFFFF  }
0x28: {  	[tilespmem:s23], [sflag:$0x1] =	stream.indirect.gather [hbm4b:s4+s22], $0x80, s20, s22, $0xb8;
	[tilespmem:$0x1BB00] =	vst v63  }
0x29: {  	s7 =	sadd.s32 $0x0, s17  }
0x2a: {  	[tilespmem:s24], [sflag:$0x3] =	stream.linear.gather [hbm4b:s7+s2], $0x80, $0x38;
	[tilespmem:$0x1BB00] =	vst v63  }
0x2b: {  	_ =	swait.ge [sflag:s19], $0x80  }
0x2c: {  	[sflag:s19] =	ssyncset.done $0x0  }
0x2d: {  	s8 =	sadd.s32 $0x0, s16;
	[sflag:s19] =	ssyncadd.s32 $0xFFFFFF80  }
0x2e: {  	[tilespmem:s26], [sflag:$0x3] =	stream.linear.gather [hbm4b:s8+s2], $0x80, $0x38;
	[tilespmem:$0x1BB00] =	vst v63  }
0x2f: {  	_ =	swait.ge [sflag:s19], $0x80  }
0x30: {  	[sflag:s19] =	ssyncset.done $0x0  }
0x31: {  	[sflag:s19] =	ssyncadd.s32 $0xFFFFFF80  }
0x32: {  	[tilespmem:s28], [sflag:$0x2] =	stream.indirect.gather [hbm4b:s4+s22], $0x80, s24, s22, $0xb8;
	[tilespmem:$0x1BB00] =	vst v63  }
0x33: {  	_ =	swait.ge [sflag:s29], $0x4000  }
0x34: {  	[sflag:s29] =	ssyncset.done $0x0  }
0x35: {  	[sflag:s29] =	ssyncadd.s32 $0xFFFFC000  }
0x36: {  	[spmem:s1] =	stream.indirect.scatter.add.f32 [tilespmem:s23], [sflag:$0x3], $0x80, s21, s22, $0xb8;
	[tilespmem:$0x1BB00] =	vst v63  }
0x37: {  	_ =	swait.ge [sflag:s19], $0x4000  }
0x38: {  	[sflag:s19] =	ssyncset.done $0x0  }
0x39: {  	s11 =	sadd.s32 $0x0, s14;
	[sflag:s19] =	ssyncadd.s32 $0xFFFFC000  }
0x3a: {  	[tilespmem:s20], [sflag:$0x3] =	stream.linear.gather [hbm4b:s11+s2], $0x80, $0x38;
	[tilespmem:$0x1BB00] =	vst v63  }
0x3b: {  	_ =	swait.ge [sflag:s19], $0x80  }
0x3c: {  	[sflag:s19] =	ssyncset.done $0x0  }
0x3d: {  	s12 =	sadd.s32 $0x0, s15;
	[sflag:s19] =	ssyncadd.s32 $0xFFFFFF80  }
0x3e: {  	[tilespmem:s21], [sflag:$0x3] =	stream.linear.gather [hbm4b:s12+s2], $0x80, $0x38;
	[tilespmem:$0x1BB00] =	vst v63  }
0x3f: {  	_ =	swait.ge [sflag:s19], $0x80  }
0x40: {  	[sflag:s19] =	ssyncset.done $0x0  }
0x41: {  	[sflag:s19] =	ssyncadd.s32 $0xFFFFFF80  }
0x42: {  	[tilespmem:s23], [sflag:$0x1] =	stream.indirect.gather [hbm4b:s4+s22], $0x80, s20, s22, $0xb8;
	[tilespmem:$0x1BB00] =	vst v63  }
0x43: {  	_ =	swait.ge [sflag:s30], $0x4000  }
0x44: {  	[sflag:s30] =	ssyncset.done $0x0  }
0x45: {  	[sflag:s30] =	ssyncadd.s32 $0xFFFFC000  }
0x46: {  	[spmem:s1] =	stream.indirect.scatter.add.f32 [tilespmem:s28], [sflag:$0x3], $0x80, s26, s22, $0xb8;
	[tilespmem:$0x1BB00] =	vst v63  }
0x47: {  	_ =	swait.ge [sflag:s19], $0x4000  }
0x48: {  	s3 =	simm.s32 $0x400;
	s7 =	simm.s32 $0x800;
	[sflag:s19] =	ssyncset.done $0x0  }
.LBB2_2:
0x49: {  	s12 =	sadd.s32 s3, s17  }
0x4a: {  	[sflag:s19] =	ssyncadd.s32 $0xFFFFC000;
	s8 =	smov.u32 s7;
	s11 =	sadd.s32 $0x400, s7  }
0x4b: {  	[tilespmem:s24], [sflag:$0x3] =	stream.linear.gather [hbm4b:s12+s2], $0x80, $0x38;
	[tilespmem:$0x1BB00] =	vst v63  }
0x4c: {  	p1 =	sne.s32 s7, $0x9800;
	_ =	swait.ge [sflag:s19], $0x80  }
0x4d: {  	[sflag:s19] =	ssyncset.done $0x0  }
0x4e: {  	s7 =	sadd.s32 s3, s16;
	[sflag:s19] =	ssyncadd.s32 $0xFFFFFF80  }
0x4f: {  	[tilespmem:s26], [sflag:$0x3] =	stream.linear.gather [hbm4b:s7+s2], $0x80, $0x38;
	[tilespmem:$0x1BB00] =	vst v63  }
0x50: {  	_ =	swait.ge [sflag:s19], $0x80  }
0x51: {  	[sflag:s19] =	ssyncset.done $0x0  }
0x52: {  	[sflag:s19] =	ssyncadd.s32 $0xFFFFFF80  }
0x53: {  	[tilespmem:s28], [sflag:$0x2] =	stream.indirect.gather [hbm4b:s4+s22], $0x80, s24, s22, $0xb8;
	[tilespmem:$0x1BB00] =	vst v63  }
0x54: {  	_ =	swait.ge [sflag:s29], $0x4000  }
0x55: {  	[sflag:s29] =	ssyncset.done $0x0  }
0x56: {  	[sflag:s29] =	ssyncadd.s32 $0xFFFFC000  }
0x57: {  	[spmem:s1] =	stream.indirect.scatter.add.f32 [tilespmem:s23], [sflag:$0x3], $0x80, s21, s22, $0xb8;
	[tilespmem:$0x1BB00] =	vst v63  }
0x58: {  	_ =	swait.ge [sflag:s19], $0x4000  }
0x59: {  	[sflag:s19] =	ssyncset.done $0x0  }
0x5a: {  	s7 =	sadd.s32 s3, s14;
	[sflag:s19] =	ssyncadd.s32 $0xFFFFC000  }
0x5b: {  	[tilespmem:s20], [sflag:$0x3] =	stream.linear.gather [hbm4b:s7+s2], $0x80, $0x38;
	[tilespmem:$0x1BB00] =	vst v63  }
0x5c: {  	_ =	swait.ge [sflag:s19], $0x80  }
0x5d: {  	[sflag:s19] =	ssyncset.done $0x0  }
0x5e: {  	s7 =	sadd.s32 s3, s15;
	s3 =	smov.u32 s8;
	[sflag:s19] =	ssyncadd.s32 $0xFFFFFF80  }
0x5f: {  	[tilespmem:s21], [sflag:$0x3] =	stream.linear.gather [hbm4b:s7+s2], $0x80, $0x38;
	[tilespmem:$0x1BB00] =	vst v63  }
0x60: {  	_ =	swait.ge [sflag:s19], $0x80  }
0x61: {  	[sflag:s19] =	ssyncset.done $0x0  }
0x62: {  	[sflag:s19] =	ssyncadd.s32 $0xFFFFFF80  }
0x63: {  	[tilespmem:s23], [sflag:$0x1] =	stream.indirect.gather [hbm4b:s4+s22], $0x80, s20, s22, $0xb8;
	[tilespmem:$0x1BB00] =	vst v63  }
0x64: {  	_ =	swait.ge [sflag:s30], $0x4000  }
.Ltmp0:
0x65: {  	[sflag:s30] =	ssyncset.done $0x0;
	(pc) =	sbr.rel @p1 .LBB2_2-.Ltmp0, $4  }
0x66: {  	[sflag:s30] =	ssyncadd.s32 $0xFFFFC000  }
0x67: {  	[spmem:s1] =	stream.indirect.scatter.add.f32 [tilespmem:s28], [sflag:$0x3], $0x80, s26, s22, $0xb8;
	[tilespmem:$0x1BB00] =	vst v63  }
0x68: {  	_ =	swait.ge [sflag:s19], $0x4000  }
0x69: {  	s7 =	smov.u32 s11;
	[sflag:s19] =	ssyncset.done $0x0  }
0x6a: {  	s7 =	sadd.s32 s3, s17;
	[sflag:s19] =	ssyncadd.s32 $0xFFFFC000  }
0x6b: {  	[tilespmem:s24], [sflag:$0x3] =	stream.linear.gather [hbm4b:s7+s2], $0x80, $0x38;
	[tilespmem:$0x1BB00] =	vst v63  }
0x6c: {  	_ =	swait.ge [sflag:s19], $0x80  }
0x6d: {  	[sflag:s19] =	ssyncset.done $0x0  }
0x6e: {  	s11 =	sadd.s32 s3, s16;
	[sflag:s19] =	ssyncadd.s32 $0xFFFFFF80  }
0x6f: {  	[tilespmem:s26], [sflag:$0x3] =	stream.linear.gather [hbm4b:s11+s2], $0x80, $0x38;
	[tilespmem:$0x1BB00] =	vst v63  }
0x70: {  	_ =	swait.ge [sflag:s19], $0x80  }
0x71: {  	[sflag:s19] =	ssyncset.done $0x0  }
0x72: {  	[sflag:s19] =	ssyncadd.s32 $0xFFFFFF80  }
0x73: {  	[tilespmem:s28], [sflag:$0x2] =	stream.indirect.gather [hbm4b:s4+s22], $0x80, s24, s22, $0xb8;
	[tilespmem:$0x1BB00] =	vst v63  }
0x74: {  	_ =	swait.ge [sflag:s29], $0x4000  }
0x75: {  	[sflag:s29] =	ssyncset.done $0x0  }
0x76: {  	[sflag:s29] =	ssyncadd.s32 $0xFFFFC000  }
0x77: {  	[spmem:s1] =	stream.indirect.scatter.add.f32 [tilespmem:s23], [sflag:$0x3], $0x80, s21, s22, $0xb8;
	[tilespmem:$0x1BB00] =	vst v63  }
0x78: {  	_ =	swait.ge [sflag:s19], $0x4000  }
0x79: {  	[sflag:s19] =	ssyncset.done $0x0  }
0x7a: {  	s12 =	sadd.s32 s3, s14;
	[sflag:s19] =	ssyncadd.s32 $0xFFFFC000  }
0x7b: {  	[tilespmem:s20], [sflag:$0x3] =	stream.linear.gather [hbm4b:s12+s2], $0x80, $0x38;
	[tilespmem:$0x1BB00] =	vst v63  }
0x7c: {  	_ =	swait.ge [sflag:s19], $0x80  }
0x7d: {  	[sflag:s19] =	ssyncset.done $0x0  }
0x7e: {  	s7 =	sadd.s32 s3, s15;
	[sflag:s19] =	ssyncadd.s32 $0xFFFFFF80  }
0x7f: {  	[tilespmem:s21], [sflag:$0x3] =	stream.linear.gather [hbm4b:s7+s2], $0x80, $0x38;
	[tilespmem:$0x1BB00] =	vst v63  }
0x80: {  	_ =	swait.ge [sflag:s19], $0x80  }
0x81: {  	[sflag:s19] =	ssyncset.done $0x0  }
0x82: {  	[sflag:s19] =	ssyncadd.s32 $0xFFFFFF80  }
0x83: {  	[tilespmem:s23], [sflag:$0x1] =	stream.indirect.gather [hbm4b:s4+s22], $0x80, s20, s22, $0xb8;
	[tilespmem:$0x1BB00] =	vst v63  }
0x84: {  	_ =	swait.ge [sflag:s30], $0x4000  }
0x85: {  	[sflag:s30] =	ssyncset.done $0x0  }
0x86: {  	[sflag:s30] =	ssyncadd.s32 $0xFFFFC000  }
0x87: {  	[spmem:s1] =	stream.indirect.scatter.add.f32 [tilespmem:s28], [sflag:$0x3], $0x80, s26, s22, $0xb8;
	[tilespmem:$0x1BB00] =	vst v63  }
0x88: {  	_ =	swait.ge [sflag:s19], $0x4000  }
0x89: {  	[sflag:s19] =	ssyncset.done $0x0  }
0x8a: {  	s8 =	rddreg [dreg:$0x6];
	[sflag:s19] =	ssyncadd.s32 $0xFFFFC000  }
0x8b: {  	[tilespmem:s24], [sflag:$0x3] =	stream.linear.gather [hbm4b:s8+s2], $0x80, $0x38;
	[tilespmem:$0x1BB00] =	vst v63  }
0x8c: {  	_ =	swait.ge [sflag:s19], $0x80  }
0x8d: {  	[sflag:s19] =	ssyncset.done $0x0  }
0x8e: {  	s11 =	rddreg [dreg:$0x7];
	[sflag:s19] =	ssyncadd.s32 $0xFFFFFF80  }
0x8f: {  	[tilespmem:s26], [sflag:$0x3] =	stream.linear.gather [hbm4b:s11+s2], $0x80, $0x38;
	[tilespmem:$0x1BB00] =	vst v63  }
0x90: {  	_ =	swait.ge [sflag:s19], $0x80  }
0x91: {  	[sflag:s19] =	ssyncset.done $0x0  }
0x92: {  	[sflag:s19] =	ssyncadd.s32 $0xFFFFFF80  }
0x93: {  	[tilespmem:s28], [sflag:$0x2] =	stream.indirect.gather [hbm4b:s4+s22], $0x80, s24, s22, $0xb8;
	[tilespmem:$0x1BB00] =	vst v63  }
0x94: {  	_ =	swait.ge [sflag:s29], $0x4000  }
0x95: {  	[sflag:s29] =	ssyncset.done $0x0  }
0x96: {  	[sflag:s29] =	ssyncadd.s32 $0xFFFFC000  }
0x97: {  	[spmem:s1] =	stream.indirect.scatter.add.f32 [tilespmem:s23], [sflag:$0x3], $0x80, s21, s22, $0xb8;
	[tilespmem:$0x1BB00] =	vst v63  }
0x98: {  	_ =	swait.ge [sflag:s19], $0x4000  }
0x99: {  	[sflag:s19] =	ssyncset.done $0x0  }
0x9a: {  	[sflag:s19] =	ssyncadd.s32 $0xFFFFC000  }
0x9b: {  	_ =	swait.ge [sflag:s30], $0x4000  }
0x9c: {  	[sflag:s30] =	ssyncset.done $0x0  }
0x9d: {  	[sflag:s30] =	ssyncadd.s32 $0xFFFFC000  }
0x9e: {  	[spmem:s1] =	stream.indirect.scatter.add.f32 [tilespmem:s28], [sflag:$0x3], $0x80, s26, s22, $0xb8;
	[tilespmem:$0x1BB00] =	vst v63  }
0x9f: {  	_ =	swait.ge [sflag:s19], $0x4000  }
0xa0: {  	[sflag:s19] =	ssyncset.done $0x0  }
0xa1: {  	[sflag:s19] =	ssyncadd.s32 $0xFFFFC000  }
0xa2: {  	[bflag:$0x0] =	sbarrier.arrive $0xFFFF  }
0xa3: {  	[hbm:s25], [sflag:s6] =	dma.local [spmem:s18], $0x2700  }
0xa4: {  	_ =	swait.ge [sflag:s19], $0x2700  }
0xa5: {  	[sflag:s19] =	ssyncset.done $0x0  }
0xa6: {  	s3 =	sadd.s32 @!p0 $0x27000, s10;
	[sflag:s19] =	ssyncadd.s32 $0xFFFFD900  }
0xa7: {  	[hbm:s3], [sflag:s6] =	dma.local @!p0 [spmem:s0], $0x100  }
0xa8: {  	s0 =	simm.s32 @!p0 $0x3  }
0xa9: {  	_ =	swait.ge @!p0 [sflag:s0], $0x100  }
0xaa: {  	s31 =	sadd.s32 $0x1, s31;
	s12 =	rddreg [dreg:$0x5]  }
0xab: {  	p1 =	sne.s32 s31, s12  }
.Ltmp1:
0xac: {  	_ = 	snop;
	(pc) =	sbr.rel @p1 .LBB2_1-.Ltmp1, $3  }
0xad: {  	_ =	sdelay $0x1  }
0xae: {  	[sflag:s0] =	ssyncset.done @!p0 $0x0  }
0xaf: {  	[sflag:s0] =	ssyncadd.s32 @!p0 $0xFFFFFF00  }
0xb0: {  	_ =	sfence.sel $0x180000  }
0xb1: {  	[bflag:$0x0] =	sbarrier.arrive $0xFFFF  }
0xb2: {  	_ =	strace $0x90000050  }
0xb3: {  	s0 =	stileid.u32;
	[bflag:$0x2] =	sbarrier.arrive $0xFFFF  }
0xb4: {  	p0 =	sne.s32 s0, $0x0;
	s0 =	rddreg [dreg:$0x3]  }
0xb5: {  	s0 =	sadd.s32 @!p0 $0x100000, s0  }
0xb6: {  	[sflag:s0] =	ssyncadd.tile.s32 @!p0 $0x1;
	_ =	shalt  }
.Lfunc_end2:
_tile_overlayer_lowered:
.L_overlay_start_2:
0xb7: {  	(tag) =	ssettag $0x2  }
0xb8: {  	s0 =	rddreg [dreg:$0x0];
	s2 =	stileid.u32  }
0xb9: {  	s1 =	rddreg [dreg:$0x1];
	p0 =	sne.s32 s2, $0x0  }
0xba: {  	s3 =	rddreg [dreg:$0x2];
	[bflag:$0x3] =	sbarrier.arrive $0xFFFF;
	s2 =	simm.s32 @!p0 $0x1C03  }
0xbb: {  	[timem:s3], [sflag:s2] =	dma.local @!p0 [hbm:s0], s1  }
0xbc: {  	s0 =	simm.s32 @!p0 $0x3  }
0xbd: {  	_ =	swait.ge @!p0 [sflag:s0], s1  }
0xbe: {  	s1 =	ssub.s32 @!p0 $0x0, s1;
	[sflag:s0] =	ssyncset.done @!p0 $0x0  }
0xbf: {  	[sflag:s0] =	ssyncadd.s32 @!p0 s1  }
0xc0: {  	[bflag:$0x3] =	sbarrier.arrive $0xFFFF  }
0xc1: {  	_ =	shalt  }

// kernel: kernel.9.cloned.1.call-start
scs
__scs_entry_jumppad:
0x0: {  	(pc) =	sbr.rel $0x88, $3  }
0x1: {  	(tag) =	ssettag $0x0;
	lr =	simm.s32 $0x1  }
0x2: {  	[smem:$0x3F96] =	sst lr;
	_ =	strace $0xD0000000  }
0x3: {  	_ = 	snop  }
0x4: {  	_ = 	snop  }
0x5: {  	_ = 	snop  }
0x6: {  	_ = 	snop  }
0x7: {  	_ = 	snop  }
__scs_overlays_trampoline_lowered:
0x8: {  	[smem:$0x3FA5] =	sst s0  }
0x9: {  	[smem:$0x3FA6] =	sst s1  }
0xa: {  	[smem:$0x3FA7] =	sst s2  }
0xb: {  	[smem:$0x3FA8] =	sst s3  }
0xc: {  	[smem:$0x3FA9] =	sst s4  }
0xd: {  	[smem:$0x3FAA] =	sst s5  }
0xe: {  	[smem:$0x3FAB] =	sst s6  }
0xf: {  	[smem:$0x3FAC] =	sst s7  }
0x10: {  	[smem:$0x3FAD] =	sst s8  }
0x11: {  	[smem:$0x3FAE] =	sst s9;
	s0 =	simm.s32 @!p0 $0x0  }
0x12: {  	s1 =	sld [smem:$0x3F94];
	s0 =	simm.s32 @p0 $0x1  }
0x13: {  	[smem:$0x3FAF] =	sst s0;
	s0 =	simm.s32 @!p1 $0x0  }
0x14: {  	s2 =	sld [smem:$0x3F93];
	s0 =	simm.s32 @p1 $0x1  }
0x15: {  	[smem:$0x3FB0] =	sst s0;
	s0 =	simm.s32 @!p2 $0x0  }
0x16: {  	s3 =	sld [smem:$0x3FDB];
	s0 =	simm.s32 @p2 $0x1  }
0x17: {  	s4 =	simm.s32 $0x1BF5;
	[smem:$0x3FB2] =	sst s0  }
0x18: {  	s0 =	sld [smem:$0x3F95];
	_ =	swait.ge [sflag:s4], $0x0  }
0x19: {  	s7 =	sld [smem:$0x3F96]  }
0x1a: {  	s8 =	sadd.s32 $0xFFFFE003, lr  }
0x1b: {  	s9 =	sadd.s32 $0xFFFFFEF7, lr;
	s5 =	simm.s32 $0xFFFFFFFF;
	p2 =	slt.u32 s8, $0xFFFFF086  }
0x1c: {  	p1 =	slt.u32 s9, $0xF7A;
	s5 =	simm.s32 @!p2 $0x0  }
0x1d: {  	s5 =	simm.s32 @p1 $0x1;
	p0 =	seq.s32 s7, s2  }
0x1e: {  	s7 =	smul.u32 @!p0 $0xF7A, s2;
	p2 =	seq.s32 @!p0 s5, $0x0  }
0x1f: {  	s9 =	smul.u32 $0xF7A, s1;
	s8 =	simm.s32 @!p0 $0x1BF5;
	p2 =	por !p2, p0  }
0x20: {  	[sflag:s8] =	ssyncset.s32 @!p0 $0xFFFFF086;
	s6 =	sadd.s32 @!p0 s3, s7;
	s7 =	simm.s32 @!p0 $0x108  }
0x21: {  	s3 =	sadd.s32 s3, s9;
	s6 =	sadd.s32 @!p0 $0x88, s6;
	s7 =	simm.s32 @p2 $0x1082  }
0x22: {  	[simem:s7], [sflag:s8] =	dma.local @!p0 [hbm:s6], $0xF7A  }
0x23: {  	s9 =	sor.u32 $0xD0000000, s2;
	s6 =	simm.s32 $0x108;
	_ =	swait.ge @!p0 [sflag:s8], $0x0  }
0x24: {  	s3 =	sadd.s32 $0x88, s3;
	s6 =	simm.s32 @!p1 $0x1082;
	[sflag:s4] =	ssyncset.s32 $0xFFFFF086  }
0x25: {  	[simem:s6], [sflag:s4] =	dma.local [hbm:s3], $0xF7A  }
0x26: {  	[smem:$0x3F96] =	sst s1;
	(tag) =	ssettag s2;
	_ =	strace s9  }
0x27: {  	s1 =	sld [smem:$0x3FA6]  }
0x28: {  	s2 =	sld [smem:$0x3FA7]  }
0x29: {  	s4 =	sld [smem:$0x3FA9]  }
0x2a: {  	p0 =	seq.s32 s5, $0x0;
	s5 =	sld [smem:$0x3FAA]  }
0x2b: {  	s6 =	sld [smem:$0x3FAB]  }
0x2c: {  	s7 =	sld [smem:$0x3FAC]  }
0x2d: {  	s3 =	simm.s32 $0x108;
	s8 =	sld [smem:$0x3FAD]  }
0x2e: {  	s3 =	simm.s32 @!p0 $0x1082;
	s9 =	sld [smem:$0x3FAE]  }
0x2f: {  	lr =	sadd.s32 s0, s3;
	s0 =	sld [smem:$0x3FA5]  }
0x30: {  	s3 =	sld [smem:$0x3FA8]  }
0x31: {  	[smem:$0x3FB1] =	sst s10  }
0x32: {  	s10 =	sld [smem:$0x3FAF];
	_ =	sdelay $0x3  }
0x33: {  	p0 =	seq.s32 s10, $0x1;
	s10 =	sld [smem:$0x3FB1];
	_ =	sdelay $0x3  }
0x34: {  	[smem:$0x3FB1] =	sst s10  }
0x35: {  	s10 =	sld [smem:$0x3FB0];
	_ =	sdelay $0x3  }
0x36: {  	p1 =	seq.s32 s10, $0x1;
	s10 =	sld [smem:$0x3FB1];
	_ =	sdelay $0x3  }
0x37: {  	[smem:$0x3FB1] =	sst s10  }
0x38: {  	s10 =	sld [smem:$0x3FB2]  }
0x39: {  	_ = 	snop;
	(pc) =	sbr.ind lr, $3  }
0x3a: {  	_ = 	snop  }
0x3b: {  	_ = 	snop  }
0x3c: {  	p2 =	seq.s32 s10, $0x1;
	s10 =	sld [smem:$0x3FB1]  }
0x3d: {  	_ =	shalt  }
0x3e: {  	_ =	shalt  }
0x3f: {  	_ =	shalt  }
0x40: {  	_ =	shalt  }
0x41: {  	_ =	shalt  }
0x42: {  	_ =	shalt  }
0x43: {  	_ =	shalt  }
0x44: {  	_ =	shalt  }
0x45: {  	_ =	shalt  }
0x46: {  	_ =	shalt  }
0x47: {  	_ =	shalt  }
0x48: {  	_ =	shalt  }
0x49: {  	_ =	shalt  }
0x4a: {  	_ =	shalt  }
0x4b: {  	_ =	shalt  }
0x4c: {  	_ =	shalt  }
0x4d: {  	_ =	shalt  }
0x4e: {  	_ =	shalt  }
0x4f: {  	_ =	shalt  }
0x50: {  	_ =	shalt  }
0x51: {  	_ =	shalt  }
0x52: {  	_ =	shalt  }
0x53: {  	_ =	shalt  }
0x54: {  	_ =	shalt  }
0x55: {  	_ =	shalt  }
0x56: {  	_ =	shalt  }
0x57: {  	_ =	shalt  }
0x58: {  	_ =	shalt  }
0x59: {  	_ =	shalt  }
0x5a: {  	_ =	shalt  }
0x5b: {  	_ =	shalt  }
0x5c: {  	_ =	shalt  }
0x5d: {  	_ =	shalt  }
0x5e: {  	_ =	shalt  }
0x5f: {  	_ =	shalt  }
0x60: {  	_ =	shalt  }
0x61: {  	_ =	shalt  }
0x62: {  	_ =	shalt  }
0x63: {  	_ =	shalt  }
0x64: {  	_ =	shalt  }
0x65: {  	_ =	shalt  }
0x66: {  	_ =	shalt  }
0x67: {  	_ =	shalt  }
0x68: {  	_ =	shalt  }
0x69: {  	_ =	shalt  }
0x6a: {  	_ =	shalt  }
0x6b: {  	_ =	shalt  }
0x6c: {  	_ =	shalt  }
0x6d: {  	_ =	shalt  }
0x6e: {  	_ =	shalt  }
0x6f: {  	_ =	shalt  }
0x70: {  	_ =	shalt  }
0x71: {  	_ =	shalt  }
0x72: {  	_ =	shalt  }
0x73: {  	_ =	shalt  }
0x74: {  	_ =	shalt  }
0x75: {  	_ =	shalt  }
0x76: {  	_ =	shalt  }
0x77: {  	_ =	shalt  }
0x78: {  	_ =	shalt  }
0x79: {  	_ =	shalt  }
0x7a: {  	_ =	shalt  }
0x7b: {  	_ =	shalt  }
0x7c: {  	_ =	shalt  }
0x7d: {  	_ =	shalt  }
0x7e: {  	_ =	shalt  }
0x7f: {  	_ =	shalt  }
0x80: {  	_ =	shalt  }
0x81: {  	_ =	shalt  }
0x82: {  	_ =	shalt  }
0x83: {  	_ =	shalt  }
0x84: {  	_ =	shalt  }
0x85: {  	_ =	shalt  }
0x86: {  	_ =	shalt  }
0x87: {  	_ =	shalt  }
.Lfunc_end0:
.L_simem_size_0:
called_computation_lowered:
.L_overlay_start_0:
0x88: {  	s2 =	sld [smem:$0x3FD9]  }
0x89: {  	s3 =	sld [smem:$0x3FFE];
	_ =	sdelay $0x1  }
0x8a: {  	s1 =	srdreg.scid  }
0x8b: {  	s0 =	sand.u32 $0x1, s1  }
0x8c: {  	s17 =	sshll.u32 s0, $0xA;
	s2 =	sadd.s32 s3, s2  }
0x8d: {  	s2 =	sadd.s32 s2, s17  }
0x8e: {  	[smem:$0x3FBD] =	sst s2  }
0x8f: {  	_ = 	snop  }
0x90: {  	(tm) =	ssettm $0x1  }
0x91: {  	s18 =	sld [smem:$0x3FFB];
	_ =	sdelay $0x3  }
0x92: {  	_ =	strace s18  }
0x93: {  	s2 =	sld [smem:$0x3FFC];
	_ =	sdelay $0x3  }
0x94: {  	_ =	strace s2  }
0x95: {  	s2 =	sld [smem:$0x3FFD];
	_ =	sdelay $0x3  }
0x96: {  	_ =	strace s2  }
0x97: {  	_ =	strace $0x8FFFFFFF  }
0x98: {  	s19 =	sld [smem:$0x3FDB];
	_ =	sdelay $0x1  }
0x99: {  	s20 =	simm.s32 $_scs_section_size  }
0x9a: {  	s4 =	simm.s32 $_size__tile_overlayer_lowered;
	s5 =	simm.s32 $_tile_overlayer_lowered  }
0x9b: {  	s6 =	simm.s32 $0x1BFF;
	s21 =	sshll.u32 s5, $0x1;
	s3 =	sadd.s32 s20, s19  }
0x9c: {  	s22 =	simm.s32 $0x0;
	s4 =	sshll.u32 s4, $0x1;
	s5 =	sadd.s32 s21, s3  }
0x9d: {  	[timem:s22], [sflag:s6] =	dma.local [hbm:s5], s4  }
0x9e: {  	_ =	swait.ge [sflag:s6], s4  }
0x9f: {  	s4 =	ssub.s32 $0x0, s4;
	[sflag:s6] =	ssyncset.done $0x0  }
0xa0: {  	[sflag:s6] =	ssyncadd.s32 s4;
	_ =	sdelay $0x1  }
0xa1: {  	s23 =	simm.s32 $0x1B8B  }
0xa2: {  	_ =	swait.ge [sflag:s23], $0x1  }
0xa3: {  	[sflag:s23] =	ssyncset.done $0x0  }
0xa4: {  	[sflag:s23] =	ssyncadd.s32 $0xFFFFFFFF  }
0xa5: {  	s4 =	sld [smem:$0x0]  }
0xa6: {  	s5 =	sand.u32 $0xFFFFFFFE, s1  }
0xa7: {  	p0 =	sne.s32 s1, s5  }
0xa8: {  	s5 =	sshll.u32 @p0 s5, $0xE  }
0xa9: {  	s5 =	sadd.s32 @p0 $0x11B8D, s5;
	s6 =	sshll.u32 @p0 s4, $0x11  }
0xaa: {  	s5 =	sor.u32 @p0 s6, s5  }
0xab: {  	[sflag:s5] =	ssyncadd.remote.s32 @p0 $0x1;
	_ =	sdelay $0x1  }
0xac: {  	s5 =	simm.s32 @p0 $0x1B8D  }
0xad: {  	_ =	swait.eq @p0 [sflag:s5], $0x1  }
0xae: {  	[sflag:s5] =	ssyncadd.s32 @p0 $0xFFFFFFFF  }
0xaf: {  	s6 =	sshll.u32 @!p0 s1, $0xE  }
0xb0: {  	s6 =	sor.u32 @!p0 $0x4000, s6;
	s5 =	simm.s32 @!p0 $0x1B8D  }
0xb1: {  	s4 =	sshll.u32 @!p0 s4, $0x11;
	s6 =	sadd.s32 @!p0 $0x11B8D, s6;
	_ =	swait.eq @!p0 [sflag:s5], $0x1  }
0xb2: {  	s4 =	sor.u32 @!p0 s4, s6;
	[sflag:s5] =	ssyncadd.s32 @!p0 $0xFFFFFFFF  }
0xb3: {  	s25 =	simm.s32 $0x1B8E;
	s24 =	sld [smem:$0x3FFE];
	[sflag:s4] =	ssyncadd.remote.s32 @!p0 $0x1  }
0xb4: {  	s26 =	simm.s32 $execute0_lowered;
	[smem:$0x3FD2] =	sst s25  }
0xb5: {  	s5 =	sshll.u32 s26, $0x1;
	_ =	strace $0x80000049;
	[dreg:$0x1] =	wrdreg $0xFFFFFFFF  }
0xb6: {  	s28 =	simm.s32 $_size_execute0_lowered;
	s3 =	sadd.s32 s3, s5;
	[dreg:$0x0] =	wrdreg $0x0  }
0xb7: {  	s5 =	sshll.u32 s28, $0x1;
	[dreg:$0x2] =	wrdreg s3  }
0xb8: {  	[dreg:$0x3] =	wrdreg s5  }
0xb9: {  	[dreg:$0x4] =	wrdreg $0xC0  }
0xba: {  	_ =	task [dreg:s22], $0x5FFFF  }
0xbb: {  	[dreg:$0x1] =	wrdreg $0xFFFFFFFF  }
0xbc: {  	[dreg:$0x0] =	wrdreg $0x60  }
0xbd: {  	[dreg:$0x2] =	wrdreg s24  }
0xbe: {  	[dreg:$0x3] =	wrdreg $0x0  }
0xbf: {  	[dreg:$0x4] =	wrdreg $0x9  }
0xc0: {  	_ =	task.clear_ibuf [dreg:s22], $0x5FFFF;
	_ =	strace $0x90000049  }
0xc1: {  	s29 =	simm.s32 $0x9;
	_ =	strace $0x8000004B  }
0xc2: {  	_ =	swait.ge [sflag:s29], $0x1  }
0xc3: {  	[sflag:s29] =	ssyncadd.s32 $0xFFFFFFFF  }
0xc4: {  	_ =	strace $0x9000004B  }
0xc5: {  	_ =	sfence  }
0xc6: {  	s30 =	sld [smem:$0x0];
	_ =	sdelay $0x2  }
0xc7: {  	s31 =	sshll.u32 s1, $0xD;
	s1 =	sshrl.u32 s1, $0x2  }
0xc8: {  	s4 =	sand.u32 $0x4000, s31;
	s1 =	sadd.s32 s1, s30  }
0xc9: {  	s0 =	sor.u32 s4, s0;
	s1 =	sshll.u32 s1, $0x11  }
0xca: {  	s0 =	sor.u32 s1, s0  }
0xcb: {  	s0 =	sadd.s32 $0x8F2B, s0  }
0xcc: {  	[sflag:s0] =	ssyncadd.remote.s32 $0x1  }
0xcd: {  	_ =	sfence.sel $0xFFFF  }
0xce: {  	[dreg:$0x0] =	wrdreg $0xFFFFFFFF;
	(pc) =	sbr.abs _section_cstart, $3  }
0xcf: {  	[dreg:$0x1] =	wrdreg $0xFFFFFFFF  }
0xd0: {  	_ =	task.clear_ibuf [dreg:s22], $0x2FFFF;
	_ =	strace $0x9FFFFFFF  }
0xd1: {  	(tm) =	ssettm $0x7FFFFFFF  }
tec
execute0_lowered:
.L_overlay_start_1:
0x0: {  	(tag) =	ssettag $0x1  }
0x1: {  	s6 =	rddreg [dreg:$0x0]  }
0x2: {  	s2 =	rddreg [dreg:$0x1]  }
0x3: {  	s0 =	rddreg [dreg:$0x2];
	s3 =	simm.s32 $0x0  }
0x4: {  	s1 =	stileid.u32;
	s4 =	srdreg.scid;
	s14 =	simm.s32 $0x80  }
0x5: {  	s17 =	simm.s32 $0x0;
	[smem:$0x7FF] =	sst s3;
	s7 =	sshll.u32 s1, $0x5  }
0x6: {  	s8 =	sand.u32 $0x1, s4;
	s4 =	sadd.s32 $0x5D800, s6;
	s12 =	smul.u32 $0x4E000, s1  }
0x7: {  	s31 =	sshll.u32 s1, $0x6;
	s15 =	smul.u32 $0x2700, s1;
	p0 =	sne.s32 s1, $0xF  }
0x8: {  	_ =	strace $0x8000004A;
	s5 =	sand.u32 $0x180, s7;
	s9 =	smul.u32 $0x27100, s8  }
0x9: {  	s11 =	ssub.s32 $0x2, s8;
	s7 =	sand.u32 $0x60, s7;
	s8 =	sshll.u32 s8, $0x4  }
0xa: {  	s10 =	sadd.s32 s5, s6;
	s5 =	sadd.s32 $0xCE00, s6;
	s29 =	sshrl.u32 s11, $0x1  }
0xb: {  	s30 =	sshrl.u32 s12, $0x2;
	s12 =	sadd.s32 $0x138000, s2;
	s9 =	sadd.s32 s9, s6  }
0xc: {  	s11 =	ssub.s32 s11, s29;
	s13 =	sadd.s32 s30, s2;
	s6 =	sor.u32 $0x1C01, s31  }
0xd: {  	s7 =	sadd.s32 s7, s10;
	s10 =	simm.s32 $0x1;
	s16 =	sadd.s32 $0x5E000, s9  }
0xe: {  	s8 =	sadd.s32 s8, s7;
	s7 =	smax.u32 s11, $0x1;
	s9 =	sshrl.u32 s13, $0x3  }
0xf: {  	s11 =	sshrl.u32 @!p0 s12, $0x3;
	s12 =	simm.s32 $0x13900;
	s13 =	simm.s32 $0x17900  }
0x10: {  	s8 =	sadd.s32 $0x2E00, s8;
	s15 =	sadd.s32 s15, s16;
	s16 =	sadd.s32 @!p0 $0x27000, s16  }
.LBB2_1:
0x11: {  	[spmem:s9], [sflag:s6] =	dma.local [hbm:s5], $0x2700  }
0x12: {  	_ =	swait.ge [sflag:s10], $0x2700  }
0x13: {  	[sflag:s10] =	ssyncset.done $0x0  }
0x14: {  	s18 =	simm.s32 @!p0 $0x1;
	[sflag:s10] =	ssyncadd.s32 $0xFFFFD900  }
0x15: {  	[spmem:s11], [sflag:s6] =	dma.local @!p0 [hbm:s5], $0x200  }
0x16: {  	_ =	swait.ge @!p0 [sflag:s18], $0x200  }
0x17: {  	[sflag:s18] =	ssyncset.done @!p0 $0x0  }
0x18: {  	[sflag:s18] =	ssyncadd.s32 @!p0 $0xFFFFFE00  }
0x19: {  	[tilespmem:s12], [sflag:$0x1] =	stream.linear.gather [hbm4b:s4+s3], $0x4000, $0x38;
	[tilespmem:$0x17980] =	vst v63  }
0x1a: {  	_ =	swait.ge [sflag:s10], $0x4000  }
0x1b: {  	[sflag:s10] =	ssyncset.done $0x0  }
0x1c: {  	[sflag:s10] =	ssyncadd.s32 $0xFFFFC000  }
0x1d: {  	s31 =	sadd.s32 $0x0, s8;
	[bflag:$0x0] =	sbarrier.arrive $0xFFFF  }
0x1e: {  	[tilespmem:s13], [sflag:$0x1] =	stream.linear.gather [hbm4b:s31+s3], $0x80, $0x38;
	[tilespmem:$0x17980] =	vst v63  }
0x1f: {  	_ =	swait.ge [sflag:s10], $0x80  }
0x20: {  	[sflag:s10] =	ssyncset.done $0x0  }
0x21: {  	[sflag:s10] =	ssyncadd.s32 $0xFFFFFF80  }
0x22: {  	[spmem:s2] =	stream.indirect.scatter.add.f32 [tilespmem:s12], [sflag:$0x1], $0x80, s13, s14, $0xb8;
	[tilespmem:$0x17980] =	vst v63  }
0x23: {  	_ =	swait.ge [sflag:s10], $0x4000  }
0x24: {  	s19 =	simm.s32 $0x400;
	s18 =	simm.s32 $0x200;
	[sflag:s10] =	ssyncset.done $0x0  }
.LBB2_2:
0x25: {  	s20 =	sadd.s32 s18, s8  }
0x26: {  	[sflag:s10] =	ssyncadd.s32 $0xFFFFC000;
	s18 =	smov.u32 s19;
	s21 =	sadd.s32 $0x200, s19  }
0x27: {  	[tilespmem:s13], [sflag:$0x1] =	stream.linear.gather [hbm4b:s20+s3], $0x80, $0x38;
	[tilespmem:$0x17980] =	vst v63  }
0x28: {  	p1 =	sne.s32 s19, $0x9E00;
	_ =	swait.ge [sflag:s10], $0x80  }
.Ltmp0:
0x29: {  	[sflag:s10] =	ssyncset.done $0x0;
	(pc) =	sbr.rel @p1 .LBB2_2-.Ltmp0, $4  }
0x2a: {  	[sflag:s10] =	ssyncadd.s32 $0xFFFFFF80  }
0x2b: {  	[spmem:s2] =	stream.indirect.scatter.add.f32 [tilespmem:s12], [sflag:$0x1], $0x80, s13, s14, $0xb8;
	[tilespmem:$0x17980] =	vst v63  }
0x2c: {  	_ =	swait.ge [sflag:s10], $0x4000  }
0x2d: {  	s19 =	smov.u32 s21;
	[sflag:s10] =	ssyncset.done $0x0  }
0x2e: {  	s18 =	sadd.s32 s18, s8;
	[sflag:s10] =	ssyncadd.s32 $0xFFFFC000  }
0x2f: {  	[tilespmem:s13], [sflag:$0x1] =	stream.linear.gather [hbm4b:s18+s3], $0x80, $0x38;
	[tilespmem:$0x17980] =	vst v63  }
0x30: {  	_ =	swait.ge [sflag:s10], $0x80  }
0x31: {  	[sflag:s10] =	ssyncset.done $0x0  }
0x32: {  	[sflag:s10] =	ssyncadd.s32 $0xFFFFFF80  }
0x33: {  	[spmem:s2] =	stream.indirect.scatter.add.f32 [tilespmem:s12], [sflag:$0x1], $0x80, s13, s14, $0xb8;
	[tilespmem:$0x17980] =	vst v63  }
0x34: {  	_ =	swait.ge [sflag:s10], $0x4000  }
0x35: {  	[sflag:s10] =	ssyncset.done $0x0  }
0x36: {  	[sflag:s10] =	ssyncadd.s32 $0xFFFFC000  }
0x37: {  	[bflag:$0x0] =	sbarrier.arrive $0xFFFF  }
0x38: {  	[hbm:s15], [sflag:s6] =	dma.local [spmem:s9], $0x2700  }
0x39: {  	s17 =	sadd.s32 $0x1, s17;
	_ =	swait.ge [sflag:s10], $0x2700  }
0x3a: {  	p1 =	sne.s32 s17, s7;
	[sflag:s10] =	ssyncset.done $0x0  }
.Ltmp1:
0x3b: {  	s18 =	simm.s32 @!p0 $0x1;
	[sflag:s10] =	ssyncadd.s32 $0xFFFFD900;
	(pc) =	sbr.rel @p1 .LBB2_1-.Ltmp1, $4  }
0x3c: {  	[hbm:s16], [sflag:s6] =	dma.local @!p0 [spmem:s11], $0x100  }
0x3d: {  	_ =	swait.ge @!p0 [sflag:s18], $0x100  }
0x3e: {  	[sflag:s18] =	ssyncset.done @!p0 $0x0  }
0x3f: {  	[sflag:s18] =	ssyncadd.s32 @!p0 $0xFFFFFF00  }
0x40: {  	_ =	sfence.sel $0x180000  }
0x41: {  	[bflag:$0x0] =	sbarrier.arrive $0xFFFF  }
0x42: {  	p0 =	sne.s32 s1, $0x0;
	_ =	strace $0x9000004A  }
0x43: {  	s0 =	sadd.s32 @!p0 $0x100000, s0;
	[bflag:$0x2] =	sbarrier.arrive $0xFFFF  }
0x44: {  	[sflag:s0] =	ssyncadd.tile.s32 @!p0 $0x1;
	_ =	shalt  }
.Lfunc_end2:
_tile_overlayer_lowered:
.L_overlay_start_2:
0x45: {  	(tag) =	ssettag $0x2  }
0x46: {  	s0 =	rddreg [dreg:$0x0];
	s2 =	stileid.u32  }
0x47: {  	s1 =	rddreg [dreg:$0x1];
	p0 =	sne.s32 s2, $0x0  }
0x48: {  	s3 =	rddreg [dreg:$0x2];
	[bflag:$0x3] =	sbarrier.arrive $0xFFFF;
	s2 =	simm.s32 @!p0 $0x1C01  }
0x49: {  	[timem:s3], [sflag:s2] =	dma.local @!p0 [hbm:s0], s1  }
0x4a: {  	s0 =	simm.s32 @!p0 $0x1  }
0x4b: {  	_ =	swait.ge @!p0 [sflag:s0], s1  }
0x4c: {  	s1 =	ssub.s32 @!p0 $0x0, s1;
	[sflag:s0] =	ssyncset.done @!p0 $0x0  }
0x4d: {  	[sflag:s0] =	ssyncadd.s32 @!p0 s1  }
0x4e: {  	[bflag:$0x3] =	sbarrier.arrive $0xFFFF  }
0x4f: {  	_ =	shalt  }

</sc_bundles>
